<compile_context>
chip_gen: v7x
topology: tpu7x:2x2x1
jax: 0.10.2.dev20260603
libtpu: 0.0.44.dev20260713+nightly
codegen_flags: <defaults>
</compile_context>

<pallas_src>
import jax
import jax.numpy as jnp
from jax import lax
from jax.experimental import pallas as pl
from jax.experimental.pallas import tpu as pltpu
from jax.experimental.pallas import tpu_sc as plsc

VOCAB = 100000
D = 32
NC, NS = 2, 16
NW = NC * NS
BATCH = 16384
HIST = 50
BW = BATCH // NW
NBT = BW // 128
NDT = D // 8
NSTEP = HIST * 4
TBLK = NDT * 8 * 128


def _body(xt_ref, w0, w1, w2, w3, o0, o1, o2, o3, xv, gbuf, tbuf, cvec, gsem, ssem):
    wid = lax.axis_index("s") * NC + lax.axis_index("c")
    tables = (w0, w1, w2, w3)
    outs = (o0, o1, o2, o3)
    b0 = wid * BW
    iota = lax.iota(jnp.int32, 16)

    for j in range(16):
        rot = (iota + j) & 15
        cvec[0, j, :] = rot
        cvec[1, j, :] = rot + 16
        cvec[2, j, :] = ((rot >> 3) << 12) + ((rot & 7) << 7) + iota

    def fire_gather(h, t, b):
        for k in range(4):
            @pl.when(t == k)
            def _():
                pltpu.async_copy(
                    tables[k].at[xv.at[h]], gbuf.at[pl.ds(b * BW, BW)], gsem
                )

    def wait_gather():
        pltpu.make_async_copy(
            w0.at[pl.ds(0, BW)], gbuf.at[pl.ds(0, BW)], gsem
        ).wait()

    def fire_stores(h, t, b):
        for k in range(4):
            @pl.when(t == k)
            def _():
                for dt in range(NDT):
                    pltpu.async_copy(
                        tbuf.at[pl.ds(b * 4 * TBLK + dt * TBLK, TBLK)],
                        outs[k].at[h].at[dt].at[pl.ds(wid * TBLK, TBLK)],
                        ssem,
                    )

    def wait_stores():
        for dt in range(NDT):
            pltpu.make_async_copy(
                tbuf.at[pl.ds(dt * TBLK, TBLK)],
                o0.at[0].at[0].at[pl.ds(0, TBLK)],
                ssem,
            ).wait()

    def transpose(b):
        for c in range(2):

            def m_body(m, carry):
                bt = m // 8
                kb = lax.rem(m, 8)
                rowvec = (b * BW + bt * 128 + kb * 16) + iota
                baseo = b * 16384 + c * 8192 + bt * 1024 + kb * 16
                for j in range(16):
                    col = cvec[c, j, :]
                    pos = cvec[2, j, :] + baseo
                    v = plsc.load_gather(gbuf, [rowvec, col])
                    plsc.store_scatter(tbuf, [pos], v)
                return carry

            lax.fori_loop(0, NBT * 8, m_body, 0)

    pltpu.sync_copy(xt_ref.at[:, pl.ds(b0, BW)], xv)
    fire_gather(0, 0, 0)

    def step(i, carry):
        h = i // 4
        t = lax.rem(i, 4)
        b = lax.rem(i, 2)
        ni = i + 1

        @pl.when(ni < NSTEP)
        def _():
            fire_gather(ni // 4, lax.rem(ni, 4), lax.rem(ni, 2))

        wait_gather()

        @pl.when(i >= 2)
        def _():
            wait_stores()

        transpose(b)
        fire_stores(h, t, b)
        return carry

    lax.fori_loop(0, NSTEP, step, 0)
    wait_stores()
    wait_stores()


@jax.jit
def _sc_gather(xt, W0, W1, W2, W3):
    f = pl.kernel(
        _body,
        out_type=[
            jax.ShapeDtypeStruct((HIST, NDT, (BATCH // 128) * 8 * 128), jnp.float32)
        ] * 4,
        mesh=plsc.VectorSubcoreMesh(core_axis_name="c", subcore_axis_name="s"),
        scratch_types=[
            pltpu.VMEM((HIST, BW), jnp.int32),
            pltpu.VMEM((2 * BW, D), jnp.float32),
            pltpu.VMEM((2 * 4 * TBLK,), jnp.float32),
            pltpu.VMEM((3, 16, 16), jnp.int32),
            pltpu.SemaphoreType.DMA,
            pltpu.SemaphoreType.DMA,
        ],
        compiler_params=pltpu.CompilerParams(
            use_tc_tiling_on_sc=False, needs_layout_passes=False
        ),
    )
    return f(xt, W0, W1, W2, W3)


def kernel(x, W0, W1, W2, W3):
    xt = x.T.astype(jnp.int32)
    outs = _sc_gather(xt, W0, W1, W2, W3)
    return tuple(
        o.reshape(HIST, NDT, BATCH // 128, 8, 128)
        .transpose(2, 4, 0, 1, 3)
        .reshape(BATCH, HIST, D)
        for o in outs
    )

# --- scband reference (transcript-rebuilt; emitter-appended) ---
"""Pipeline reference for scband-stacking-embedding-layer-15375982919758 (READ-ONLY COPY).

The authoritative reference and input builder live on the scoring server;
editing this copy changes nothing except your own understanding.
"""

import jax, jax.numpy as jnp
import numpy as np

VOCAB = 100000
EMBED_DIM = 32
N_TABLES = 4
BATCH = 16384
HIST = 50


def setup_inputs(seed: int = 0) -> dict:
    key = jax.random.key(seed)
    ks = jax.random.split(key, N_TABLES + 1)
    x = jax.random.randint(ks[0], (BATCH, HIST), 0, VOCAB, dtype=jnp.int64 if jax.config.jax_enable_x64 else jnp.int32)
    inp = {"x": x}
    for i in range(N_TABLES):
        inp[f"W{i}"] = jax.random.normal(ks[i + 1], (VOCAB, EMBED_DIM), dtype=jnp.float32) * 0.02
    return inp


def reference(x, W0, W1, W2, W3):
    # StackingEmbeddingLayer.forward: apply each embedding layer to the same
    # index tensor and collect the outputs in a list (returned here as a tuple).
    outputs = []
    for W in (W0, W1, W2, W3):
        em_output = jnp.take(W, x, axis=0)  # nn.Embedding lookup
        outputs.append(em_output)
    return tuple(outputs)

if __name__ == "__main__":
    import jax
    _d = setup_inputs()
    print(jax.jit(kernel)(*tuple(_d.values())))

</pallas_src>

<mosaic_0001>
#map = affine_map<(d0, d1) -> (0, 0)>
#map1 = affine_map<(d0, d1) -> (0, 0, 0)>
module attributes {stable_mosaic.version = 14 : i64} {
  func.func @_body(%arg0: i32, %arg1: i32, %arg2: memref<50x16384xi32, #tpu.memory_space<hbm>>, %arg3: memref<100000x32xf32, #tpu.memory_space<hbm>>, %arg4: memref<100000x32xf32, #tpu.memory_space<hbm>>, %arg5: memref<100000x32xf32, #tpu.memory_space<hbm>>, %arg6: memref<100000x32xf32, #tpu.memory_space<hbm>>, %arg7: memref<50x4x131072xf32, #tpu.memory_space<hbm>>, %arg8: memref<50x4x131072xf32, #tpu.memory_space<hbm>>, %arg9: memref<50x4x131072xf32, #tpu.memory_space<hbm>>, %arg10: memref<50x4x131072xf32, #tpu.memory_space<hbm>>, %arg11: memref<50x512xi32, #tpu.memory_space<vmem>>, %arg12: memref<1024x32xf32, #tpu.memory_space<vmem>>, %arg13: memref<32768xf32, #tpu.memory_space<vmem>>, %arg14: memref<3x16x16xi32, #tpu.memory_space<vmem>>, %arg15: memref<!tpu.dma_semaphore, #tpu.memory_space<semaphore_mem>>, %arg16: memref<!tpu.dma_semaphore, #tpu.memory_space<semaphore_mem>>) attributes {dimension_semantics = [#tpu.dimension_semantics<core_parallel>, #tpu.dimension_semantics<subcore_parallel>], iteration_bounds = array<i64: 2, 16>, scalar_prefetch = 0 : i64, scratch_operands = 6 : i64, tpu.core_type = #tpu.core_type<sc_vector_subcore>, window_params = [{transform_indices = #map}, {transform_indices = #map}, {transform_indices = #map}, {transform_indices = #map}, {transform_indices = #map}, {transform_indices = #map1}, {transform_indices = #map1}, {transform_indices = #map1}, {transform_indices = #map1}]} {
    %mul3A = arith.constant 2 : i32
    %mul3A_0 = arith.muli %arg1, %mul3A : i32
    %add3A = arith.addi %mul3A_0, %arg0 : i32
    %mul3A_1 = arith.constant 512 : i32
    %mul3A_2 = arith.muli %add3A, %mul3A_1 : i32
    %iota3A = tpu.iota {dimensions = array<i32: 0>} : vector<16xi32>
    %add3A_3 = arith.constant 0 : i32
    %add3A_4 = vector.broadcast %add3A_3 : i32 to vector<16xi32>
    %add3A_5 = arith.addi %iota3A, %add3A_4 : vector<16xi32>
    %and3A = arith.constant 15 : i32
    %and3A_6 = vector.broadcast %and3A : i32 to vector<16xi32>
    %and3A_7 = arith.andi %add3A_5, %and3A_6 : vector<16xi32>
    %swap3A = arith.constant 0 : i32
    %swap3A_8 = arith.constant 0 : i32
    %swap3A_9 = arith.index_cast %swap3A : i32 to index
    %swap3A_10 = arith.index_cast %swap3A_8 : i32 to index
    %swap3A_11 = arith.constant 0 : index
    %swap3A_12 = tpu.vector_load %arg14[%swap3A_9, %swap3A_10, %swap3A_11] {strides = array<i32>} : memref<3x16x16xi32, #tpu.memory_space<vmem>>, vector<16xi32>,
    tpu.vector_store %arg14[%swap3A_9, %swap3A_10, %swap3A_11], %and3A_7 {strides = array<i32>} : memref<3x16x16xi32, #tpu.memory_space<vmem>>, vector<16xi32>,
    %add3A_13 = arith.constant 16 : i32
    %add3A_14 = vector.broadcast %add3A_13 : i32 to vector<16xi32>
    %add3A_15 = arith.addi %and3A_7, %add3A_14 : vector<16xi32>
    %swap3A_16 = arith.constant 1 : i32
    %swap3A_17 = arith.constant 0 : i32
    %swap3A_18 = arith.index_cast %swap3A_16 : i32 to index
    %swap3A_19 = arith.index_cast %swap3A_17 : i32 to index
    %swap3A_20 = arith.constant 0 : index
    %swap3A_21 = tpu.vector_load %arg14[%swap3A_18, %swap3A_19, %swap3A_20] {strides = array<i32>} : memref<3x16x16xi32, #tpu.memory_space<vmem>>, vector<16xi32>,
    tpu.vector_store %arg14[%swap3A_18, %swap3A_19, %swap3A_20], %add3A_15 {strides = array<i32>} : memref<3x16x16xi32, #tpu.memory_space<vmem>>, vector<16xi32>,
    %shift_right_arithmetic3A = arith.constant 3 : i32
    %shift_right_arithmetic3A_22 = vector.broadcast %shift_right_arithmetic3A : i32 to vector<16xi32>
    %shift_right_arithmetic3A_23 = arith.shrsi %and3A_7, %shift_right_arithmetic3A_22 : vector<16xi32>
    %shift_left3A = arith.constant 12 : i32
    %shift_left3A_24 = vector.broadcast %shift_left3A : i32 to vector<16xi32>
    %shift_left3A_25 = arith.shli %shift_right_arithmetic3A_23, %shift_left3A_24 : vector<16xi32>
    %and3A_26 = arith.constant 7 : i32
    %and3A_27 = vector.broadcast %and3A_26 : i32 to vector<16xi32>
    %and3A_28 = arith.andi %and3A_7, %and3A_27 : vector<16xi32>
    %shift_left3A_29 = arith.constant 7 : i32
    %shift_left3A_30 = vector.broadcast %shift_left3A_29 : i32 to vector<16xi32>
    %shift_left3A_31 = arith.shli %and3A_28, %shift_left3A_30 : vector<16xi32>
    %add3A_32 = arith.addi %shift_left3A_25, %shift_left3A_31 : vector<16xi32>
    %add3A_33 = arith.addi %add3A_32, %iota3A : vector<16xi32>
    %swap3A_34 = arith.constant 2 : i32
    %swap3A_35 = arith.constant 0 : i32
    %swap3A_36 = arith.index_cast %swap3A_34 : i32 to index
    %swap3A_37 = arith.index_cast %swap3A_35 : i32 to index
    %swap3A_38 = arith.constant 0 : index
    %swap3A_39 = tpu.vector_load %arg14[%swap3A_36, %swap3A_37, %swap3A_38] {strides = array<i32>} : memref<3x16x16xi32, #tpu.memory_space<vmem>>, vector<16xi32>,
    tpu.vector_store %arg14[%swap3A_36, %swap3A_37, %swap3A_38], %add3A_33 {strides = array<i32>} : memref<3x16x16xi32, #tpu.memory_space<vmem>>, vector<16xi32>,
    %add3A_40 = arith.constant 1 : i32
    %add3A_41 = vector.broadcast %add3A_40 : i32 to vector<16xi32>
    %add3A_42 = arith.addi %iota3A, %add3A_41 : vector<16xi32>
    %and3A_43 = arith.constant 15 : i32
    %and3A_44 = vector.broadcast %and3A_43 : i32 to vector<16xi32>
    %and3A_45 = arith.andi %add3A_42, %and3A_44 : vector<16xi32>
    %swap3A_46 = arith.constant 0 : i32
    %swap3A_47 = arith.constant 1 : i32
    %swap3A_48 = arith.index_cast %swap3A_46 : i32 to index
    %swap3A_49 = arith.index_cast %swap3A_47 : i32 to index
    %swap3A_50 = arith.constant 0 : index
    %swap3A_51 = tpu.vector_load %arg14[%swap3A_48, %swap3A_49, %swap3A_50] {strides = array<i32>} : memref<3x16x16xi32, #tpu.memory_space<vmem>>, vector<16xi32>,
    tpu.vector_store %arg14[%swap3A_48, %swap3A_49, %swap3A_50], %and3A_45 {strides = array<i32>} : memref<3x16x16xi32, #tpu.memory_space<vmem>>, vector<16xi32>,
    %add3A_52 = arith.constant 16 : i32
    %add3A_53 = vector.broadcast %add3A_52 : i32 to vector<16xi32>
    %add3A_54 = arith.addi %and3A_45, %add3A_53 : vector<16xi32>
    %swap3A_55 = arith.constant 1 : i32
    %swap3A_56 = arith.constant 1 : i32
    %swap3A_57 = arith.index_cast %swap3A_55 : i32 to index
    %swap3A_58 = arith.index_cast %swap3A_56 : i32 to index
    %swap3A_59 = arith.constant 0 : index
    %swap3A_60 = tpu.vector_load %arg14[%swap3A_57, %swap3A_58, %swap3A_59] {strides = array<i32>} : memref<3x16x16xi32, #tpu.memory_space<vmem>>, vector<16xi32>,
    tpu.vector_store %arg14[%swap3A_57, %swap3A_58, %swap3A_59], %add3A_54 {strides = array<i32>} : memref<3x16x16xi32, #tpu.memory_space<vmem>>, vector<16xi32>,
    %shift_right_arithmetic3A_61 = arith.constant 3 : i32
    %shift_right_arithmetic3A_62 = vector.broadcast %shift_right_arithmetic3A_61 : i32 to vector<16xi32>
    %shift_right_arithmetic3A_63 = arith.shrsi %and3A_45, %shift_right_arithmetic3A_62 : vector<16xi32>
    %shift_left3A_64 = arith.constant 12 : i32
    %shift_left3A_65 = vector.broadcast %shift_left3A_64 : i32 to vector<16xi32>
    %shift_left3A_66 = arith.shli %shift_right_arithmetic3A_63, %shift_left3A_65 : vector<16xi32>
    %and3A_67 = arith.constant 7 : i32
    %and3A_68 = vector.broadcast %and3A_67 : i32 to vector<16xi32>
    %and3A_69 = arith.andi %and3A_45, %and3A_68 : vector<16xi32>
    %shift_left3A_70 = arith.constant 7 : i32
    %shift_left3A_71 = vector.broadcast %shift_left3A_70 : i32 to vector<16xi32>
    %shift_left3A_72 = arith.shli %and3A_69, %shift_left3A_71 : vector<16xi32>
    %add3A_73 = arith.addi %shift_left3A_66, %shift_left3A_72 : vector<16xi32>
    %add3A_74 = arith.addi %add3A_73, %iota3A : vector<16xi32>
    %swap3A_75 = arith.constant 2 : i32
    %swap3A_76 = arith.constant 1 : i32
    %swap3A_77 = arith.index_cast %swap3A_75 : i32 to index
    %swap3A_78 = arith.index_cast %swap3A_76 : i32 to index
    %swap3A_79 = arith.constant 0 : index
    %swap3A_80 = tpu.vector_load %arg14[%swap3A_77, %swap3A_78, %swap3A_79] {strides = array<i32>} : memref<3x16x16xi32, #tpu.memory_space<vmem>>, vector<16xi32>,
    tpu.vector_store %arg14[%swap3A_77, %swap3A_78, %swap3A_79], %add3A_74 {strides = array<i32>} : memref<3x16x16xi32, #tpu.memory_space<vmem>>, vector<16xi32>,
    %add3A_81 = arith.constant 2 : i32
    %add3A_82 = vector.broadcast %add3A_81 : i32 to vector<16xi32>
    %add3A_83 = arith.addi %iota3A, %add3A_82 : vector<16xi32>
    %and3A_84 = arith.constant 15 : i32
    %and3A_85 = vector.broadcast %and3A_84 : i32 to vector<16xi32>
    %and3A_86 = arith.andi %add3A_83, %and3A_85 : vector<16xi32>
    %swap3A_87 = arith.constant 0 : i32
    %swap3A_88 = arith.constant 2 : i32
    %swap3A_89 = arith.index_cast %swap3A_87 : i32 to index
    %swap3A_90 = arith.index_cast %swap3A_88 : i32 to index
    %swap3A_91 = arith.constant 0 : index
    %swap3A_92 = tpu.vector_load %arg14[%swap3A_89, %swap3A_90, %swap3A_91] {strides = array<i32>} : memref<3x16x16xi32, #tpu.memory_space<vmem>>, vector<16xi32>,
    tpu.vector_store %arg14[%swap3A_89, %swap3A_90, %swap3A_91], %and3A_86 {strides = array<i32>} : memref<3x16x16xi32, #tpu.memory_space<vmem>>, vector<16xi32>,
    %add3A_93 = arith.constant 16 : i32
    %add3A_94 = vector.broadcast %add3A_93 : i32 to vector<16xi32>
    %add3A_95 = arith.addi %and3A_86, %add3A_94 : vector<16xi32>
    %swap3A_96 = arith.constant 1 : i32
    %swap3A_97 = arith.constant 2 : i32
    %swap3A_98 = arith.index_cast %swap3A_96 : i32 to index
    %swap3A_99 = arith.index_cast %swap3A_97 : i32 to index
    %swap3A_100 = arith.constant 0 : index
    %swap3A_101 = tpu.vector_load %arg14[%swap3A_98, %swap3A_99, %swap3A_100] {strides = array<i32>} : memref<3x16x16xi32, #tpu.memory_space<vmem>>, vector<16xi32>,
    tpu.vector_store %arg14[%swap3A_98, %swap3A_99, %swap3A_100], %add3A_95 {strides = array<i32>} : memref<3x16x16xi32, #tpu.memory_space<vmem>>, vector<16xi32>,
    %shift_right_arithmetic3A_102 = arith.constant 3 : i32
    %shift_right_arithmetic3A_103 = vector.broadcast %shift_right_arithmetic3A_102 : i32 to vector<16xi32>
    %shift_right_arithmetic3A_104 = arith.shrsi %and3A_86, %shift_right_arithmetic3A_103 : vector<16xi32>
    %shift_left3A_105 = arith.constant 12 : i32
    %shift_left3A_106 = vector.broadcast %shift_left3A_105 : i32 to vector<16xi32>
    %shift_left3A_107 = arith.shli %shift_right_arithmetic3A_104, %shift_left3A_106 : vector<16xi32>
    %and3A_108 = arith.constant 7 : i32
    %and3A_109 = vector.broadcast %and3A_108 : i32 to vector<16xi32>
    %and3A_110 = arith.andi %and3A_86, %and3A_109 : vector<16xi32>
    %shift_left3A_111 = arith.constant 7 : i32
    %shift_left3A_112 = vector.broadcast %shift_left3A_111 : i32 to vector<16xi32>
    %shift_left3A_113 = arith.shli %and3A_110, %shift_left3A_112 : vector<16xi32>
    %add3A_114 = arith.addi %shift_left3A_107, %shift_left3A_113 : vector<16xi32>
    %add3A_115 = arith.addi %add3A_114, %iota3A : vector<16xi32>
    %swap3A_116 = arith.constant 2 : i32
    %swap3A_117 = arith.constant 2 : i32
    %swap3A_118 = arith.index_cast %swap3A_116 : i32 to index
    %swap3A_119 = arith.index_cast %swap3A_117 : i32 to index
    %swap3A_120 = arith.constant 0 : index
    %swap3A_121 = tpu.vector_load %arg14[%swap3A_118, %swap3A_119, %swap3A_120] {strides = array<i32>} : memref<3x16x16xi32, #tpu.memory_space<vmem>>, vector<16xi32>,
    tpu.vector_store %arg14[%swap3A_118, %swap3A_119, %swap3A_120], %add3A_115 {strides = array<i32>} : memref<3x16x16xi32, #tpu.memory_space<vmem>>, vector<16xi32>,
    %add3A_122 = arith.constant 3 : i32
    %add3A_123 = vector.broadcast %add3A_122 : i32 to vector<16xi32>
    %add3A_124 = arith.addi %iota3A, %add3A_123 : vector<16xi32>
    %and3A_125 = arith.constant 15 : i32
    %and3A_126 = vector.broadcast %and3A_125 : i32 to vector<16xi32>
    %and3A_127 = arith.andi %add3A_124, %and3A_126 : vector<16xi32>
    %swap3A_128 = arith.constant 0 : i32
    %swap3A_129 = arith.constant 3 : i32
    %swap3A_130 = arith.index_cast %swap3A_128 : i32 to index
    %swap3A_131 = arith.index_cast %swap3A_129 : i32 to index
    %swap3A_132 = arith.constant 0 : index
    %swap3A_133 = tpu.vector_load %arg14[%swap3A_130, %swap3A_131, %swap3A_132] {strides = array<i32>} : memref<3x16x16xi32, #tpu.memory_space<vmem>>, vector<16xi32>,
    tpu.vector_store %arg14[%swap3A_130, %swap3A_131, %swap3A_132], %and3A_127 {strides = array<i32>} : memref<3x16x16xi32, #tpu.memory_space<vmem>>, vector<16xi32>,
    %add3A_134 = arith.constant 16 : i32
    %add3A_135 = vector.broadcast %add3A_134 : i32 to vector<16xi32>
    %add3A_136 = arith.addi %and3A_127, %add3A_135 : vector<16xi32>
    %swap3A_137 = arith.constant 1 : i32
    %swap3A_138 = arith.constant 3 : i32
    %swap3A_139 = arith.index_cast %swap3A_137 : i32 to index
    %swap3A_140 = arith.index_cast %swap3A_138 : i32 to index
    %swap3A_141 = arith.constant 0 : index
    %swap3A_142 = tpu.vector_load %arg14[%swap3A_139, %swap3A_140, %swap3A_141] {strides = array<i32>} : memref<3x16x16xi32, #tpu.memory_space<vmem>>, vector<16xi32>,
    tpu.vector_store %arg14[%swap3A_139, %swap3A_140, %swap3A_141], %add3A_136 {strides = array<i32>} : memref<3x16x16xi32, #tpu.memory_space<vmem>>, vector<16xi32>,
    %shift_right_arithmetic3A_143 = arith.constant 3 : i32
    %shift_right_arithmetic3A_144 = vector.broadcast %shift_right_arithmetic3A_143 : i32 to vector<16xi32>
    %shift_right_arithmetic3A_145 = arith.shrsi %and3A_127, %shift_right_arithmetic3A_144 : vector<16xi32>
    %shift_left3A_146 = arith.constant 12 : i32
    %shift_left3A_147 = vector.broadcast %shift_left3A_146 : i32 to vector<16xi32>
    %shift_left3A_148 = arith.shli %shift_right_arithmetic3A_145, %shift_left3A_147 : vector<16xi32>
    %and3A_149 = arith.constant 7 : i32
    %and3A_150 = vector.broadcast %and3A_149 : i32 to vector<16xi32>
    %and3A_151 = arith.andi %and3A_127, %and3A_150 : vector<16xi32>
    %shift_left3A_152 = arith.constant 7 : i32
    %shift_left3A_153 = vector.broadcast %shift_left3A_152 : i32 to vector<16xi32>
    %shift_left3A_154 = arith.shli %and3A_151, %shift_left3A_153 : vector<16xi32>
    %add3A_155 = arith.addi %shift_left3A_148, %shift_left3A_154 : vector<16xi32>
    %add3A_156 = arith.addi %add3A_155, %iota3A : vector<16xi32>
    %swap3A_157 = arith.constant 2 : i32
    %swap3A_158 = arith.constant 3 : i32
    %swap3A_159 = arith.index_cast %swap3A_157 : i32 to index
    %swap3A_160 = arith.index_cast %swap3A_158 : i32 to index
    %swap3A_161 = arith.constant 0 : index
    %swap3A_162 = tpu.vector_load %arg14[%swap3A_159, %swap3A_160, %swap3A_161] {strides = array<i32>} : memref<3x16x16xi32, #tpu.memory_space<vmem>>, vector<16xi32>,
    tpu.vector_store %arg14[%swap3A_159, %swap3A_160, %swap3A_161], %add3A_156 {strides = array<i32>} : memref<3x16x16xi32, #tpu.memory_space<vmem>>, vector<16xi32>,
    %add3A_163 = arith.constant 4 : i32
    %add3A_164 = vector.broadcast %add3A_163 : i32 to vector<16xi32>
    %add3A_165 = arith.addi %iota3A, %add3A_164 : vector<16xi32>
    %and3A_166 = arith.constant 15 : i32
    %and3A_167 = vector.broadcast %and3A_166 : i32 to vector<16xi32>
    %and3A_168 = arith.andi %add3A_165, %and3A_167 : vector<16xi32>
    %swap3A_169 = arith.constant 0 : i32
    %swap3A_170 = arith.constant 4 : i32
    %swap3A_171 = arith.index_cast %swap3A_169 : i32 to index
    %swap3A_172 = arith.index_cast %swap3A_170 : i32 to index
    %swap3A_173 = arith.constant 0 : index
    %swap3A_174 = tpu.vector_load %arg14[%swap3A_171, %swap3A_172, %swap3A_173] {strides = array<i32>} : memref<3x16x16xi32, #tpu.memory_space<vmem>>, vector<16xi32>,
    tpu.vector_store %arg14[%swap3A_171, %swap3A_172, %swap3A_173], %and3A_168 {strides = array<i32>} : memref<3x16x16xi32, #tpu.memory_space<vmem>>, vector<16xi32>,
    %add3A_175 = arith.constant 16 : i32
    %add3A_176 = vector.broadcast %add3A_175 : i32 to vector<16xi32>
    %add3A_177 = arith.addi %and3A_168, %add3A_176 : vector<16xi32>
    %swap3A_178 = arith.constant 1 : i32
    %swap3A_179 = arith.constant 4 : i32
    %swap3A_180 = arith.index_cast %swap3A_178 : i32 to index
    %swap3A_181 = arith.index_cast %swap3A_179 : i32 to index
    %swap3A_182 = arith.constant 0 : index
    %swap3A_183 = tpu.vector_load %arg14[%swap3A_180, %swap3A_181, %swap3A_182] {strides = array<i32>} : memref<3x16x16xi32, #tpu.memory_space<vmem>>, vector<16xi32>,
    tpu.vector_store %arg14[%swap3A_180, %swap3A_181, %swap3A_182], %add3A_177 {strides = array<i32>} : memref<3x16x16xi32, #tpu.memory_space<vmem>>, vector<16xi32>,
    %shift_right_arithmetic3A_184 = arith.constant 3 : i32
    %shift_right_arithmetic3A_185 = vector.broadcast %shift_right_arithmetic3A_184 : i32 to vector<16xi32>
    %shift_right_arithmetic3A_186 = arith.shrsi %and3A_168, %shift_right_arithmetic3A_185 : vector<16xi32>
    %shift_left3A_187 = arith.constant 12 : i32
    %shift_left3A_188 = vector.broadcast %shift_left3A_187 : i32 to vector<16xi32>
    %shift_left3A_189 = arith.shli %shift_right_arithmetic3A_186, %shift_left3A_188 : vector<16xi32>
    %and3A_190 = arith.constant 7 : i32
    %and3A_191 = vector.broadcast %and3A_190 : i32 to vector<16xi32>
    %and3A_192 = arith.andi %and3A_168, %and3A_191 : vector<16xi32>
    %shift_left3A_193 = arith.constant 7 : i32
    %shift_left3A_194 = vector.broadcast %shift_left3A_193 : i32 to vector<16xi32>
    %shift_left3A_195 = arith.shli %and3A_192, %shift_left3A_194 : vector<16xi32>
    %add3A_196 = arith.addi %shift_left3A_189, %shift_left3A_195 : vector<16xi32>
    %add3A_197 = arith.addi %add3A_196, %iota3A : vector<16xi32>
    %swap3A_198 = arith.constant 2 : i32
    %swap3A_199 = arith.constant 4 : i32
    %swap3A_200 = arith.index_cast %swap3A_198 : i32 to index
    %swap3A_201 = arith.index_cast %swap3A_199 : i32 to index
    %swap3A_202 = arith.constant 0 : index
    %swap3A_203 = tpu.vector_load %arg14[%swap3A_200, %swap3A_201, %swap3A_202] {strides = array<i32>} : memref<3x16x16xi32, #tpu.memory_space<vmem>>, vector<16xi32>,
    tpu.vector_store %arg14[%swap3A_200, %swap3A_201, %swap3A_202], %add3A_197 {strides = array<i32>} : memref<3x16x16xi32, #tpu.memory_space<vmem>>, vector<16xi32>,
    %add3A_204 = arith.constant 5 : i32
    %add3A_205 = vector.broadcast %add3A_204 : i32 to vector<16xi32>
    %add3A_206 = arith.addi %iota3A, %add3A_205 : vector<16xi32>
    %and3A_207 = arith.constant 15 : i32
    %and3A_208 = vector.broadcast %and3A_207 : i32 to vector<16xi32>
    %and3A_209 = arith.andi %add3A_206, %and3A_208 : vector<16xi32>
    %swap3A_210 = arith.constant 0 : i32
    %swap3A_211 = arith.constant 5 : i32
    %swap3A_212 = arith.index_cast %swap3A_210 : i32 to index
    %swap3A_213 = arith.index_cast %swap3A_211 : i32 to index
    %swap3A_214 = arith.constant 0 : index
    %swap3A_215 = tpu.vector_load %arg14[%swap3A_212, %swap3A_213, %swap3A_214] {strides = array<i32>} : memref<3x16x16xi32, #tpu.memory_space<vmem>>, vector<16xi32>,
    tpu.vector_store %arg14[%swap3A_212, %swap3A_213, %swap3A_214], %and3A_209 {strides = array<i32>} : memref<3x16x16xi32, #tpu.memory_space<vmem>>, vector<16xi32>,
    %add3A_216 = arith.constant 16 : i32
    %add3A_217 = vector.broadcast %add3A_216 : i32 to vector<16xi32>
    %add3A_218 = arith.addi %and3A_209, %add3A_217 : vector<16xi32>
    %swap3A_219 = arith.constant 1 : i32
    %swap3A_220 = arith.constant 5 : i32
    %swap3A_221 = arith.index_cast %swap3A_219 : i32 to index
    %swap3A_222 = arith.index_cast %swap3A_220 : i32 to index
    %swap3A_223 = arith.constant 0 : index
    %swap3A_224 = tpu.vector_load %arg14[%swap3A_221, %swap3A_222, %swap3A_223] {strides = array<i32>} : memref<3x16x16xi32, #tpu.memory_space<vmem>>, vector<16xi32>,
    tpu.vector_store %arg14[%swap3A_221, %swap3A_222, %swap3A_223], %add3A_218 {strides = array<i32>} : memref<3x16x16xi32, #tpu.memory_space<vmem>>, vector<16xi32>,
    %shift_right_arithmetic3A_225 = arith.constant 3 : i32
    %shift_right_arithmetic3A_226 = vector.broadcast %shift_right_arithmetic3A_225 : i32 to vector<16xi32>
    %shift_right_arithmetic3A_227 = arith.shrsi %and3A_209, %shift_right_arithmetic3A_226 : vector<16xi32>
    %shift_left3A_228 = arith.constant 12 : i32
    %shift_left3A_229 = vector.broadcast %shift_left3A_228 : i32 to vector<16xi32>
    %shift_left3A_230 = arith.shli %shift_right_arithmetic3A_227, %shift_left3A_229 : vector<16xi32>
    %and3A_231 = arith.constant 7 : i32
    %and3A_232 = vector.broadcast %and3A_231 : i32 to vector<16xi32>
    %and3A_233 = arith.andi %and3A_209, %and3A_232 : vector<16xi32>
    %shift_left3A_234 = arith.constant 7 : i32
    %shift_left3A_235 = vector.broadcast %shift_left3A_234 : i32 to vector<16xi32>
    %shift_left3A_236 = arith.shli %and3A_233, %shift_left3A_235 : vector<16xi32>
    %add3A_237 = arith.addi %shift_left3A_230, %shift_left3A_236 : vector<16xi32>
    %add3A_238 = arith.addi %add3A_237, %iota3A : vector<16xi32>
    %swap3A_239 = arith.constant 2 : i32
    %swap3A_240 = arith.constant 5 : i32
    %swap3A_241 = arith.index_cast %swap3A_239 : i32 to index
    %swap3A_242 = arith.index_cast %swap3A_240 : i32 to index
    %swap3A_243 = arith.constant 0 : index
    %swap3A_244 = tpu.vector_load %arg14[%swap3A_241, %swap3A_242, %swap3A_243] {strides = array<i32>} : memref<3x16x16xi32, #tpu.memory_space<vmem>>, vector<16xi32>,
    tpu.vector_store %arg14[%swap3A_241, %swap3A_242, %swap3A_243], %add3A_238 {strides = array<i32>} : memref<3x16x16xi32, #tpu.memory_space<vmem>>, vector<16xi32>,
    %add3A_245 = arith.constant 6 : i32
    %add3A_246 = vector.broadcast %add3A_245 : i32 to vector<16xi32>
    %add3A_247 = arith.addi %iota3A, %add3A_246 : vector<16xi32>
    %and3A_248 = arith.constant 15 : i32
    %and3A_249 = vector.broadcast %and3A_248 : i32 to vector<16xi32>
    %and3A_250 = arith.andi %add3A_247, %and3A_249 : vector<16xi32>
    %swap3A_251 = arith.constant 0 : i32
    %swap3A_252 = arith.constant 6 : i32
    %swap3A_253 = arith.index_cast %swap3A_251 : i32 to index
    %swap3A_254 = arith.index_cast %swap3A_252 : i32 to index
    %swap3A_255 = arith.constant 0 : index
    %swap3A_256 = tpu.vector_load %arg14[%swap3A_253, %swap3A_254, %swap3A_255] {strides = array<i32>} : memref<3x16x16xi32, #tpu.memory_space<vmem>>, vector<16xi32>,
    tpu.vector_store %arg14[%swap3A_253, %swap3A_254, %swap3A_255], %and3A_250 {strides = array<i32>} : memref<3x16x16xi32, #tpu.memory_space<vmem>>, vector<16xi32>,
    %add3A_257 = arith.constant 16 : i32
    %add3A_258 = vector.broadcast %add3A_257 : i32 to vector<16xi32>
    %add3A_259 = arith.addi %and3A_250, %add3A_258 : vector<16xi32>
    %swap3A_260 = arith.constant 1 : i32
    %swap3A_261 = arith.constant 6 : i32
    %swap3A_262 = arith.index_cast %swap3A_260 : i32 to index
    %swap3A_263 = arith.index_cast %swap3A_261 : i32 to index
    %swap3A_264 = arith.constant 0 : index
    %swap3A_265 = tpu.vector_load %arg14[%swap3A_262, %swap3A_263, %swap3A_264] {strides = array<i32>} : memref<3x16x16xi32, #tpu.memory_space<vmem>>, vector<16xi32>,
    tpu.vector_store %arg14[%swap3A_262, %swap3A_263, %swap3A_264], %add3A_259 {strides = array<i32>} : memref<3x16x16xi32, #tpu.memory_space<vmem>>, vector<16xi32>,
    %shift_right_arithmetic3A_266 = arith.constant 3 : i32
    %shift_right_arithmetic3A_267 = vector.broadcast %shift_right_arithmetic3A_266 : i32 to vector<16xi32>
    %shift_right_arithmetic3A_268 = arith.shrsi %and3A_250, %shift_right_arithmetic3A_267 : vector<16xi32>
    %shift_left3A_269 = arith.constant 12 : i32
    %shift_left3A_270 = vector.broadcast %shift_left3A_269 : i32 to vector<16xi32>
    %shift_left3A_271 = arith.shli %shift_right_arithmetic3A_268, %shift_left3A_270 : vector<16xi32>
    %and3A_272 = arith.constant 7 : i32
    %and3A_273 = vector.broadcast %and3A_272 : i32 to vector<16xi32>
    %and3A_274 = arith.andi %and3A_250, %and3A_273 : vector<16xi32>
    %shift_left3A_275 = arith.constant 7 : i32
    %shift_left3A_276 = vector.broadcast %shift_left3A_275 : i32 to vector<16xi32>
    %shift_left3A_277 = arith.shli %and3A_274, %shift_left3A_276 : vector<16xi32>
    %add3A_278 = arith.addi %shift_left3A_271, %shift_left3A_277 : vector<16xi32>
    %add3A_279 = arith.addi %add3A_278, %iota3A : vector<16xi32>
    %swap3A_280 = arith.constant 2 : i32
    %swap3A_281 = arith.constant 6 : i32
    %swap3A_282 = arith.index_cast %swap3A_280 : i32 to index
    %swap3A_283 = arith.index_cast %swap3A_281 : i32 to index
    %swap3A_284 = arith.constant 0 : index
    %swap3A_285 = tpu.vector_load %arg14[%swap3A_282, %swap3A_283, %swap3A_284] {strides = array<i32>} : memref<3x16x16xi32, #tpu.memory_space<vmem>>, vector<16xi32>,
    tpu.vector_store %arg14[%swap3A_282, %swap3A_283, %swap3A_284], %add3A_279 {strides = array<i32>} : memref<3x16x16xi32, #tpu.memory_space<vmem>>, vector<16xi32>,
    %add3A_286 = arith.constant 7 : i32
    %add3A_287 = vector.broadcast %add3A_286 : i32 to vector<16xi32>
    %add3A_288 = arith.addi %iota3A, %add3A_287 : vector<16xi32>
    %and3A_289 = arith.constant 15 : i32
    %and3A_290 = vector.broadcast %and3A_289 : i32 to vector<16xi32>
    %and3A_291 = arith.andi %add3A_288, %and3A_290 : vector<16xi32>
    %swap3A_292 = arith.constant 0 : i32
    %swap3A_293 = arith.constant 7 : i32
    %swap3A_294 = arith.index_cast %swap3A_292 : i32 to index
    %swap3A_295 = arith.index_cast %swap3A_293 : i32 to index
    %swap3A_296 = arith.constant 0 : index
    %swap3A_297 = tpu.vector_load %arg14[%swap3A_294, %swap3A_295, %swap3A_296] {strides = array<i32>} : memref<3x16x16xi32, #tpu.memory_space<vmem>>, vector<16xi32>,
    tpu.vector_store %arg14[%swap3A_294, %swap3A_295, %swap3A_296], %and3A_291 {strides = array<i32>} : memref<3x16x16xi32, #tpu.memory_space<vmem>>, vector<16xi32>,
    %add3A_298 = arith.constant 16 : i32
    %add3A_299 = vector.broadcast %add3A_298 : i32 to vector<16xi32>
    %add3A_300 = arith.addi %and3A_291, %add3A_299 : vector<16xi32>
    %swap3A_301 = arith.constant 1 : i32
    %swap3A_302 = arith.constant 7 : i32
    %swap3A_303 = arith.index_cast %swap3A_301 : i32 to index
    %swap3A_304 = arith.index_cast %swap3A_302 : i32 to index
    %swap3A_305 = arith.constant 0 : index
    %swap3A_306 = tpu.vector_load %arg14[%swap3A_303, %swap3A_304, %swap3A_305] {strides = array<i32>} : memref<3x16x16xi32, #tpu.memory_space<vmem>>, vector<16xi32>,
    tpu.vector_store %arg14[%swap3A_303, %swap3A_304, %swap3A_305], %add3A_300 {strides = array<i32>} : memref<3x16x16xi32, #tpu.memory_space<vmem>>, vector<16xi32>,
    %shift_right_arithmetic3A_307 = arith.constant 3 : i32
    %shift_right_arithmetic3A_308 = vector.broadcast %shift_right_arithmetic3A_307 : i32 to vector<16xi32>
    %shift_right_arithmetic3A_309 = arith.shrsi %and3A_291, %shift_right_arithmetic3A_308 : vector<16xi32>
    %shift_left3A_310 = arith.constant 12 : i32
    %shift_left3A_311 = vector.broadcast %shift_left3A_310 : i32 to vector<16xi32>
    %shift_left3A_312 = arith.shli %shift_right_arithmetic3A_309, %shift_left3A_311 : vector<16xi32>
    %and3A_313 = arith.constant 7 : i32
    %and3A_314 = vector.broadcast %and3A_313 : i32 to vector<16xi32>
    %and3A_315 = arith.andi %and3A_291, %and3A_314 : vector<16xi32>
    %shift_left3A_316 = arith.constant 7 : i32
    %shift_left3A_317 = vector.broadcast %shift_left3A_316 : i32 to vector<16xi32>
    %shift_left3A_318 = arith.shli %and3A_315, %shift_left3A_317 : vector<16xi32>
    %add3A_319 = arith.addi %shift_left3A_312, %shift_left3A_318 : vector<16xi32>
    %add3A_320 = arith.addi %add3A_319, %iota3A : vector<16xi32>
    %swap3A_321 = arith.constant 2 : i32
    %swap3A_322 = arith.constant 7 : i32
    %swap3A_323 = arith.index_cast %swap3A_321 : i32 to index
    %swap3A_324 = arith.index_cast %swap3A_322 : i32 to index
    %swap3A_325 = arith.constant 0 : index
    %swap3A_326 = tpu.vector_load %arg14[%swap3A_323, %swap3A_324, %swap3A_325] {strides = array<i32>} : memref<3x16x16xi32, #tpu.memory_space<vmem>>, vector<16xi32>,
    tpu.vector_store %arg14[%swap3A_323, %swap3A_324, %swap3A_325], %add3A_320 {strides = array<i32>} : memref<3x16x16xi32, #tpu.memory_space<vmem>>, vector<16xi32>,
    %add3A_327 = arith.constant 8 : i32
    %add3A_328 = vector.broadcast %add3A_327 : i32 to vector<16xi32>
    %add3A_329 = arith.addi %iota3A, %add3A_328 : vector<16xi32>
    %and3A_330 = arith.constant 15 : i32
    %and3A_331 = vector.broadcast %and3A_330 : i32 to vector<16xi32>
    %and3A_332 = arith.andi %add3A_329, %and3A_331 : vector<16xi32>
    %swap3A_333 = arith.constant 0 : i32
    %swap3A_334 = arith.constant 8 : i32
    %swap3A_335 = arith.index_cast %swap3A_333 : i32 to index
    %swap3A_336 = arith.index_cast %swap3A_334 : i32 to index
    %swap3A_337 = arith.constant 0 : index
    %swap3A_338 = tpu.vector_load %arg14[%swap3A_335, %swap3A_336, %swap3A_337] {strides = array<i32>} : memref<3x16x16xi32, #tpu.memory_space<vmem>>, vector<16xi32>,
    tpu.vector_store %arg14[%swap3A_335, %swap3A_336, %swap3A_337], %and3A_332 {strides = array<i32>} : memref<3x16x16xi32, #tpu.memory_space<vmem>>, vector<16xi32>,
    %add3A_339 = arith.constant 16 : i32
    %add3A_340 = vector.broadcast %add3A_339 : i32 to vector<16xi32>
    %add3A_341 = arith.addi %and3A_332, %add3A_340 : vector<16xi32>
    %swap3A_342 = arith.constant 1 : i32
    %swap3A_343 = arith.constant 8 : i32
    %swap3A_344 = arith.index_cast %swap3A_342 : i32 to index
    %swap3A_345 = arith.index_cast %swap3A_343 : i32 to index
    %swap3A_346 = arith.constant 0 : index
    %swap3A_347 = tpu.vector_load %arg14[%swap3A_344, %swap3A_345, %swap3A_346] {strides = array<i32>} : memref<3x16x16xi32, #tpu.memory_space<vmem>>, vector<16xi32>,
    tpu.vector_store %arg14[%swap3A_344, %swap3A_345, %swap3A_346], %add3A_341 {strides = array<i32>} : memref<3x16x16xi32, #tpu.memory_space<vmem>>, vector<16xi32>,
    %shift_right_arithmetic3A_348 = arith.constant 3 : i32
    %shift_right_arithmetic3A_349 = vector.broadcast %shift_right_arithmetic3A_348 : i32 to vector<16xi32>
    %shift_right_arithmetic3A_350 = arith.shrsi %and3A_332, %shift_right_arithmetic3A_349 : vector<16xi32>
    %shift_left3A_351 = arith.constant 12 : i32
    %shift_left3A_352 = vector.broadcast %shift_left3A_351 : i32 to vector<16xi32>
    %shift_left3A_353 = arith.shli %shift_right_arithmetic3A_350, %shift_left3A_352 : vector<16xi32>
    %and3A_354 = arith.constant 7 : i32
    %and3A_355 = vector.broadcast %and3A_354 : i32 to vector<16xi32>
    %and3A_356 = arith.andi %and3A_332, %and3A_355 : vector<16xi32>
    %shift_left3A_357 = arith.constant 7 : i32
    %shift_left3A_358 = vector.broadcast %shift_left3A_357 : i32 to vector<16xi32>
    %shift_left3A_359 = arith.shli %and3A_356, %shift_left3A_358 : vector<16xi32>
    %add3A_360 = arith.addi %shift_left3A_353, %shift_left3A_359 : vector<16xi32>
    %add3A_361 = arith.addi %add3A_360, %iota3A : vector<16xi32>
    %swap3A_362 = arith.constant 2 : i32
    %swap3A_363 = arith.constant 8 : i32
    %swap3A_364 = arith.index_cast %swap3A_362 : i32 to index
    %swap3A_365 = arith.index_cast %swap3A_363 : i32 to index
    %swap3A_366 = arith.constant 0 : index
    %swap3A_367 = tpu.vector_load %arg14[%swap3A_364, %swap3A_365, %swap3A_366] {strides = array<i32>} : memref<3x16x16xi32, #tpu.memory_space<vmem>>, vector<16xi32>,
    tpu.vector_store %arg14[%swap3A_364, %swap3A_365, %swap3A_366], %add3A_361 {strides = array<i32>} : memref<3x16x16xi32, #tpu.memory_space<vmem>>, vector<16xi32>,
    %add3A_368 = arith.constant 9 : i32
    %add3A_369 = vector.broadcast %add3A_368 : i32 to vector<16xi32>
    %add3A_370 = arith.addi %iota3A, %add3A_369 : vector<16xi32>
    %and3A_371 = arith.constant 15 : i32
    %and3A_372 = vector.broadcast %and3A_371 : i32 to vector<16xi32>
    %and3A_373 = arith.andi %add3A_370, %and3A_372 : vector<16xi32>
    %swap3A_374 = arith.constant 0 : i32
    %swap3A_375 = arith.constant 9 : i32
    %swap3A_376 = arith.index_cast %swap3A_374 : i32 to index
    %swap3A_377 = arith.index_cast %swap3A_375 : i32 to index
    %swap3A_378 = arith.constant 0 : index
    %swap3A_379 = tpu.vector_load %arg14[%swap3A_376, %swap3A_377, %swap3A_378] {strides = array<i32>} : memref<3x16x16xi32, #tpu.memory_space<vmem>>, vector<16xi32>,
    tpu.vector_store %arg14[%swap3A_376, %swap3A_377, %swap3A_378], %and3A_373 {strides = array<i32>} : memref<3x16x16xi32, #tpu.memory_space<vmem>>, vector<16xi32>,
    %add3A_380 = arith.constant 16 : i32
    %add3A_381 = vector.broadcast %add3A_380 : i32 to vector<16xi32>
    %add3A_382 = arith.addi %and3A_373, %add3A_381 : vector<16xi32>
    %swap3A_383 = arith.constant 1 : i32
    %swap3A_384 = arith.constant 9 : i32
    %swap3A_385 = arith.index_cast %swap3A_383 : i32 to index
    %swap3A_386 = arith.index_cast %swap3A_384 : i32 to index
    %swap3A_387 = arith.constant 0 : index
    %swap3A_388 = tpu.vector_load %arg14[%swap3A_385, %swap3A_386, %swap3A_387] {strides = array<i32>} : memref<3x16x16xi32, #tpu.memory_space<vmem>>, vector<16xi32>,
    tpu.vector_store %arg14[%swap3A_385, %swap3A_386, %swap3A_387], %add3A_382 {strides = array<i32>} : memref<3x16x16xi32, #tpu.memory_space<vmem>>, vector<16xi32>,
    %shift_right_arithmetic3A_389 = arith.constant 3 : i32
    %shift_right_arithmetic3A_390 = vector.broadcast %shift_right_arithmetic3A_389 : i32 to vector<16xi32>
    %shift_right_arithmetic3A_391 = arith.shrsi %and3A_373, %shift_right_arithmetic3A_390 : vector<16xi32>
    %shift_left3A_392 = arith.constant 12 : i32
    %shift_left3A_393 = vector.broadcast %shift_left3A_392 : i32 to vector<16xi32>
    %shift_left3A_394 = arith.shli %shift_right_arithmetic3A_391, %shift_left3A_393 : vector<16xi32>
    %and3A_395 = arith.constant 7 : i32
    %and3A_396 = vector.broadcast %and3A_395 : i32 to vector<16xi32>
    %and3A_397 = arith.andi %and3A_373, %and3A_396 : vector<16xi32>
    %shift_left3A_398 = arith.constant 7 : i32
    %shift_left3A_399 = vector.broadcast %shift_left3A_398 : i32 to vector<16xi32>
    %shift_left3A_400 = arith.shli %and3A_397, %shift_left3A_399 : vector<16xi32>
    %add3A_401 = arith.addi %shift_left3A_394, %shift_left3A_400 : vector<16xi32>
    %add3A_402 = arith.addi %add3A_401, %iota3A : vector<16xi32>
    %swap3A_403 = arith.constant 2 : i32
    %swap3A_404 = arith.constant 9 : i32
    %swap3A_405 = arith.index_cast %swap3A_403 : i32 to index
    %swap3A_406 = arith.index_cast %swap3A_404 : i32 to index
    %swap3A_407 = arith.constant 0 : index
    %swap3A_408 = tpu.vector_load %arg14[%swap3A_405, %swap3A_406, %swap3A_407] {strides = array<i32>} : memref<3x16x16xi32, #tpu.memory_space<vmem>>, vector<16xi32>,
    tpu.vector_store %arg14[%swap3A_405, %swap3A_406, %swap3A_407], %add3A_402 {strides = array<i32>} : memref<3x16x16xi32, #tpu.memory_space<vmem>>, vector<16xi32>,
    %add3A_409 = arith.constant 10 : i32
    %add3A_410 = vector.broadcast %add3A_409 : i32 to vector<16xi32>
    %add3A_411 = arith.addi %iota3A, %add3A_410 : vector<16xi32>
    %and3A_412 = arith.constant 15 : i32
    %and3A_413 = vector.broadcast %and3A_412 : i32 to vector<16xi32>
    %and3A_414 = arith.andi %add3A_411, %and3A_413 : vector<16xi32>
    %swap3A_415 = arith.constant 0 : i32
    %swap3A_416 = arith.constant 10 : i32
    %swap3A_417 = arith.index_cast %swap3A_415 : i32 to index
    %swap3A_418 = arith.index_cast %swap3A_416 : i32 to index
    %swap3A_419 = arith.constant 0 : index
    %swap3A_420 = tpu.vector_load %arg14[%swap3A_417, %swap3A_418, %swap3A_419] {strides = array<i32>} : memref<3x16x16xi32, #tpu.memory_space<vmem>>, vector<16xi32>,
    tpu.vector_store %arg14[%swap3A_417, %swap3A_418, %swap3A_419], %and3A_414 {strides = array<i32>} : memref<3x16x16xi32, #tpu.memory_space<vmem>>, vector<16xi32>,
    %add3A_421 = arith.constant 16 : i32
    %add3A_422 = vector.broadcast %add3A_421 : i32 to vector<16xi32>
    %add3A_423 = arith.addi %and3A_414, %add3A_422 : vector<16xi32>
    %swap3A_424 = arith.constant 1 : i32
    %swap3A_425 = arith.constant 10 : i32
    %swap3A_426 = arith.index_cast %swap3A_424 : i32 to index
    %swap3A_427 = arith.index_cast %swap3A_425 : i32 to index
    %swap3A_428 = arith.constant 0 : index
    %swap3A_429 = tpu.vector_load %arg14[%swap3A_426, %swap3A_427, %swap3A_428] {strides = array<i32>} : memref<3x16x16xi32, #tpu.memory_space<vmem>>, vector<16xi32>,
    tpu.vector_store %arg14[%swap3A_426, %swap3A_427, %swap3A_428], %add3A_423 {strides = array<i32>} : memref<3x16x16xi32, #tpu.memory_space<vmem>>, vector<16xi32>,
    %shift_right_arithmetic3A_430 = arith.constant 3 : i32
    %shift_right_arithmetic3A_431 = vector.broadcast %shift_right_arithmetic3A_430 : i32 to vector<16xi32>
    %shift_right_arithmetic3A_432 = arith.shrsi %and3A_414, %shift_right_arithmetic3A_431 : vector<16xi32>
    %shift_left3A_433 = arith.constant 12 : i32
    %shift_left3A_434 = vector.broadcast %shift_left3A_433 : i32 to vector<16xi32>
    %shift_left3A_435 = arith.shli %shift_right_arithmetic3A_432, %shift_left3A_434 : vector<16xi32>
    %and3A_436 = arith.constant 7 : i32
    %and3A_437 = vector.broadcast %and3A_436 : i32 to vector<16xi32>
    %and3A_438 = arith.andi %and3A_414, %and3A_437 : vector<16xi32>
    %shift_left3A_439 = arith.constant 7 : i32
    %shift_left3A_440 = vector.broadcast %shift_left3A_439 : i32 to vector<16xi32>
    %shift_left3A_441 = arith.shli %and3A_438, %shift_left3A_440 : vector<16xi32>
    %add3A_442 = arith.addi %shift_left3A_435, %shift_left3A_441 : vector<16xi32>
    %add3A_443 = arith.addi %add3A_442, %iota3A : vector<16xi32>
    %swap3A_444 = arith.constant 2 : i32
    %swap3A_445 = arith.constant 10 : i32
    %swap3A_446 = arith.index_cast %swap3A_444 : i32 to index
    %swap3A_447 = arith.index_cast %swap3A_445 : i32 to index
    %swap3A_448 = arith.constant 0 : index
    %swap3A_449 = tpu.vector_load %arg14[%swap3A_446, %swap3A_447, %swap3A_448] {strides = array<i32>} : memref<3x16x16xi32, #tpu.memory_space<vmem>>, vector<16xi32>,
    tpu.vector_store %arg14[%swap3A_446, %swap3A_447, %swap3A_448], %add3A_443 {strides = array<i32>} : memref<3x16x16xi32, #tpu.memory_space<vmem>>, vector<16xi32>,
    %add3A_450 = arith.constant 11 : i32
    %add3A_451 = vector.broadcast %add3A_450 : i32 to vector<16xi32>
    %add3A_452 = arith.addi %iota3A, %add3A_451 : vector<16xi32>
    %and3A_453 = arith.constant 15 : i32
    %and3A_454 = vector.broadcast %and3A_453 : i32 to vector<16xi32>
    %and3A_455 = arith.andi %add3A_452, %and3A_454 : vector<16xi32>
    %swap3A_456 = arith.constant 0 : i32
    %swap3A_457 = arith.constant 11 : i32
    %swap3A_458 = arith.index_cast %swap3A_456 : i32 to index
    %swap3A_459 = arith.index_cast %swap3A_457 : i32 to index
    %swap3A_460 = arith.constant 0 : index
    %swap3A_461 = tpu.vector_load %arg14[%swap3A_458, %swap3A_459, %swap3A_460] {strides = array<i32>} : memref<3x16x16xi32, #tpu.memory_space<vmem>>, vector<16xi32>,
    tpu.vector_store %arg14[%swap3A_458, %swap3A_459, %swap3A_460], %and3A_455 {strides = array<i32>} : memref<3x16x16xi32, #tpu.memory_space<vmem>>, vector<16xi32>,
    %add3A_462 = arith.constant 16 : i32
    %add3A_463 = vector.broadcast %add3A_462 : i32 to vector<16xi32>
    %add3A_464 = arith.addi %and3A_455, %add3A_463 : vector<16xi32>
    %swap3A_465 = arith.constant 1 : i32
    %swap3A_466 = arith.constant 11 : i32
    %swap3A_467 = arith.index_cast %swap3A_465 : i32 to index
    %swap3A_468 = arith.index_cast %swap3A_466 : i32 to index
    %swap3A_469 = arith.constant 0 : index
    %swap3A_470 = tpu.vector_load %arg14[%swap3A_467, %swap3A_468, %swap3A_469] {strides = array<i32>} : memref<3x16x16xi32, #tpu.memory_space<vmem>>, vector<16xi32>,
    tpu.vector_store %arg14[%swap3A_467, %swap3A_468, %swap3A_469], %add3A_464 {strides = array<i32>} : memref<3x16x16xi32, #tpu.memory_space<vmem>>, vector<16xi32>,
    %shift_right_arithmetic3A_471 = arith.constant 3 : i32
    %shift_right_arithmetic3A_472 = vector.broadcast %shift_right_arithmetic3A_471 : i32 to vector<16xi32>
    %shift_right_arithmetic3A_473 = arith.shrsi %and3A_455, %shift_right_arithmetic3A_472 : vector<16xi32>
    %shift_left3A_474 = arith.constant 12 : i32
    %shift_left3A_475 = vector.broadcast %shift_left3A_474 : i32 to vector<16xi32>
    %shift_left3A_476 = arith.shli %shift_right_arithmetic3A_473, %shift_left3A_475 : vector<16xi32>
    %and3A_477 = arith.constant 7 : i32
    %and3A_478 = vector.broadcast %and3A_477 : i32 to vector<16xi32>
    %and3A_479 = arith.andi %and3A_455, %and3A_478 : vector<16xi32>
    %shift_left3A_480 = arith.constant 7 : i32
    %shift_left3A_481 = vector.broadcast %shift_left3A_480 : i32 to vector<16xi32>
    %shift_left3A_482 = arith.shli %and3A_479, %shift_left3A_481 : vector<16xi32>
    %add3A_483 = arith.addi %shift_left3A_476, %shift_left3A_482 : vector<16xi32>
    %add3A_484 = arith.addi %add3A_483, %iota3A : vector<16xi32>
    %swap3A_485 = arith.constant 2 : i32
    %swap3A_486 = arith.constant 11 : i32
    %swap3A_487 = arith.index_cast %swap3A_485 : i32 to index
    %swap3A_488 = arith.index_cast %swap3A_486 : i32 to index
    %swap3A_489 = arith.constant 0 : index
    %swap3A_490 = tpu.vector_load %arg14[%swap3A_487, %swap3A_488, %swap3A_489] {strides = array<i32>} : memref<3x16x16xi32, #tpu.memory_space<vmem>>, vector<16xi32>,
    tpu.vector_store %arg14[%swap3A_487, %swap3A_488, %swap3A_489], %add3A_484 {strides = array<i32>} : memref<3x16x16xi32, #tpu.memory_space<vmem>>, vector<16xi32>,
    %add3A_491 = arith.constant 12 : i32
    %add3A_492 = vector.broadcast %add3A_491 : i32 to vector<16xi32>
    %add3A_493 = arith.addi %iota3A, %add3A_492 : vector<16xi32>
    %and3A_494 = arith.constant 15 : i32
    %and3A_495 = vector.broadcast %and3A_494 : i32 to vector<16xi32>
    %and3A_496 = arith.andi %add3A_493, %and3A_495 : vector<16xi32>
    %swap3A_497 = arith.constant 0 : i32
    %swap3A_498 = arith.constant 12 : i32
    %swap3A_499 = arith.index_cast %swap3A_497 : i32 to index
    %swap3A_500 = arith.index_cast %swap3A_498 : i32 to index
    %swap3A_501 = arith.constant 0 : index
    %swap3A_502 = tpu.vector_load %arg14[%swap3A_499, %swap3A_500, %swap3A_501] {strides = array<i32>} : memref<3x16x16xi32, #tpu.memory_space<vmem>>, vector<16xi32>,
    tpu.vector_store %arg14[%swap3A_499, %swap3A_500, %swap3A_501], %and3A_496 {strides = array<i32>} : memref<3x16x16xi32, #tpu.memory_space<vmem>>, vector<16xi32>,
    %add3A_503 = arith.constant 16 : i32
    %add3A_504 = vector.broadcast %add3A_503 : i32 to vector<16xi32>
    %add3A_505 = arith.addi %and3A_496, %add3A_504 : vector<16xi32>
    %swap3A_506 = arith.constant 1 : i32
    %swap3A_507 = arith.constant 12 : i32
    %swap3A_508 = arith.index_cast %swap3A_506 : i32 to index
    %swap3A_509 = arith.index_cast %swap3A_507 : i32 to index
    %swap3A_510 = arith.constant 0 : index
    %swap3A_511 = tpu.vector_load %arg14[%swap3A_508, %swap3A_509, %swap3A_510] {strides = array<i32>} : memref<3x16x16xi32, #tpu.memory_space<vmem>>, vector<16xi32>,
    tpu.vector_store %arg14[%swap3A_508, %swap3A_509, %swap3A_510], %add3A_505 {strides = array<i32>} : memref<3x16x16xi32, #tpu.memory_space<vmem>>, vector<16xi32>,
    %shift_right_arithmetic3A_512 = arith.constant 3 : i32
    %shift_right_arithmetic3A_513 = vector.broadcast %shift_right_arithmetic3A_512 : i32 to vector<16xi32>
    %shift_right_arithmetic3A_514 = arith.shrsi %and3A_496, %shift_right_arithmetic3A_513 : vector<16xi32>
    %shift_left3A_515 = arith.constant 12 : i32
    %shift_left3A_516 = vector.broadcast %shift_left3A_515 : i32 to vector<16xi32>
    %shift_left3A_517 = arith.shli %shift_right_arithmetic3A_514, %shift_left3A_516 : vector<16xi32>
    %and3A_518 = arith.constant 7 : i32
    %and3A_519 = vector.broadcast %and3A_518 : i32 to vector<16xi32>
    %and3A_520 = arith.andi %and3A_496, %and3A_519 : vector<16xi32>
    %shift_left3A_521 = arith.constant 7 : i32
    %shift_left3A_522 = vector.broadcast %shift_left3A_521 : i32 to vector<16xi32>
    %shift_left3A_523 = arith.shli %and3A_520, %shift_left3A_522 : vector<16xi32>
    %add3A_524 = arith.addi %shift_left3A_517, %shift_left3A_523 : vector<16xi32>
    %add3A_525 = arith.addi %add3A_524, %iota3A : vector<16xi32>
    %swap3A_526 = arith.constant 2 : i32
    %swap3A_527 = arith.constant 12 : i32
    %swap3A_528 = arith.index_cast %swap3A_526 : i32 to index
    %swap3A_529 = arith.index_cast %swap3A_527 : i32 to index
    %swap3A_530 = arith.constant 0 : index
    %swap3A_531 = tpu.vector_load %arg14[%swap3A_528, %swap3A_529, %swap3A_530] {strides = array<i32>} : memref<3x16x16xi32, #tpu.memory_space<vmem>>, vector<16xi32>,
    tpu.vector_store %arg14[%swap3A_528, %swap3A_529, %swap3A_530], %add3A_525 {strides = array<i32>} : memref<3x16x16xi32, #tpu.memory_space<vmem>>, vector<16xi32>,
    %add3A_532 = arith.constant 13 : i32
    %add3A_533 = vector.broadcast %add3A_532 : i32 to vector<16xi32>
    %add3A_534 = arith.addi %iota3A, %add3A_533 : vector<16xi32>
    %and3A_535 = arith.constant 15 : i32
    %and3A_536 = vector.broadcast %and3A_535 : i32 to vector<16xi32>
    %and3A_537 = arith.andi %add3A_534, %and3A_536 : vector<16xi32>
    %swap3A_538 = arith.constant 0 : i32
    %swap3A_539 = arith.constant 13 : i32
    %swap3A_540 = arith.index_cast %swap3A_538 : i32 to index
    %swap3A_541 = arith.index_cast %swap3A_539 : i32 to index
    %swap3A_542 = arith.constant 0 : index
    %swap3A_543 = tpu.vector_load %arg14[%swap3A_540, %swap3A_541, %swap3A_542] {strides = array<i32>} : memref<3x16x16xi32, #tpu.memory_space<vmem>>, vector<16xi32>,
    tpu.vector_store %arg14[%swap3A_540, %swap3A_541, %swap3A_542], %and3A_537 {strides = array<i32>} : memref<3x16x16xi32, #tpu.memory_space<vmem>>, vector<16xi32>,
    %add3A_544 = arith.constant 16 : i32
    %add3A_545 = vector.broadcast %add3A_544 : i32 to vector<16xi32>
    %add3A_546 = arith.addi %and3A_537, %add3A_545 : vector<16xi32>
    %swap3A_547 = arith.constant 1 : i32
    %swap3A_548 = arith.constant 13 : i32
    %swap3A_549 = arith.index_cast %swap3A_547 : i32 to index
    %swap3A_550 = arith.index_cast %swap3A_548 : i32 to index
    %swap3A_551 = arith.constant 0 : index
    %swap3A_552 = tpu.vector_load %arg14[%swap3A_549, %swap3A_550, %swap3A_551] {strides = array<i32>} : memref<3x16x16xi32, #tpu.memory_space<vmem>>, vector<16xi32>,
    tpu.vector_store %arg14[%swap3A_549, %swap3A_550, %swap3A_551], %add3A_546 {strides = array<i32>} : memref<3x16x16xi32, #tpu.memory_space<vmem>>, vector<16xi32>,
    %shift_right_arithmetic3A_553 = arith.constant 3 : i32
    %shift_right_arithmetic3A_554 = vector.broadcast %shift_right_arithmetic3A_553 : i32 to vector<16xi32>
    %shift_right_arithmetic3A_555 = arith.shrsi %and3A_537, %shift_right_arithmetic3A_554 : vector<16xi32>
    %shift_left3A_556 = arith.constant 12 : i32
    %shift_left3A_557 = vector.broadcast %shift_left3A_556 : i32 to vector<16xi32>
    %shift_left3A_558 = arith.shli %shift_right_arithmetic3A_555, %shift_left3A_557 : vector<16xi32>
    %and3A_559 = arith.constant 7 : i32
    %and3A_560 = vector.broadcast %and3A_559 : i32 to vector<16xi32>
    %and3A_561 = arith.andi %and3A_537, %and3A_560 : vector<16xi32>
    %shift_left3A_562 = arith.constant 7 : i32
    %shift_left3A_563 = vector.broadcast %shift_left3A_562 : i32 to vector<16xi32>
    %shift_left3A_564 = arith.shli %and3A_561, %shift_left3A_563 : vector<16xi32>
    %add3A_565 = arith.addi %shift_left3A_558, %shift_left3A_564 : vector<16xi32>
    %add3A_566 = arith.addi %add3A_565, %iota3A : vector<16xi32>
    %swap3A_567 = arith.constant 2 : i32
    %swap3A_568 = arith.constant 13 : i32
    %swap3A_569 = arith.index_cast %swap3A_567 : i32 to index
    %swap3A_570 = arith.index_cast %swap3A_568 : i32 to index
    %swap3A_571 = arith.constant 0 : index
    %swap3A_572 = tpu.vector_load %arg14[%swap3A_569, %swap3A_570, %swap3A_571] {strides = array<i32>} : memref<3x16x16xi32, #tpu.memory_space<vmem>>, vector<16xi32>,
    tpu.vector_store %arg14[%swap3A_569, %swap3A_570, %swap3A_571], %add3A_566 {strides = array<i32>} : memref<3x16x16xi32, #tpu.memory_space<vmem>>, vector<16xi32>,
    %add3A_573 = arith.constant 14 : i32
    %add3A_574 = vector.broadcast %add3A_573 : i32 to vector<16xi32>
    %add3A_575 = arith.addi %iota3A, %add3A_574 : vector<16xi32>
    %and3A_576 = arith.constant 15 : i32
    %and3A_577 = vector.broadcast %and3A_576 : i32 to vector<16xi32>
    %and3A_578 = arith.andi %add3A_575, %and3A_577 : vector<16xi32>
    %swap3A_579 = arith.constant 0 : i32
    %swap3A_580 = arith.constant 14 : i32
    %swap3A_581 = arith.index_cast %swap3A_579 : i32 to index
    %swap3A_582 = arith.index_cast %swap3A_580 : i32 to index
    %swap3A_583 = arith.constant 0 : index
    %swap3A_584 = tpu.vector_load %arg14[%swap3A_581, %swap3A_582, %swap3A_583] {strides = array<i32>} : memref<3x16x16xi32, #tpu.memory_space<vmem>>, vector<16xi32>,
    tpu.vector_store %arg14[%swap3A_581, %swap3A_582, %swap3A_583], %and3A_578 {strides = array<i32>} : memref<3x16x16xi32, #tpu.memory_space<vmem>>, vector<16xi32>,
    %add3A_585 = arith.constant 16 : i32
    %add3A_586 = vector.broadcast %add3A_585 : i32 to vector<16xi32>
    %add3A_587 = arith.addi %and3A_578, %add3A_586 : vector<16xi32>
    %swap3A_588 = arith.constant 1 : i32
    %swap3A_589 = arith.constant 14 : i32
    %swap3A_590 = arith.index_cast %swap3A_588 : i32 to index
    %swap3A_591 = arith.index_cast %swap3A_589 : i32 to index
    %swap3A_592 = arith.constant 0 : index
    %swap3A_593 = tpu.vector_load %arg14[%swap3A_590, %swap3A_591, %swap3A_592] {strides = array<i32>} : memref<3x16x16xi32, #tpu.memory_space<vmem>>, vector<16xi32>,
    tpu.vector_store %arg14[%swap3A_590, %swap3A_591, %swap3A_592], %add3A_587 {strides = array<i32>} : memref<3x16x16xi32, #tpu.memory_space<vmem>>, vector<16xi32>,
    %shift_right_arithmetic3A_594 = arith.constant 3 : i32
    %shift_right_arithmetic3A_595 = vector.broadcast %shift_right_arithmetic3A_594 : i32 to vector<16xi32>
    %shift_right_arithmetic3A_596 = arith.shrsi %and3A_578, %shift_right_arithmetic3A_595 : vector<16xi32>
    %shift_left3A_597 = arith.constant 12 : i32
    %shift_left3A_598 = vector.broadcast %shift_left3A_597 : i32 to vector<16xi32>
    %shift_left3A_599 = arith.shli %shift_right_arithmetic3A_596, %shift_left3A_598 : vector<16xi32>
    %and3A_600 = arith.constant 7 : i32
    %and3A_601 = vector.broadcast %and3A_600 : i32 to vector<16xi32>
    %and3A_602 = arith.andi %and3A_578, %and3A_601 : vector<16xi32>
    %shift_left3A_603 = arith.constant 7 : i32
    %shift_left3A_604 = vector.broadcast %shift_left3A_603 : i32 to vector<16xi32>
    %shift_left3A_605 = arith.shli %and3A_602, %shift_left3A_604 : vector<16xi32>
    %add3A_606 = arith.addi %shift_left3A_599, %shift_left3A_605 : vector<16xi32>
    %add3A_607 = arith.addi %add3A_606, %iota3A : vector<16xi32>
    %swap3A_608 = arith.constant 2 : i32
    %swap3A_609 = arith.constant 14 : i32
    %swap3A_610 = arith.index_cast %swap3A_608 : i32 to index
    %swap3A_611 = arith.index_cast %swap3A_609 : i32 to index
    %swap3A_612 = arith.constant 0 : index
    %swap3A_613 = tpu.vector_load %arg14[%swap3A_610, %swap3A_611, %swap3A_612] {strides = array<i32>} : memref<3x16x16xi32, #tpu.memory_space<vmem>>, vector<16xi32>,
    tpu.vector_store %arg14[%swap3A_610, %swap3A_611, %swap3A_612], %add3A_607 {strides = array<i32>} : memref<3x16x16xi32, #tpu.memory_space<vmem>>, vector<16xi32>,
    %add3A_614 = arith.constant 15 : i32
    %add3A_615 = vector.broadcast %add3A_614 : i32 to vector<16xi32>
    %add3A_616 = arith.addi %iota3A, %add3A_615 : vector<16xi32>
    %and3A_617 = arith.constant 15 : i32
    %and3A_618 = vector.broadcast %and3A_617 : i32 to vector<16xi32>
    %and3A_619 = arith.andi %add3A_616, %and3A_618 : vector<16xi32>
    %swap3A_620 = arith.constant 0 : i32
    %swap3A_621 = arith.constant 15 : i32
    %swap3A_622 = arith.index_cast %swap3A_620 : i32 to index
    %swap3A_623 = arith.index_cast %swap3A_621 : i32 to index
    %swap3A_624 = arith.constant 0 : index
    %swap3A_625 = tpu.vector_load %arg14[%swap3A_622, %swap3A_623, %swap3A_624] {strides = array<i32>} : memref<3x16x16xi32, #tpu.memory_space<vmem>>, vector<16xi32>,
    tpu.vector_store %arg14[%swap3A_622, %swap3A_623, %swap3A_624], %and3A_619 {strides = array<i32>} : memref<3x16x16xi32, #tpu.memory_space<vmem>>, vector<16xi32>,
    %add3A_626 = arith.constant 16 : i32
    %add3A_627 = vector.broadcast %add3A_626 : i32 to vector<16xi32>
    %add3A_628 = arith.addi %and3A_619, %add3A_627 : vector<16xi32>
    %swap3A_629 = arith.constant 1 : i32
    %swap3A_630 = arith.constant 15 : i32
    %swap3A_631 = arith.index_cast %swap3A_629 : i32 to index
    %swap3A_632 = arith.index_cast %swap3A_630 : i32 to index
    %swap3A_633 = arith.constant 0 : index
    %swap3A_634 = tpu.vector_load %arg14[%swap3A_631, %swap3A_632, %swap3A_633] {strides = array<i32>} : memref<3x16x16xi32, #tpu.memory_space<vmem>>, vector<16xi32>,
    tpu.vector_store %arg14[%swap3A_631, %swap3A_632, %swap3A_633], %add3A_628 {strides = array<i32>} : memref<3x16x16xi32, #tpu.memory_space<vmem>>, vector<16xi32>,
    %shift_right_arithmetic3A_635 = arith.constant 3 : i32
    %shift_right_arithmetic3A_636 = vector.broadcast %shift_right_arithmetic3A_635 : i32 to vector<16xi32>
    %shift_right_arithmetic3A_637 = arith.shrsi %and3A_619, %shift_right_arithmetic3A_636 : vector<16xi32>
    %shift_left3A_638 = arith.constant 12 : i32
    %shift_left3A_639 = vector.broadcast %shift_left3A_638 : i32 to vector<16xi32>
    %shift_left3A_640 = arith.shli %shift_right_arithmetic3A_637, %shift_left3A_639 : vector<16xi32>
    %and3A_641 = arith.constant 7 : i32
    %and3A_642 = vector.broadcast %and3A_641 : i32 to vector<16xi32>
    %and3A_643 = arith.andi %and3A_619, %and3A_642 : vector<16xi32>
    %shift_left3A_644 = arith.constant 7 : i32
    %shift_left3A_645 = vector.broadcast %shift_left3A_644 : i32 to vector<16xi32>
    %shift_left3A_646 = arith.shli %and3A_643, %shift_left3A_645 : vector<16xi32>
    %add3A_647 = arith.addi %shift_left3A_640, %shift_left3A_646 : vector<16xi32>
    %add3A_648 = arith.addi %add3A_647, %iota3A : vector<16xi32>
    %swap3A_649 = arith.constant 2 : i32
    %swap3A_650 = arith.constant 15 : i32
    %swap3A_651 = arith.index_cast %swap3A_649 : i32 to index
    %swap3A_652 = arith.index_cast %swap3A_650 : i32 to index
    %swap3A_653 = arith.constant 0 : index
    %swap3A_654 = tpu.vector_load %arg14[%swap3A_651, %swap3A_652, %swap3A_653] {strides = array<i32>} : memref<3x16x16xi32, #tpu.memory_space<vmem>>, vector<16xi32>,
    tpu.vector_store %arg14[%swap3A_651, %swap3A_652, %swap3A_653], %add3A_648 {strides = array<i32>} : memref<3x16x16xi32, #tpu.memory_space<vmem>>, vector<16xi32>,
    "tpu.region"() ({
      %run_scoped3A = tpu.sem_alloc : memref<!tpu.dma_semaphore, #tpu.memory_space<semaphore_mem>>
      %dma_start3A_860 = arith.constant 0 : i32
      %dma_start3A_861 = tpu.memref_slice %arg2[%dma_start3A_860, %mul3A_2] : memref<50x16384xi32, #tpu.memory_space<hbm>> -> memref<50x512xi32, #tpu.memory_space<hbm>>
      %dma_start3A_862 = arith.constant 0 : i32
      %dma_start3A_863 = tpu.memref_slice %arg2[%dma_start3A_862, %mul3A_2] : memref<50x16384xi32, #tpu.memory_space<hbm>> -> memref<50x512xi32, #tpu.memory_space<hbm>>
      tpu.enqueue_dma source(%dma_start3A_863 : memref<50x512xi32, #tpu.memory_space<hbm>>) target(%arg11 : memref<50x512xi32, #tpu.memory_space<vmem>>) target_semaphore(%run_scoped3A : memref<!tpu.dma_semaphore, #tpu.memory_space<semaphore_mem>>)
      %dma_wait3A_864 = arith.constant 0 : i32
      %dma_wait3A_865 = tpu.memref_slice %arg2[%dma_wait3A_864, %mul3A_2] : memref<50x16384xi32, #tpu.memory_space<hbm>> -> memref<50x512xi32, #tpu.memory_space<hbm>>
      %dma_wait3A_866 = arith.constant 0 : i32
      %dma_wait3A_867 = tpu.memref_slice %arg2[%dma_wait3A_866, %mul3A_2] : memref<50x16384xi32, #tpu.memory_space<hbm>> -> memref<50x512xi32, #tpu.memory_space<hbm>>
      tpu.wait_dma2 semaphore(%run_scoped3A : memref<!tpu.dma_semaphore, #tpu.memory_space<semaphore_mem>>) src(%dma_wait3A_867 : memref<50x512xi32, #tpu.memory_space<hbm>>) dst(%arg11 : memref<50x512xi32, #tpu.memory_space<vmem>>)
      tpu.yield
    }) : () -> ()
    %dma_start3A = arith.constant 0 : i32
    %dma_start3A_655 = arith.constant 0 : i32
    %dma_start3A_656 = arith.constant 0 : i32
    %dma_start3A_657 = tpu.memref_slice %arg12[%dma_start3A_655, %dma_start3A_656] : memref<1024x32xf32, #tpu.memory_space<vmem>> -> memref<512x32xf32, #tpu.memory_space<vmem>>
    %dma_start3A_658 = arith.constant 0 : i32
    %dma_start3A_659 = tpu.memref_slice %arg11[%dma_start3A, %dma_start3A_658] : memref<50x512xi32, #tpu.memory_space<vmem>> -> memref<1x512xi32, #tpu.memory_space<vmem>>
    %dma_start3A_660 = tpu.memref_squeeze %dma_start3A_659 : memref<1x512xi32, #tpu.memory_space<vmem>> -> memref<512xi32, #tpu.memory_space<vmem>>
    %dma_start3A_661 = arith.constant 0 : i32
    %dma_start3A_662 = arith.constant 0 : i32
    %dma_start3A_663 = tpu.memref_slice %arg3[%dma_start3A_661, %dma_start3A_662] : memref<100000x32xf32, #tpu.memory_space<hbm>> -> memref<100000x32xf32, #tpu.memory_space<hbm>>
    tpu.enqueue_indirect_dma source(%dma_start3A_663 : memref<100000x32xf32, #tpu.memory_space<hbm>>) target(%dma_start3A_657 : memref<512x32xf32, #tpu.memory_space<vmem>>) offsets(%dma_start3A_660 : memref<512xi32, #tpu.memory_space<vmem>>) semaphore(%arg15 : memref<!tpu.dma_semaphore, #tpu.memory_space<semaphore_mem>>)
    %scan3A = arith.constant 0 : i32
    %scan3A_664 = arith.constant 0 : i32
    %scan3A_665 = arith.constant 200 : i32
    %scan3A_666 = arith.addi %scan3A_664, %scan3A_665 : i32
    %scan3A_667 = arith.constant 1 : i32
    scf.for %scan3A_860 = %scan3A_664 to %scan3A_666 step %scan3A_667  : i32 {
      %jit3A = arith.constant 4 : i32
      %div3A = arith.divsi %scan3A_860, %jit3A : i32
      %sign3A = arith.constant 0 : i32
      %sign3A_861 = arith.cmpi sgt, %scan3A_860, %sign3A : i32
      %sign3A_862 = arith.extui %sign3A_861 : i1 to i32
      %sign3A_863 = arith.constant 0 : i32
      %sign3A_864 = arith.cmpi slt, %scan3A_860, %sign3A_863 : i32
      %sign3A_865 = arith.extui %sign3A_864 : i1 to i32
      %sign3A_866 = arith.subi %sign3A_862, %sign3A_865 : i32
      %sign3A_867 = arith.constant 0 : i32
      %sign3A_868 = arith.cmpi sgt, %jit3A, %sign3A_867 : i32
      %sign3A_869 = arith.extui %sign3A_868 : i1 to i32
      %sign3A_870 = arith.constant 0 : i32
      %sign3A_871 = arith.cmpi slt, %jit3A, %sign3A_870 : i32
      %sign3A_872 = arith.extui %sign3A_871 : i1 to i32
      %sign3A_873 = arith.subi %sign3A_869, %sign3A_872 : i32
      %ne3A = arith.cmpi ne, %sign3A_866, %sign3A_873 : i32
      %rem3A = arith.remsi %scan3A_860, %jit3A : i32
      %ne3A_874 = arith.constant 0 : i32
      %ne3A_875 = arith.cmpi ne, %rem3A, %ne3A_874 : i32
      %and3A_876 = arith.andi %ne3A, %ne3A_875 : i1
      %sub3A = arith.constant 1 : i32
      %sub3A_877 = arith.subi %div3A, %sub3A : i32
      %select_n3A = arith.select %and3A_876, %sub3A_877, %div3A : i32
      %rem3A_878 = arith.constant 4 : i32
      %rem3A_879 = arith.remsi %scan3A_860, %rem3A_878 : i32
      %rem3A_880 = arith.constant 2 : i32
      %rem3A_881 = arith.remsi %scan3A_860, %rem3A_880 : i32
      %add3A_882 = arith.constant 1 : i32
      %add3A_883 = arith.addi %scan3A_860, %add3A_882 : i32
      %lt3A = arith.constant 200 : i32
      %lt3A_884 = arith.cmpi slt, %add3A_883, %lt3A : i32
      %convert_element_type3A = arith.extui %lt3A_884 : i1 to i32
      %cond3A = arith.constant 0 : i32
      %cond3A_885 = arith.cmpi ne, %convert_element_type3A, %cond3A : i32
      scf.if %cond3A_885 {
        %jit3A_933 = arith.constant 4 : i32
        %div3A_934 = arith.divsi %add3A_883, %jit3A_933 : i32
        %sign3A_935 = arith.constant 0 : i32
        %sign3A_936 = arith.cmpi sgt, %add3A_883, %sign3A_935 : i32
        %sign3A_937 = arith.extui %sign3A_936 : i1 to i32
        %sign3A_938 = arith.constant 0 : i32
        %sign3A_939 = arith.cmpi slt, %add3A_883, %sign3A_938 : i32
        %sign3A_940 = arith.extui %sign3A_939 : i1 to i32
        %sign3A_941 = arith.subi %sign3A_937, %sign3A_940 : i32
        %sign3A_942 = arith.constant 0 : i32
        %sign3A_943 = arith.cmpi sgt, %jit3A_933, %sign3A_942 : i32
        %sign3A_944 = arith.extui %sign3A_943 : i1 to i32
        %sign3A_945 = arith.constant 0 : i32
        %sign3A_946 = arith.cmpi slt, %jit3A_933, %sign3A_945 : i32
        %sign3A_947 = arith.extui %sign3A_946 : i1 to i32
        %sign3A_948 = arith.subi %sign3A_944, %sign3A_947 : i32
        %ne3A_949 = arith.cmpi ne, %sign3A_941, %sign3A_948 : i32
        %rem3A_950 = arith.remsi %add3A_883, %jit3A_933 : i32
        %ne3A_951 = arith.constant 0 : i32
        %ne3A_952 = arith.cmpi ne, %rem3A_950, %ne3A_951 : i32
        %and3A_953 = arith.andi %ne3A_949, %ne3A_952 : i1
        %sub3A_954 = arith.constant 1 : i32
        %sub3A_955 = arith.subi %div3A_934, %sub3A_954 : i32
        %select_n3A_956 = arith.select %and3A_953, %sub3A_955, %div3A_934 : i32
        %rem3A_957 = arith.constant 4 : i32
        %rem3A_958 = arith.remsi %add3A_883, %rem3A_957 : i32
        %rem3A_959 = arith.constant 2 : i32
        %rem3A_960 = arith.remsi %add3A_883, %rem3A_959 : i32
        %eq3A_961 = arith.constant 0 : i32
        %eq3A_962 = arith.cmpi eq, %rem3A_958, %eq3A_961 : i32
        %convert_element_type3A_963 = arith.extui %eq3A_962 : i1 to i32
        %cond3A_964 = arith.constant 0 : i32
        %cond3A_965 = arith.cmpi ne, %convert_element_type3A_963, %cond3A_964 : i32
        scf.if %cond3A_965 {
          %mul3A_981 = arith.constant 512 : i32
          %mul3A_982 = arith.muli %rem3A_960, %mul3A_981 : i32
          %dma_start3A_983 = arith.constant 0 : i32
          %dma_start3A_984 = tpu.memref_slice %arg12[%mul3A_982, %dma_start3A_983] : memref<1024x32xf32, #tpu.memory_space<vmem>> -> memref<512x32xf32, #tpu.memory_space<vmem>>
          %dma_start3A_985 = arith.constant 0 : i32
          %dma_start3A_986 = tpu.memref_slice %arg11[%select_n3A_956, %dma_start3A_985] : memref<50x512xi32, #tpu.memory_space<vmem>> -> memref<1x512xi32, #tpu.memory_space<vmem>>
          %dma_start3A_987 = tpu.memref_squeeze %dma_start3A_986 : memref<1x512xi32, #tpu.memory_space<vmem>> -> memref<512xi32, #tpu.memory_space<vmem>>
          %dma_start3A_988 = arith.constant 0 : i32
          %dma_start3A_989 = arith.constant 0 : i32
          %dma_start3A_990 = tpu.memref_slice %arg3[%dma_start3A_988, %dma_start3A_989] : memref<100000x32xf32, #tpu.memory_space<hbm>> -> memref<100000x32xf32, #tpu.memory_space<hbm>>
          tpu.enqueue_indirect_dma source(%dma_start3A_990 : memref<100000x32xf32, #tpu.memory_space<hbm>>) target(%dma_start3A_984 : memref<512x32xf32, #tpu.memory_space<vmem>>) offsets(%dma_start3A_987 : memref<512xi32, #tpu.memory_space<vmem>>) semaphore(%arg15 : memref<!tpu.dma_semaphore, #tpu.memory_space<semaphore_mem>>)
        } else {
        }
        %eq3A_966 = arith.constant 1 : i32
        %eq3A_967 = arith.cmpi eq, %rem3A_958, %eq3A_966 : i32
        %convert_element_type3A_968 = arith.extui %eq3A_967 : i1 to i32
        %cond3A_969 = arith.constant 0 : i32
        %cond3A_970 = arith.cmpi ne, %convert_element_type3A_968, %cond3A_969 : i32
        scf.if %cond3A_970 {
          %mul3A_981 = arith.constant 512 : i32
          %mul3A_982 = arith.muli %rem3A_960, %mul3A_981 : i32
          %dma_start3A_983 = arith.constant 0 : i32
          %dma_start3A_984 = tpu.memref_slice %arg12[%mul3A_982, %dma_start3A_983] : memref<1024x32xf32, #tpu.memory_space<vmem>> -> memref<512x32xf32, #tpu.memory_space<vmem>>
          %dma_start3A_985 = arith.constant 0 : i32
          %dma_start3A_986 = tpu.memref_slice %arg11[%select_n3A_956, %dma_start3A_985] : memref<50x512xi32, #tpu.memory_space<vmem>> -> memref<1x512xi32, #tpu.memory_space<vmem>>
          %dma_start3A_987 = tpu.memref_squeeze %dma_start3A_986 : memref<1x512xi32, #tpu.memory_space<vmem>> -> memref<512xi32, #tpu.memory_space<vmem>>
          %dma_start3A_988 = arith.constant 0 : i32
          %dma_start3A_989 = arith.constant 0 : i32
          %dma_start3A_990 = tpu.memref_slice %arg4[%dma_start3A_988, %dma_start3A_989] : memref<100000x32xf32, #tpu.memory_space<hbm>> -> memref<100000x32xf32, #tpu.memory_space<hbm>>
          tpu.enqueue_indirect_dma source(%dma_start3A_990 : memref<100000x32xf32, #tpu.memory_space<hbm>>) target(%dma_start3A_984 : memref<512x32xf32, #tpu.memory_space<vmem>>) offsets(%dma_start3A_987 : memref<512xi32, #tpu.memory_space<vmem>>) semaphore(%arg15 : memref<!tpu.dma_semaphore, #tpu.memory_space<semaphore_mem>>)
        } else {
        }
        %eq3A_971 = arith.constant 2 : i32
        %eq3A_972 = arith.cmpi eq, %rem3A_958, %eq3A_971 : i32
        %convert_element_type3A_973 = arith.extui %eq3A_972 : i1 to i32
        %cond3A_974 = arith.constant 0 : i32
        %cond3A_975 = arith.cmpi ne, %convert_element_type3A_973, %cond3A_974 : i32
        scf.if %cond3A_975 {
          %mul3A_981 = arith.constant 512 : i32
          %mul3A_982 = arith.muli %rem3A_960, %mul3A_981 : i32
          %dma_start3A_983 = arith.constant 0 : i32
          %dma_start3A_984 = tpu.memref_slice %arg12[%mul3A_982, %dma_start3A_983] : memref<1024x32xf32, #tpu.memory_space<vmem>> -> memref<512x32xf32, #tpu.memory_space<vmem>>
          %dma_start3A_985 = arith.constant 0 : i32
          %dma_start3A_986 = tpu.memref_slice %arg11[%select_n3A_956, %dma_start3A_985] : memref<50x512xi32, #tpu.memory_space<vmem>> -> memref<1x512xi32, #tpu.memory_space<vmem>>
          %dma_start3A_987 = tpu.memref_squeeze %dma_start3A_986 : memref<1x512xi32, #tpu.memory_space<vmem>> -> memref<512xi32, #tpu.memory_space<vmem>>
          %dma_start3A_988 = arith.constant 0 : i32
          %dma_start3A_989 = arith.constant 0 : i32
          %dma_start3A_990 = tpu.memref_slice %arg5[%dma_start3A_988, %dma_start3A_989] : memref<100000x32xf32, #tpu.memory_space<hbm>> -> memref<100000x32xf32, #tpu.memory_space<hbm>>
          tpu.enqueue_indirect_dma source(%dma_start3A_990 : memref<100000x32xf32, #tpu.memory_space<hbm>>) target(%dma_start3A_984 : memref<512x32xf32, #tpu.memory_space<vmem>>) offsets(%dma_start3A_987 : memref<512xi32, #tpu.memory_space<vmem>>) semaphore(%arg15 : memref<!tpu.dma_semaphore, #tpu.memory_space<semaphore_mem>>)
        } else {
        }
        %eq3A_976 = arith.constant 3 : i32
        %eq3A_977 = arith.cmpi eq, %rem3A_958, %eq3A_976 : i32
        %convert_element_type3A_978 = arith.extui %eq3A_977 : i1 to i32
        %cond3A_979 = arith.constant 0 : i32
        %cond3A_980 = arith.cmpi ne, %convert_element_type3A_978, %cond3A_979 : i32
        scf.if %cond3A_980 {
          %mul3A_981 = arith.constant 512 : i32
          %mul3A_982 = arith.muli %rem3A_960, %mul3A_981 : i32
          %dma_start3A_983 = arith.constant 0 : i32
          %dma_start3A_984 = tpu.memref_slice %arg12[%mul3A_982, %dma_start3A_983] : memref<1024x32xf32, #tpu.memory_space<vmem>> -> memref<512x32xf32, #tpu.memory_space<vmem>>
          %dma_start3A_985 = arith.constant 0 : i32
          %dma_start3A_986 = tpu.memref_slice %arg11[%select_n3A_956, %dma_start3A_985] : memref<50x512xi32, #tpu.memory_space<vmem>> -> memref<1x512xi32, #tpu.memory_space<vmem>>
          %dma_start3A_987 = tpu.memref_squeeze %dma_start3A_986 : memref<1x512xi32, #tpu.memory_space<vmem>> -> memref<512xi32, #tpu.memory_space<vmem>>
          %dma_start3A_988 = arith.constant 0 : i32
          %dma_start3A_989 = arith.constant 0 : i32
          %dma_start3A_990 = tpu.memref_slice %arg6[%dma_start3A_988, %dma_start3A_989] : memref<100000x32xf32, #tpu.memory_space<hbm>> -> memref<100000x32xf32, #tpu.memory_space<hbm>>
          tpu.enqueue_indirect_dma source(%dma_start3A_990 : memref<100000x32xf32, #tpu.memory_space<hbm>>) target(%dma_start3A_984 : memref<512x32xf32, #tpu.memory_space<vmem>>) offsets(%dma_start3A_987 : memref<512xi32, #tpu.memory_space<vmem>>) semaphore(%arg15 : memref<!tpu.dma_semaphore, #tpu.memory_space<semaphore_mem>>)
        } else {
        }
      } else {
      }
      %dma_wait3A_886 = arith.constant 0 : i32
      %dma_wait3A_887 = arith.constant 0 : i32
      %dma_wait3A_888 = tpu.memref_slice %arg12[%dma_wait3A_886, %dma_wait3A_887] : memref<1024x32xf32, #tpu.memory_space<vmem>> -> memref<512x32xf32, #tpu.memory_space<vmem>>
      %dma_wait3A_889 = arith.constant 0 : i32
      %dma_wait3A_890 = arith.constant 0 : i32
      %dma_wait3A_891 = tpu.memref_slice %arg3[%dma_wait3A_889, %dma_wait3A_890] : memref<100000x32xf32, #tpu.memory_space<hbm>> -> memref<512x32xf32, #tpu.memory_space<hbm>>
      %dma_wait3A_892 = arith.constant 0 : i32
      %dma_wait3A_893 = arith.constant 0 : i32
      %dma_wait3A_894 = tpu.memref_slice %arg12[%dma_wait3A_892, %dma_wait3A_893] : memref<1024x32xf32, #tpu.memory_space<vmem>> -> memref<512x32xf32, #tpu.memory_space<vmem>>
      %dma_wait3A_895 = arith.constant 0 : i32
      %dma_wait3A_896 = arith.constant 0 : i32
      %dma_wait3A_897 = tpu.memref_slice %arg3[%dma_wait3A_895, %dma_wait3A_896] : memref<100000x32xf32, #tpu.memory_space<hbm>> -> memref<512x32xf32, #tpu.memory_space<hbm>>
      tpu.wait_dma2 semaphore(%arg15 : memref<!tpu.dma_semaphore, #tpu.memory_space<semaphore_mem>>) src(%dma_wait3A_897 : memref<512x32xf32, #tpu.memory_space<hbm>>) dst(%dma_wait3A_894 : memref<512x32xf32, #tpu.memory_space<vmem>>)
      %ge3A = arith.constant 2 : i32
      %ge3A_898 = arith.cmpi sge, %scan3A_860, %ge3A : i32
      %convert_element_type3A_899 = arith.extui %ge3A_898 : i1 to i32
      %cond3A_900 = arith.constant 0 : i32
      %cond3A_901 = arith.cmpi ne, %convert_element_type3A_899, %cond3A_900 : i32
      scf.if %cond3A_901 {
        %dma_wait3A_933 = arith.constant 0 : i32
        %dma_wait3A_934 = arith.constant 0 : i32
        %dma_wait3A_935 = arith.constant 0 : i32
        %dma_wait3A_936 = tpu.memref_slice %arg13[%dma_wait3A_935] : memref<32768xf32, #tpu.memory_space<vmem>> -> memref<4096xf32, #tpu.memory_space<vmem>>
        %dma_wait3A_937 = arith.constant 0 : i32
        %dma_wait3A_938 = arith.constant 0 : i32
        %dma_wait3A_939 = tpu.memref_slice %arg7[%dma_wait3A_933, %dma_wait3A_937, %dma_wait3A_938] : memref<50x4x131072xf32, #tpu.memory_space<hbm>> -> memref<1x4x131072xf32, #tpu.memory_space<hbm>>
        %dma_wait3A_940 = tpu.memref_squeeze %dma_wait3A_939 : memref<1x4x131072xf32, #tpu.memory_space<hbm>> -> memref<4x131072xf32, #tpu.memory_space<hbm>>
        %dma_wait3A_941 = arith.constant 0 : i32
        %dma_wait3A_942 = tpu.memref_slice %dma_wait3A_940[%dma_wait3A_934, %dma_wait3A_941] : memref<4x131072xf32, #tpu.memory_space<hbm>> -> memref<1x131072xf32, #tpu.memory_space<hbm>>
        %dma_wait3A_943 = tpu.memref_squeeze %dma_wait3A_942 : memref<1x131072xf32, #tpu.memory_space<hbm>> -> memref<131072xf32, #tpu.memory_space<hbm>>
        %dma_wait3A_944 = arith.constant 0 : i32
        %dma_wait3A_945 = tpu.memref_slice %dma_wait3A_943[%dma_wait3A_944] : memref<131072xf32, #tpu.memory_space<hbm>> -> memref<4096xf32, #tpu.memory_space<hbm>>
        %dma_wait3A_946 = arith.constant 0 : i32
        %dma_wait3A_947 = arith.constant 0 : i32
        %dma_wait3A_948 = tpu.memref_slice %arg7[%dma_wait3A_933, %dma_wait3A_946, %dma_wait3A_947] : memref<50x4x131072xf32, #tpu.memory_space<hbm>> -> memref<1x4x131072xf32, #tpu.memory_space<hbm>>
        %dma_wait3A_949 = tpu.memref_squeeze %dma_wait3A_948 : memref<1x4x131072xf32, #tpu.memory_space<hbm>> -> memref<4x131072xf32, #tpu.memory_space<hbm>>
        %dma_wait3A_950 = arith.constant 0 : i32
        %dma_wait3A_951 = tpu.memref_slice %dma_wait3A_949[%dma_wait3A_934, %dma_wait3A_950] : memref<4x131072xf32, #tpu.memory_space<hbm>> -> memref<1x131072xf32, #tpu.memory_space<hbm>>
        %dma_wait3A_952 = tpu.memref_squeeze %dma_wait3A_951 : memref<1x131072xf32, #tpu.memory_space<hbm>> -> memref<131072xf32, #tpu.memory_space<hbm>>
        %dma_wait3A_953 = arith.constant 0 : i32
        %dma_wait3A_954 = tpu.memref_slice %dma_wait3A_952[%dma_wait3A_953] : memref<131072xf32, #tpu.memory_space<hbm>> -> memref<4096xf32, #tpu.memory_space<hbm>>
        %dma_wait3A_955 = arith.constant 0 : i32
        %dma_wait3A_956 = tpu.memref_slice %arg13[%dma_wait3A_955] : memref<32768xf32, #tpu.memory_space<vmem>> -> memref<4096xf32, #tpu.memory_space<vmem>>
        tpu.wait_dma2 semaphore(%arg16 : memref<!tpu.dma_semaphore, #tpu.memory_space<semaphore_mem>>) src(%dma_wait3A_956 : memref<4096xf32, #tpu.memory_space<vmem>>) dst(%dma_wait3A_954 : memref<4096xf32, #tpu.memory_space<hbm>>)
        %dma_wait3A_957 = arith.constant 0 : i32
        %dma_wait3A_958 = arith.constant 0 : i32
        %dma_wait3A_959 = arith.constant 4096 : i32
        %dma_wait3A_960 = tpu.memref_slice %arg13[%dma_wait3A_959] : memref<32768xf32, #tpu.memory_space<vmem>> -> memref<4096xf32, #tpu.memory_space<vmem>>
        %dma_wait3A_961 = arith.constant 0 : i32
        %dma_wait3A_962 = arith.constant 0 : i32
        %dma_wait3A_963 = tpu.memref_slice %arg7[%dma_wait3A_957, %dma_wait3A_961, %dma_wait3A_962] : memref<50x4x131072xf32, #tpu.memory_space<hbm>> -> memref<1x4x131072xf32, #tpu.memory_space<hbm>>
        %dma_wait3A_964 = tpu.memref_squeeze %dma_wait3A_963 : memref<1x4x131072xf32, #tpu.memory_space<hbm>> -> memref<4x131072xf32, #tpu.memory_space<hbm>>
        %dma_wait3A_965 = arith.constant 0 : i32
        %dma_wait3A_966 = tpu.memref_slice %dma_wait3A_964[%dma_wait3A_958, %dma_wait3A_965] : memref<4x131072xf32, #tpu.memory_space<hbm>> -> memref<1x131072xf32, #tpu.memory_space<hbm>>
        %dma_wait3A_967 = tpu.memref_squeeze %dma_wait3A_966 : memref<1x131072xf32, #tpu.memory_space<hbm>> -> memref<131072xf32, #tpu.memory_space<hbm>>
        %dma_wait3A_968 = arith.constant 0 : i32
        %dma_wait3A_969 = tpu.memref_slice %dma_wait3A_967[%dma_wait3A_968] : memref<131072xf32, #tpu.memory_space<hbm>> -> memref<4096xf32, #tpu.memory_space<hbm>>
        %dma_wait3A_970 = arith.constant 0 : i32
        %dma_wait3A_971 = arith.constant 0 : i32
        %dma_wait3A_972 = tpu.memref_slice %arg7[%dma_wait3A_957, %dma_wait3A_970, %dma_wait3A_971] : memref<50x4x131072xf32, #tpu.memory_space<hbm>> -> memref<1x4x131072xf32, #tpu.memory_space<hbm>>
        %dma_wait3A_973 = tpu.memref_squeeze %dma_wait3A_972 : memref<1x4x131072xf32, #tpu.memory_space<hbm>> -> memref<4x131072xf32, #tpu.memory_space<hbm>>
        %dma_wait3A_974 = arith.constant 0 : i32
        %dma_wait3A_975 = tpu.memref_slice %dma_wait3A_973[%dma_wait3A_958, %dma_wait3A_974] : memref<4x131072xf32, #tpu.memory_space<hbm>> -> memref<1x131072xf32, #tpu.memory_space<hbm>>
        %dma_wait3A_976 = tpu.memref_squeeze %dma_wait3A_975 : memref<1x131072xf32, #tpu.memory_space<hbm>> -> memref<131072xf32, #tpu.memory_space<hbm>>
        %dma_wait3A_977 = arith.constant 0 : i32
        %dma_wait3A_978 = tpu.memref_slice %dma_wait3A_976[%dma_wait3A_977] : memref<131072xf32, #tpu.memory_space<hbm>> -> memref<4096xf32, #tpu.memory_space<hbm>>
        %dma_wait3A_979 = arith.constant 4096 : i32
        %dma_wait3A_980 = tpu.memref_slice %arg13[%dma_wait3A_979] : memref<32768xf32, #tpu.memory_space<vmem>> -> memref<4096xf32, #tpu.memory_space<vmem>>
        tpu.wait_dma2 semaphore(%arg16 : memref<!tpu.dma_semaphore, #tpu.memory_space<semaphore_mem>>) src(%dma_wait3A_980 : memref<4096xf32, #tpu.memory_space<vmem>>) dst(%dma_wait3A_978 : memref<4096xf32, #tpu.memory_space<hbm>>)
        %dma_wait3A_981 = arith.constant 0 : i32
        %dma_wait3A_982 = arith.constant 0 : i32
        %dma_wait3A_983 = arith.constant 8192 : i32
        %dma_wait3A_984 = tpu.memref_slice %arg13[%dma_wait3A_983] : memref<32768xf32, #tpu.memory_space<vmem>> -> memref<4096xf32, #tpu.memory_space<vmem>>
        %dma_wait3A_985 = arith.constant 0 : i32
        %dma_wait3A_986 = arith.constant 0 : i32
        %dma_wait3A_987 = tpu.memref_slice %arg7[%dma_wait3A_981, %dma_wait3A_985, %dma_wait3A_986] : memref<50x4x131072xf32, #tpu.memory_space<hbm>> -> memref<1x4x131072xf32, #tpu.memory_space<hbm>>
        %dma_wait3A_988 = tpu.memref_squeeze %dma_wait3A_987 : memref<1x4x131072xf32, #tpu.memory_space<hbm>> -> memref<4x131072xf32, #tpu.memory_space<hbm>>
        %dma_wait3A_989 = arith.constant 0 : i32
        %dma_wait3A_990 = tpu.memref_slice %dma_wait3A_988[%dma_wait3A_982, %dma_wait3A_989] : memref<4x131072xf32, #tpu.memory_space<hbm>> -> memref<1x131072xf32, #tpu.memory_space<hbm>>
        %dma_wait3A_991 = tpu.memref_squeeze %dma_wait3A_990 : memref<1x131072xf32, #tpu.memory_space<hbm>> -> memref<131072xf32, #tpu.memory_space<hbm>>
        %dma_wait3A_992 = arith.constant 0 : i32
        %dma_wait3A_993 = tpu.memref_slice %dma_wait3A_991[%dma_wait3A_992] : memref<131072xf32, #tpu.memory_space<hbm>> -> memref<4096xf32, #tpu.memory_space<hbm>>
        %dma_wait3A_994 = arith.constant 0 : i32
        %dma_wait3A_995 = arith.constant 0 : i32
        %dma_wait3A_996 = tpu.memref_slice %arg7[%dma_wait3A_981, %dma_wait3A_994, %dma_wait3A_995] : memref<50x4x131072xf32, #tpu.memory_space<hbm>> -> memref<1x4x131072xf32, #tpu.memory_space<hbm>>
        %dma_wait3A_997 = tpu.memref_squeeze %dma_wait3A_996 : memref<1x4x131072xf32, #tpu.memory_space<hbm>> -> memref<4x131072xf32, #tpu.memory_space<hbm>>
        %dma_wait3A_998 = arith.constant 0 : i32
        %dma_wait3A_999 = tpu.memref_slice %dma_wait3A_997[%dma_wait3A_982, %dma_wait3A_998] : memref<4x131072xf32, #tpu.memory_space<hbm>> -> memref<1x131072xf32, #tpu.memory_space<hbm>>
        %dma_wait3A_1000 = tpu.memref_squeeze %dma_wait3A_999 : memref<1x131072xf32, #tpu.memory_space<hbm>> -> memref<131072xf32, #tpu.memory_space<hbm>>
        %dma_wait3A_1001 = arith.constant 0 : i32
        %dma_wait3A_1002 = tpu.memref_slice %dma_wait3A_1000[%dma_wait3A_1001] : memref<131072xf32, #tpu.memory_space<hbm>> -> memref<4096xf32, #tpu.memory_space<hbm>>
        %dma_wait3A_1003 = arith.constant 8192 : i32
        %dma_wait3A_1004 = tpu.memref_slice %arg13[%dma_wait3A_1003] : memref<32768xf32, #tpu.memory_space<vmem>> -> memref<4096xf32, #tpu.memory_space<vmem>>
        tpu.wait_dma2 semaphore(%arg16 : memref<!tpu.dma_semaphore, #tpu.memory_space<semaphore_mem>>) src(%dma_wait3A_1004 : memref<4096xf32, #tpu.memory_space<vmem>>) dst(%dma_wait3A_1002 : memref<4096xf32, #tpu.memory_space<hbm>>)
        %dma_wait3A_1005 = arith.constant 0 : i32
        %dma_wait3A_1006 = arith.constant 0 : i32
        %dma_wait3A_1007 = arith.constant 12288 : i32
        %dma_wait3A_1008 = tpu.memref_slice %arg13[%dma_wait3A_1007] : memref<32768xf32, #tpu.memory_space<vmem>> -> memref<4096xf32, #tpu.memory_space<vmem>>
        %dma_wait3A_1009 = arith.constant 0 : i32
        %dma_wait3A_1010 = arith.constant 0 : i32
        %dma_wait3A_1011 = tpu.memref_slice %arg7[%dma_wait3A_1005, %dma_wait3A_1009, %dma_wait3A_1010] : memref<50x4x131072xf32, #tpu.memory_space<hbm>> -> memref<1x4x131072xf32, #tpu.memory_space<hbm>>
        %dma_wait3A_1012 = tpu.memref_squeeze %dma_wait3A_1011 : memref<1x4x131072xf32, #tpu.memory_space<hbm>> -> memref<4x131072xf32, #tpu.memory_space<hbm>>
        %dma_wait3A_1013 = arith.constant 0 : i32
        %dma_wait3A_1014 = tpu.memref_slice %dma_wait3A_1012[%dma_wait3A_1006, %dma_wait3A_1013] : memref<4x131072xf32, #tpu.memory_space<hbm>> -> memref<1x131072xf32, #tpu.memory_space<hbm>>
        %dma_wait3A_1015 = tpu.memref_squeeze %dma_wait3A_1014 : memref<1x131072xf32, #tpu.memory_space<hbm>> -> memref<131072xf32, #tpu.memory_space<hbm>>
        %dma_wait3A_1016 = arith.constant 0 : i32
        %dma_wait3A_1017 = tpu.memref_slice %dma_wait3A_1015[%dma_wait3A_1016] : memref<131072xf32, #tpu.memory_space<hbm>> -> memref<4096xf32, #tpu.memory_space<hbm>>
        %dma_wait3A_1018 = arith.constant 0 : i32
        %dma_wait3A_1019 = arith.constant 0 : i32
        %dma_wait3A_1020 = tpu.memref_slice %arg7[%dma_wait3A_1005, %dma_wait3A_1018, %dma_wait3A_1019] : memref<50x4x131072xf32, #tpu.memory_space<hbm>> -> memref<1x4x131072xf32, #tpu.memory_space<hbm>>
        %dma_wait3A_1021 = tpu.memref_squeeze %dma_wait3A_1020 : memref<1x4x131072xf32, #tpu.memory_space<hbm>> -> memref<4x131072xf32, #tpu.memory_space<hbm>>
        %dma_wait3A_1022 = arith.constant 0 : i32
        %dma_wait3A_1023 = tpu.memref_slice %dma_wait3A_1021[%dma_wait3A_1006, %dma_wait3A_1022] : memref<4x131072xf32, #tpu.memory_space<hbm>> -> memref<1x131072xf32, #tpu.memory_space<hbm>>
        %dma_wait3A_1024 = tpu.memref_squeeze %dma_wait3A_1023 : memref<1x131072xf32, #tpu.memory_space<hbm>> -> memref<131072xf32, #tpu.memory_space<hbm>>
        %dma_wait3A_1025 = arith.constant 0 : i32
        %dma_wait3A_1026 = tpu.memref_slice %dma_wait3A_1024[%dma_wait3A_1025] : memref<131072xf32, #tpu.memory_space<hbm>> -> memref<4096xf32, #tpu.memory_space<hbm>>
        %dma_wait3A_1027 = arith.constant 12288 : i32
        %dma_wait3A_1028 = tpu.memref_slice %arg13[%dma_wait3A_1027] : memref<32768xf32, #tpu.memory_space<vmem>> -> memref<4096xf32, #tpu.memory_space<vmem>>
        tpu.wait_dma2 semaphore(%arg16 : memref<!tpu.dma_semaphore, #tpu.memory_space<semaphore_mem>>) src(%dma_wait3A_1028 : memref<4096xf32, #tpu.memory_space<vmem>>) dst(%dma_wait3A_1026 : memref<4096xf32, #tpu.memory_space<hbm>>)
      } else {
      }
      %scan3A_902 = arith.constant 0 : i32
      %scan3A_903 = arith.constant 0 : i32
      %scan3A_904 = arith.constant 32 : i32
      %scan3A_905 = arith.addi %scan3A_903, %scan3A_904 : i32
      %scan3A_906 = arith.constant 1 : i32
      scf.for %scan3A_933 = %scan3A_903 to %scan3A_905 step %scan3A_906  : i32 {
        %jit3A_934 = arith.constant 8 : i32
        %div3A_935 = arith.divsi %scan3A_933, %jit3A_934 : i32
        %sign3A_936 = arith.constant 0 : i32
        %sign3A_937 = arith.cmpi sgt, %scan3A_933, %sign3A_936 : i32
        %sign3A_938 = arith.extui %sign3A_937 : i1 to i32
        %sign3A_939 = arith.constant 0 : i32
        %sign3A_940 = arith.cmpi slt, %scan3A_933, %sign3A_939 : i32
        %sign3A_941 = arith.extui %sign3A_940 : i1 to i32
        %sign3A_942 = arith.subi %sign3A_938, %sign3A_941 : i32
        %sign3A_943 = arith.constant 0 : i32
        %sign3A_944 = arith.cmpi sgt, %jit3A_934, %sign3A_943 : i32
        %sign3A_945 = arith.extui %sign3A_944 : i1 to i32
        %sign3A_946 = arith.constant 0 : i32
        %sign3A_947 = arith.cmpi slt, %jit3A_934, %sign3A_946 : i32
        %sign3A_948 = arith.extui %sign3A_947 : i1 to i32
        %sign3A_949 = arith.subi %sign3A_945, %sign3A_948 : i32
        %ne3A_950 = arith.cmpi ne, %sign3A_942, %sign3A_949 : i32
        %rem3A_951 = arith.remsi %scan3A_933, %jit3A_934 : i32
        %ne3A_952 = arith.constant 0 : i32
        %ne3A_953 = arith.cmpi ne, %rem3A_951, %ne3A_952 : i32
        %and3A_954 = arith.andi %ne3A_950, %ne3A_953 : i1
        %sub3A_955 = arith.constant 1 : i32
        %sub3A_956 = arith.subi %div3A_935, %sub3A_955 : i32
        %select_n3A_957 = arith.select %and3A_954, %sub3A_956, %div3A_935 : i32
        %rem3A_958 = arith.constant 8 : i32
        %rem3A_959 = arith.remsi %scan3A_933, %rem3A_958 : i32
        %mul3A_960 = arith.constant 512 : i32
        %mul3A_961 = arith.muli %rem3A_881, %mul3A_960 : i32
        %mul3A_962 = arith.constant 128 : i32
        %mul3A_963 = arith.muli %select_n3A_957, %mul3A_962 : i32
        %add3A_964 = arith.addi %mul3A_961, %mul3A_963 : i32
        %mul3A_965 = arith.constant 16 : i32
        %mul3A_966 = arith.muli %rem3A_959, %mul3A_965 : i32
        %add3A_967 = arith.addi %add3A_964, %mul3A_966 : i32
        %add3A_968 = vector.broadcast %add3A_967 : i32 to vector<16xi32>
        %add3A_969 = arith.addi %add3A_968, %iota3A : vector<16xi32>
        %mul3A_970 = arith.constant 16384 : i32
        %mul3A_971 = arith.muli %rem3A_881, %mul3A_970 : i32
        %add3A_972 = arith.constant 0 : i32
        %add3A_973 = arith.addi %mul3A_971, %add3A_972 : i32
        %mul3A_974 = arith.constant 1024 : i32
        %mul3A_975 = arith.muli %select_n3A_957, %mul3A_974 : i32
        %add3A_976 = arith.addi %add3A_973, %mul3A_975 : i32
        %mul3A_977 = arith.constant 16 : i32
        %mul3A_978 = arith.muli %rem3A_959, %mul3A_977 : i32
        %add3A_979 = arith.addi %add3A_976, %mul3A_978 : i32
        %get3A = arith.constant 0 : i32
        %get3A_980 = arith.constant 0 : i32
        %get3A_981 = arith.index_cast %get3A : i32 to index
        %get3A_982 = arith.index_cast %get3A_980 : i32 to index
        %get3A_983 = arith.constant 0 : index
        %get3A_984 = tpu.vector_load %arg14[%get3A_981, %get3A_982, %get3A_983] {strides = array<i32>} : memref<3x16x16xi32, #tpu.memory_space<vmem>>, vector<16xi32>,
        %get3A_985 = arith.constant 2 : i32
        %get3A_986 = arith.constant 0 : i32
        %get3A_987 = arith.index_cast %get3A_985 : i32 to index
        %get3A_988 = arith.index_cast %get3A_986 : i32 to index
        %get3A_989 = arith.constant 0 : index
        %get3A_990 = tpu.vector_load %arg14[%get3A_987, %get3A_988, %get3A_989] {strides = array<i32>} : memref<3x16x16xi32, #tpu.memory_space<vmem>>, vector<16xi32>,
        %add3A_991 = vector.broadcast %add3A_979 : i32 to vector<16xi32>
        %add3A_992 = arith.addi %get3A_990, %add3A_991 : vector<16xi32>
        %gather3A = tpu.vector_load_idx %arg12[%add3A_969, %get3A_984] : memref<1024x32xf32, #tpu.memory_space<vmem>>[vector<16xi32>, vector<16xi32>], vector<16xf32>,
        tpu.vector_store_idx %arg13[%add3A_992], %gather3A : memref<32768xf32, #tpu.memory_space<vmem>>[vector<16xi32>], vector<16xf32>,
        %get3A_993 = arith.constant 0 : i32
        %get3A_994 = arith.constant 1 : i32
        %get3A_995 = arith.index_cast %get3A_993 : i32 to index
        %get3A_996 = arith.index_cast %get3A_994 : i32 to index
        %get3A_997 = arith.constant 0 : index
        %get3A_998 = tpu.vector_load %arg14[%get3A_995, %get3A_996, %get3A_997] {strides = array<i32>} : memref<3x16x16xi32, #tpu.memory_space<vmem>>, vector<16xi32>,
        %get3A_999 = arith.constant 2 : i32
        %get3A_1000 = arith.constant 1 : i32
        %get3A_1001 = arith.index_cast %get3A_999 : i32 to index
        %get3A_1002 = arith.index_cast %get3A_1000 : i32 to index
        %get3A_1003 = arith.constant 0 : index
        %get3A_1004 = tpu.vector_load %arg14[%get3A_1001, %get3A_1002, %get3A_1003] {strides = array<i32>} : memref<3x16x16xi32, #tpu.memory_space<vmem>>, vector<16xi32>,
        %add3A_1005 = vector.broadcast %add3A_979 : i32 to vector<16xi32>
        %add3A_1006 = arith.addi %get3A_1004, %add3A_1005 : vector<16xi32>
        %gather3A_1007 = tpu.vector_load_idx %arg12[%add3A_969, %get3A_998] : memref<1024x32xf32, #tpu.memory_space<vmem>>[vector<16xi32>, vector<16xi32>], vector<16xf32>,
        tpu.vector_store_idx %arg13[%add3A_1006], %gather3A_1007 : memref<32768xf32, #tpu.memory_space<vmem>>[vector<16xi32>], vector<16xf32>,
        %get3A_1008 = arith.constant 0 : i32
        %get3A_1009 = arith.constant 2 : i32
        %get3A_1010 = arith.index_cast %get3A_1008 : i32 to index
        %get3A_1011 = arith.index_cast %get3A_1009 : i32 to index
        %get3A_1012 = arith.constant 0 : index
        %get3A_1013 = tpu.vector_load %arg14[%get3A_1010, %get3A_1011, %get3A_1012] {strides = array<i32>} : memref<3x16x16xi32, #tpu.memory_space<vmem>>, vector<16xi32>,
        %get3A_1014 = arith.constant 2 : i32
        %get3A_1015 = arith.constant 2 : i32
        %get3A_1016 = arith.index_cast %get3A_1014 : i32 to index
        %get3A_1017 = arith.index_cast %get3A_1015 : i32 to index
        %get3A_1018 = arith.constant 0 : index
        %get3A_1019 = tpu.vector_load %arg14[%get3A_1016, %get3A_1017, %get3A_1018] {strides = array<i32>} : memref<3x16x16xi32, #tpu.memory_space<vmem>>, vector<16xi32>,
        %add3A_1020 = vector.broadcast %add3A_979 : i32 to vector<16xi32>
        %add3A_1021 = arith.addi %get3A_1019, %add3A_1020 : vector<16xi32>
        %gather3A_1022 = tpu.vector_load_idx %arg12[%add3A_969, %get3A_1013] : memref<1024x32xf32, #tpu.memory_space<vmem>>[vector<16xi32>, vector<16xi32>], vector<16xf32>,
        tpu.vector_store_idx %arg13[%add3A_1021], %gather3A_1022 : memref<32768xf32, #tpu.memory_space<vmem>>[vector<16xi32>], vector<16xf32>,
        %get3A_1023 = arith.constant 0 : i32
        %get3A_1024 = arith.constant 3 : i32
        %get3A_1025 = arith.index_cast %get3A_1023 : i32 to index
        %get3A_1026 = arith.index_cast %get3A_1024 : i32 to index
        %get3A_1027 = arith.constant 0 : index
        %get3A_1028 = tpu.vector_load %arg14[%get3A_1025, %get3A_1026, %get3A_1027] {strides = array<i32>} : memref<3x16x16xi32, #tpu.memory_space<vmem>>, vector<16xi32>,
        %get3A_1029 = arith.constant 2 : i32
        %get3A_1030 = arith.constant 3 : i32
        %get3A_1031 = arith.index_cast %get3A_1029 : i32 to index
        %get3A_1032 = arith.index_cast %get3A_1030 : i32 to index
        %get3A_1033 = arith.constant 0 : index
        %get3A_1034 = tpu.vector_load %arg14[%get3A_1031, %get3A_1032, %get3A_1033] {strides = array<i32>} : memref<3x16x16xi32, #tpu.memory_space<vmem>>, vector<16xi32>,
        %add3A_1035 = vector.broadcast %add3A_979 : i32 to vector<16xi32>
        %add3A_1036 = arith.addi %get3A_1034, %add3A_1035 : vector<16xi32>
        %gather3A_1037 = tpu.vector_load_idx %arg12[%add3A_969, %get3A_1028] : memref<1024x32xf32, #tpu.memory_space<vmem>>[vector<16xi32>, vector<16xi32>], vector<16xf32>,
        tpu.vector_store_idx %arg13[%add3A_1036], %gather3A_1037 : memref<32768xf32, #tpu.memory_space<vmem>>[vector<16xi32>], vector<16xf32>,
        %get3A_1038 = arith.constant 0 : i32
        %get3A_1039 = arith.constant 4 : i32
        %get3A_1040 = arith.index_cast %get3A_1038 : i32 to index
        %get3A_1041 = arith.index_cast %get3A_1039 : i32 to index
        %get3A_1042 = arith.constant 0 : index
        %get3A_1043 = tpu.vector_load %arg14[%get3A_1040, %get3A_1041, %get3A_1042] {strides = array<i32>} : memref<3x16x16xi32, #tpu.memory_space<vmem>>, vector<16xi32>,
        %get3A_1044 = arith.constant 2 : i32
        %get3A_1045 = arith.constant 4 : i32
        %get3A_1046 = arith.index_cast %get3A_1044 : i32 to index
        %get3A_1047 = arith.index_cast %get3A_1045 : i32 to index
        %get3A_1048 = arith.constant 0 : index
        %get3A_1049 = tpu.vector_load %arg14[%get3A_1046, %get3A_1047, %get3A_1048] {strides = array<i32>} : memref<3x16x16xi32, #tpu.memory_space<vmem>>, vector<16xi32>,
        %add3A_1050 = vector.broadcast %add3A_979 : i32 to vector<16xi32>
        %add3A_1051 = arith.addi %get3A_1049, %add3A_1050 : vector<16xi32>
        %gather3A_1052 = tpu.vector_load_idx %arg12[%add3A_969, %get3A_1043] : memref<1024x32xf32, #tpu.memory_space<vmem>>[vector<16xi32>, vector<16xi32>], vector<16xf32>,
        tpu.vector_store_idx %arg13[%add3A_1051], %gather3A_1052 : memref<32768xf32, #tpu.memory_space<vmem>>[vector<16xi32>], vector<16xf32>,
        %get3A_1053 = arith.constant 0 : i32
        %get3A_1054 = arith.constant 5 : i32
        %get3A_1055 = arith.index_cast %get3A_1053 : i32 to index
        %get3A_1056 = arith.index_cast %get3A_1054 : i32 to index
        %get3A_1057 = arith.constant 0 : index
        %get3A_1058 = tpu.vector_load %arg14[%get3A_1055, %get3A_1056, %get3A_1057] {strides = array<i32>} : memref<3x16x16xi32, #tpu.memory_space<vmem>>, vector<16xi32>,
        %get3A_1059 = arith.constant 2 : i32
        %get3A_1060 = arith.constant 5 : i32
        %get3A_1061 = arith.index_cast %get3A_1059 : i32 to index
        %get3A_1062 = arith.index_cast %get3A_1060 : i32 to index
        %get3A_1063 = arith.constant 0 : index
        %get3A_1064 = tpu.vector_load %arg14[%get3A_1061, %get3A_1062, %get3A_1063] {strides = array<i32>} : memref<3x16x16xi32, #tpu.memory_space<vmem>>, vector<16xi32>,
        %add3A_1065 = vector.broadcast %add3A_979 : i32 to vector<16xi32>
        %add3A_1066 = arith.addi %get3A_1064, %add3A_1065 : vector<16xi32>
        %gather3A_1067 = tpu.vector_load_idx %arg12[%add3A_969, %get3A_1058] : memref<1024x32xf32, #tpu.memory_space<vmem>>[vector<16xi32>, vector<16xi32>], vector<16xf32>,
        tpu.vector_store_idx %arg13[%add3A_1066], %gather3A_1067 : memref<32768xf32, #tpu.memory_space<vmem>>[vector<16xi32>], vector<16xf32>,
        %get3A_1068 = arith.constant 0 : i32
        %get3A_1069 = arith.constant 6 : i32
        %get3A_1070 = arith.index_cast %get3A_1068 : i32 to index
        %get3A_1071 = arith.index_cast %get3A_1069 : i32 to index
        %get3A_1072 = arith.constant 0 : index
        %get3A_1073 = tpu.vector_load %arg14[%get3A_1070, %get3A_1071, %get3A_1072] {strides = array<i32>} : memref<3x16x16xi32, #tpu.memory_space<vmem>>, vector<16xi32>,
        %get3A_1074 = arith.constant 2 : i32
        %get3A_1075 = arith.constant 6 : i32
        %get3A_1076 = arith.index_cast %get3A_1074 : i32 to index
        %get3A_1077 = arith.index_cast %get3A_1075 : i32 to index
        %get3A_1078 = arith.constant 0 : index
        %get3A_1079 = tpu.vector_load %arg14[%get3A_1076, %get3A_1077, %get3A_1078] {strides = array<i32>} : memref<3x16x16xi32, #tpu.memory_space<vmem>>, vector<16xi32>,
        %add3A_1080 = vector.broadcast %add3A_979 : i32 to vector<16xi32>
        %add3A_1081 = arith.addi %get3A_1079, %add3A_1080 : vector<16xi32>
        %gather3A_1082 = tpu.vector_load_idx %arg12[%add3A_969, %get3A_1073] : memref<1024x32xf32, #tpu.memory_space<vmem>>[vector<16xi32>, vector<16xi32>], vector<16xf32>,
        tpu.vector_store_idx %arg13[%add3A_1081], %gather3A_1082 : memref<32768xf32, #tpu.memory_space<vmem>>[vector<16xi32>], vector<16xf32>,
        %get3A_1083 = arith.constant 0 : i32
        %get3A_1084 = arith.constant 7 : i32
        %get3A_1085 = arith.index_cast %get3A_1083 : i32 to index
        %get3A_1086 = arith.index_cast %get3A_1084 : i32 to index
        %get3A_1087 = arith.constant 0 : index
        %get3A_1088 = tpu.vector_load %arg14[%get3A_1085, %get3A_1086, %get3A_1087] {strides = array<i32>} : memref<3x16x16xi32, #tpu.memory_space<vmem>>, vector<16xi32>,
        %get3A_1089 = arith.constant 2 : i32
        %get3A_1090 = arith.constant 7 : i32
        %get3A_1091 = arith.index_cast %get3A_1089 : i32 to index
        %get3A_1092 = arith.index_cast %get3A_1090 : i32 to index
        %get3A_1093 = arith.constant 0 : index
        %get3A_1094 = tpu.vector_load %arg14[%get3A_1091, %get3A_1092, %get3A_1093] {strides = array<i32>} : memref<3x16x16xi32, #tpu.memory_space<vmem>>, vector<16xi32>,
        %add3A_1095 = vector.broadcast %add3A_979 : i32 to vector<16xi32>
        %add3A_1096 = arith.addi %get3A_1094, %add3A_1095 : vector<16xi32>
        %gather3A_1097 = tpu.vector_load_idx %arg12[%add3A_969, %get3A_1088] : memref<1024x32xf32, #tpu.memory_space<vmem>>[vector<16xi32>, vector<16xi32>], vector<16xf32>,
        tpu.vector_store_idx %arg13[%add3A_1096], %gather3A_1097 : memref<32768xf32, #tpu.memory_space<vmem>>[vector<16xi32>], vector<16xf32>,
        %get3A_1098 = arith.constant 0 : i32
        %get3A_1099 = arith.constant 8 : i32
        %get3A_1100 = arith.index_cast %get3A_1098 : i32 to index
        %get3A_1101 = arith.index_cast %get3A_1099 : i32 to index
        %get3A_1102 = arith.constant 0 : index
        %get3A_1103 = tpu.vector_load %arg14[%get3A_1100, %get3A_1101, %get3A_1102] {strides = array<i32>} : memref<3x16x16xi32, #tpu.memory_space<vmem>>, vector<16xi32>,
        %get3A_1104 = arith.constant 2 : i32
        %get3A_1105 = arith.constant 8 : i32
        %get3A_1106 = arith.index_cast %get3A_1104 : i32 to index
        %get3A_1107 = arith.index_cast %get3A_1105 : i32 to index
        %get3A_1108 = arith.constant 0 : index
        %get3A_1109 = tpu.vector_load %arg14[%get3A_1106, %get3A_1107, %get3A_1108] {strides = array<i32>} : memref<3x16x16xi32, #tpu.memory_space<vmem>>, vector<16xi32>,
        %add3A_1110 = vector.broadcast %add3A_979 : i32 to vector<16xi32>
        %add3A_1111 = arith.addi %get3A_1109, %add3A_1110 : vector<16xi32>
        %gather3A_1112 = tpu.vector_load_idx %arg12[%add3A_969, %get3A_1103] : memref<1024x32xf32, #tpu.memory_space<vmem>>[vector<16xi32>, vector<16xi32>], vector<16xf32>,
        tpu.vector_store_idx %arg13[%add3A_1111], %gather3A_1112 : memref<32768xf32, #tpu.memory_space<vmem>>[vector<16xi32>], vector<16xf32>,
        %get3A_1113 = arith.constant 0 : i32
        %get3A_1114 = arith.constant 9 : i32
        %get3A_1115 = arith.index_cast %get3A_1113 : i32 to index
        %get3A_1116 = arith.index_cast %get3A_1114 : i32 to index
        %get3A_1117 = arith.constant 0 : index
        %get3A_1118 = tpu.vector_load %arg14[%get3A_1115, %get3A_1116, %get3A_1117] {strides = array<i32>} : memref<3x16x16xi32, #tpu.memory_space<vmem>>, vector<16xi32>,
        %get3A_1119 = arith.constant 2 : i32
        %get3A_1120 = arith.constant 9 : i32
        %get3A_1121 = arith.index_cast %get3A_1119 : i32 to index
        %get3A_1122 = arith.index_cast %get3A_1120 : i32 to index
        %get3A_1123 = arith.constant 0 : index
        %get3A_1124 = tpu.vector_load %arg14[%get3A_1121, %get3A_1122, %get3A_1123] {strides = array<i32>} : memref<3x16x16xi32, #tpu.memory_space<vmem>>, vector<16xi32>,
        %add3A_1125 = vector.broadcast %add3A_979 : i32 to vector<16xi32>
        %add3A_1126 = arith.addi %get3A_1124, %add3A_1125 : vector<16xi32>
        %gather3A_1127 = tpu.vector_load_idx %arg12[%add3A_969, %get3A_1118] : memref<1024x32xf32, #tpu.memory_space<vmem>>[vector<16xi32>, vector<16xi32>], vector<16xf32>,
        tpu.vector_store_idx %arg13[%add3A_1126], %gather3A_1127 : memref<32768xf32, #tpu.memory_space<vmem>>[vector<16xi32>], vector<16xf32>,
        %get3A_1128 = arith.constant 0 : i32
        %get3A_1129 = arith.constant 10 : i32
        %get3A_1130 = arith.index_cast %get3A_1128 : i32 to index
        %get3A_1131 = arith.index_cast %get3A_1129 : i32 to index
        %get3A_1132 = arith.constant 0 : index
        %get3A_1133 = tpu.vector_load %arg14[%get3A_1130, %get3A_1131, %get3A_1132] {strides = array<i32>} : memref<3x16x16xi32, #tpu.memory_space<vmem>>, vector<16xi32>,
        %get3A_1134 = arith.constant 2 : i32
        %get3A_1135 = arith.constant 10 : i32
        %get3A_1136 = arith.index_cast %get3A_1134 : i32 to index
        %get3A_1137 = arith.index_cast %get3A_1135 : i32 to index
        %get3A_1138 = arith.constant 0 : index
        %get3A_1139 = tpu.vector_load %arg14[%get3A_1136, %get3A_1137, %get3A_1138] {strides = array<i32>} : memref<3x16x16xi32, #tpu.memory_space<vmem>>, vector<16xi32>,
        %add3A_1140 = vector.broadcast %add3A_979 : i32 to vector<16xi32>
        %add3A_1141 = arith.addi %get3A_1139, %add3A_1140 : vector<16xi32>
        %gather3A_1142 = tpu.vector_load_idx %arg12[%add3A_969, %get3A_1133] : memref<1024x32xf32, #tpu.memory_space<vmem>>[vector<16xi32>, vector<16xi32>], vector<16xf32>,
        tpu.vector_store_idx %arg13[%add3A_1141], %gather3A_1142 : memref<32768xf32, #tpu.memory_space<vmem>>[vector<16xi32>], vector<16xf32>,
        %get3A_1143 = arith.constant 0 : i32
        %get3A_1144 = arith.constant 11 : i32
        %get3A_1145 = arith.index_cast %get3A_1143 : i32 to index
        %get3A_1146 = arith.index_cast %get3A_1144 : i32 to index
        %get3A_1147 = arith.constant 0 : index
        %get3A_1148 = tpu.vector_load %arg14[%get3A_1145, %get3A_1146, %get3A_1147] {strides = array<i32>} : memref<3x16x16xi32, #tpu.memory_space<vmem>>, vector<16xi32>,
        %get3A_1149 = arith.constant 2 : i32
        %get3A_1150 = arith.constant 11 : i32
        %get3A_1151 = arith.index_cast %get3A_1149 : i32 to index
        %get3A_1152 = arith.index_cast %get3A_1150 : i32 to index
        %get3A_1153 = arith.constant 0 : index
        %get3A_1154 = tpu.vector_load %arg14[%get3A_1151, %get3A_1152, %get3A_1153] {strides = array<i32>} : memref<3x16x16xi32, #tpu.memory_space<vmem>>, vector<16xi32>,
        %add3A_1155 = vector.broadcast %add3A_979 : i32 to vector<16xi32>
        %add3A_1156 = arith.addi %get3A_1154, %add3A_1155 : vector<16xi32>
        %gather3A_1157 = tpu.vector_load_idx %arg12[%add3A_969, %get3A_1148] : memref<1024x32xf32, #tpu.memory_space<vmem>>[vector<16xi32>, vector<16xi32>], vector<16xf32>,
        tpu.vector_store_idx %arg13[%add3A_1156], %gather3A_1157 : memref<32768xf32, #tpu.memory_space<vmem>>[vector<16xi32>], vector<16xf32>,
        %get3A_1158 = arith.constant 0 : i32
        %get3A_1159 = arith.constant 12 : i32
        %get3A_1160 = arith.index_cast %get3A_1158 : i32 to index
        %get3A_1161 = arith.index_cast %get3A_1159 : i32 to index
        %get3A_1162 = arith.constant 0 : index
        %get3A_1163 = tpu.vector_load %arg14[%get3A_1160, %get3A_1161, %get3A_1162] {strides = array<i32>} : memref<3x16x16xi32, #tpu.memory_space<vmem>>, vector<16xi32>,
        %get3A_1164 = arith.constant 2 : i32
        %get3A_1165 = arith.constant 12 : i32
        %get3A_1166 = arith.index_cast %get3A_1164 : i32 to index
        %get3A_1167 = arith.index_cast %get3A_1165 : i32 to index
        %get3A_1168 = arith.constant 0 : index
        %get3A_1169 = tpu.vector_load %arg14[%get3A_1166, %get3A_1167, %get3A_1168] {strides = array<i32>} : memref<3x16x16xi32, #tpu.memory_space<vmem>>, vector<16xi32>,
        %add3A_1170 = vector.broadcast %add3A_979 : i32 to vector<16xi32>
        %add3A_1171 = arith.addi %get3A_1169, %add3A_1170 : vector<16xi32>
        %gather3A_1172 = tpu.vector_load_idx %arg12[%add3A_969, %get3A_1163] : memref<1024x32xf32, #tpu.memory_space<vmem>>[vector<16xi32>, vector<16xi32>], vector<16xf32>,
        tpu.vector_store_idx %arg13[%add3A_1171], %gather3A_1172 : memref<32768xf32, #tpu.memory_space<vmem>>[vector<16xi32>], vector<16xf32>,
        %get3A_1173 = arith.constant 0 : i32
        %get3A_1174 = arith.constant 13 : i32
        %get3A_1175 = arith.index_cast %get3A_1173 : i32 to index
        %get3A_1176 = arith.index_cast %get3A_1174 : i32 to index
        %get3A_1177 = arith.constant 0 : index
        %get3A_1178 = tpu.vector_load %arg14[%get3A_1175, %get3A_1176, %get3A_1177] {strides = array<i32>} : memref<3x16x16xi32, #tpu.memory_space<vmem>>, vector<16xi32>,
        %get3A_1179 = arith.constant 2 : i32
        %get3A_1180 = arith.constant 13 : i32
        %get3A_1181 = arith.index_cast %get3A_1179 : i32 to index
        %get3A_1182 = arith.index_cast %get3A_1180 : i32 to index
        %get3A_1183 = arith.constant 0 : index
        %get3A_1184 = tpu.vector_load %arg14[%get3A_1181, %get3A_1182, %get3A_1183] {strides = array<i32>} : memref<3x16x16xi32, #tpu.memory_space<vmem>>, vector<16xi32>,
        %add3A_1185 = vector.broadcast %add3A_979 : i32 to vector<16xi32>
        %add3A_1186 = arith.addi %get3A_1184, %add3A_1185 : vector<16xi32>
        %gather3A_1187 = tpu.vector_load_idx %arg12[%add3A_969, %get3A_1178] : memref<1024x32xf32, #tpu.memory_space<vmem>>[vector<16xi32>, vector<16xi32>], vector<16xf32>,
        tpu.vector_store_idx %arg13[%add3A_1186], %gather3A_1187 : memref<32768xf32, #tpu.memory_space<vmem>>[vector<16xi32>], vector<16xf32>,
        %get3A_1188 = arith.constant 0 : i32
        %get3A_1189 = arith.constant 14 : i32
        %get3A_1190 = arith.index_cast %get3A_1188 : i32 to index
        %get3A_1191 = arith.index_cast %get3A_1189 : i32 to index
        %get3A_1192 = arith.constant 0 : index
        %get3A_1193 = tpu.vector_load %arg14[%get3A_1190, %get3A_1191, %get3A_1192] {strides = array<i32>} : memref<3x16x16xi32, #tpu.memory_space<vmem>>, vector<16xi32>,
        %get3A_1194 = arith.constant 2 : i32
        %get3A_1195 = arith.constant 14 : i32
        %get3A_1196 = arith.index_cast %get3A_1194 : i32 to index
        %get3A_1197 = arith.index_cast %get3A_1195 : i32 to index
        %get3A_1198 = arith.constant 0 : index
        %get3A_1199 = tpu.vector_load %arg14[%get3A_1196, %get3A_1197, %get3A_1198] {strides = array<i32>} : memref<3x16x16xi32, #tpu.memory_space<vmem>>, vector<16xi32>,
        %add3A_1200 = vector.broadcast %add3A_979 : i32 to vector<16xi32>
        %add3A_1201 = arith.addi %get3A_1199, %add3A_1200 : vector<16xi32>
        %gather3A_1202 = tpu.vector_load_idx %arg12[%add3A_969, %get3A_1193] : memref<1024x32xf32, #tpu.memory_space<vmem>>[vector<16xi32>, vector<16xi32>], vector<16xf32>,
        tpu.vector_store_idx %arg13[%add3A_1201], %gather3A_1202 : memref<32768xf32, #tpu.memory_space<vmem>>[vector<16xi32>], vector<16xf32>,
        %get3A_1203 = arith.constant 0 : i32
        %get3A_1204 = arith.constant 15 : i32
        %get3A_1205 = arith.index_cast %get3A_1203 : i32 to index
        %get3A_1206 = arith.index_cast %get3A_1204 : i32 to index
        %get3A_1207 = arith.constant 0 : index
        %get3A_1208 = tpu.vector_load %arg14[%get3A_1205, %get3A_1206, %get3A_1207] {strides = array<i32>} : memref<3x16x16xi32, #tpu.memory_space<vmem>>, vector<16xi32>,
        %get3A_1209 = arith.constant 2 : i32
        %get3A_1210 = arith.constant 15 : i32
        %get3A_1211 = arith.index_cast %get3A_1209 : i32 to index
        %get3A_1212 = arith.index_cast %get3A_1210 : i32 to index
        %get3A_1213 = arith.constant 0 : index
        %get3A_1214 = tpu.vector_load %arg14[%get3A_1211, %get3A_1212, %get3A_1213] {strides = array<i32>} : memref<3x16x16xi32, #tpu.memory_space<vmem>>, vector<16xi32>,
        %add3A_1215 = vector.broadcast %add3A_979 : i32 to vector<16xi32>
        %add3A_1216 = arith.addi %get3A_1214, %add3A_1215 : vector<16xi32>
        %gather3A_1217 = tpu.vector_load_idx %arg12[%add3A_969, %get3A_1208] : memref<1024x32xf32, #tpu.memory_space<vmem>>[vector<16xi32>, vector<16xi32>], vector<16xf32>,
        tpu.vector_store_idx %arg13[%add3A_1216], %gather3A_1217 : memref<32768xf32, #tpu.memory_space<vmem>>[vector<16xi32>], vector<16xf32>,
      }
      %scan3A_907 = arith.constant 32 : i32
      %scan3A_908 = arith.constant 0 : i32
      %scan3A_909 = arith.constant 0 : i32
      %scan3A_910 = arith.constant 32 : i32
      %scan3A_911 = arith.addi %scan3A_909, %scan3A_910 : i32
      %scan3A_912 = arith.constant 1 : i32
      scf.for %scan3A_933 = %scan3A_909 to %scan3A_911 step %scan3A_912  : i32 {
        %jit3A_934 = arith.constant 8 : i32
        %div3A_935 = arith.divsi %scan3A_933, %jit3A_934 : i32
        %sign3A_936 = arith.constant 0 : i32
        %sign3A_937 = arith.cmpi sgt, %scan3A_933, %sign3A_936 : i32
        %sign3A_938 = arith.extui %sign3A_937 : i1 to i32
        %sign3A_939 = arith.constant 0 : i32
        %sign3A_940 = arith.cmpi slt, %scan3A_933, %sign3A_939 : i32
        %sign3A_941 = arith.extui %sign3A_940 : i1 to i32
        %sign3A_942 = arith.subi %sign3A_938, %sign3A_941 : i32
        %sign3A_943 = arith.constant 0 : i32
        %sign3A_944 = arith.cmpi sgt, %jit3A_934, %sign3A_943 : i32
        %sign3A_945 = arith.extui %sign3A_944 : i1 to i32
        %sign3A_946 = arith.constant 0 : i32
        %sign3A_947 = arith.cmpi slt, %jit3A_934, %sign3A_946 : i32
        %sign3A_948 = arith.extui %sign3A_947 : i1 to i32
        %sign3A_949 = arith.subi %sign3A_945, %sign3A_948 : i32
        %ne3A_950 = arith.cmpi ne, %sign3A_942, %sign3A_949 : i32
        %rem3A_951 = arith.remsi %scan3A_933, %jit3A_934 : i32
        %ne3A_952 = arith.constant 0 : i32
        %ne3A_953 = arith.cmpi ne, %rem3A_951, %ne3A_952 : i32
        %and3A_954 = arith.andi %ne3A_950, %ne3A_953 : i1
        %sub3A_955 = arith.constant 1 : i32
        %sub3A_956 = arith.subi %div3A_935, %sub3A_955 : i32
        %select_n3A_957 = arith.select %and3A_954, %sub3A_956, %div3A_935 : i32
        %rem3A_958 = arith.constant 8 : i32
        %rem3A_959 = arith.remsi %scan3A_933, %rem3A_958 : i32
        %mul3A_960 = arith.constant 512 : i32
        %mul3A_961 = arith.muli %rem3A_881, %mul3A_960 : i32
        %mul3A_962 = arith.constant 128 : i32
        %mul3A_963 = arith.muli %select_n3A_957, %mul3A_962 : i32
        %add3A_964 = arith.addi %mul3A_961, %mul3A_963 : i32
        %mul3A_965 = arith.constant 16 : i32
        %mul3A_966 = arith.muli %rem3A_959, %mul3A_965 : i32
        %add3A_967 = arith.addi %add3A_964, %mul3A_966 : i32
        %add3A_968 = vector.broadcast %add3A_967 : i32 to vector<16xi32>
        %add3A_969 = arith.addi %add3A_968, %iota3A : vector<16xi32>
        %mul3A_970 = arith.constant 16384 : i32
        %mul3A_971 = arith.muli %rem3A_881, %mul3A_970 : i32
        %add3A_972 = arith.constant 8192 : i32
        %add3A_973 = arith.addi %mul3A_971, %add3A_972 : i32
        %mul3A_974 = arith.constant 1024 : i32
        %mul3A_975 = arith.muli %select_n3A_957, %mul3A_974 : i32
        %add3A_976 = arith.addi %add3A_973, %mul3A_975 : i32
        %mul3A_977 = arith.constant 16 : i32
        %mul3A_978 = arith.muli %rem3A_959, %mul3A_977 : i32
        %add3A_979 = arith.addi %add3A_976, %mul3A_978 : i32
        %get3A = arith.constant 1 : i32
        %get3A_980 = arith.constant 0 : i32
        %get3A_981 = arith.index_cast %get3A : i32 to index
        %get3A_982 = arith.index_cast %get3A_980 : i32 to index
        %get3A_983 = arith.constant 0 : index
        %get3A_984 = tpu.vector_load %arg14[%get3A_981, %get3A_982, %get3A_983] {strides = array<i32>} : memref<3x16x16xi32, #tpu.memory_space<vmem>>, vector<16xi32>,
        %get3A_985 = arith.constant 2 : i32
        %get3A_986 = arith.constant 0 : i32
        %get3A_987 = arith.index_cast %get3A_985 : i32 to index
        %get3A_988 = arith.index_cast %get3A_986 : i32 to index
        %get3A_989 = arith.constant 0 : index
        %get3A_990 = tpu.vector_load %arg14[%get3A_987, %get3A_988, %get3A_989] {strides = array<i32>} : memref<3x16x16xi32, #tpu.memory_space<vmem>>, vector<16xi32>,
        %add3A_991 = vector.broadcast %add3A_979 : i32 to vector<16xi32>
        %add3A_992 = arith.addi %get3A_990, %add3A_991 : vector<16xi32>
        %gather3A = tpu.vector_load_idx %arg12[%add3A_969, %get3A_984] : memref<1024x32xf32, #tpu.memory_space<vmem>>[vector<16xi32>, vector<16xi32>], vector<16xf32>,
        tpu.vector_store_idx %arg13[%add3A_992], %gather3A : memref<32768xf32, #tpu.memory_space<vmem>>[vector<16xi32>], vector<16xf32>,
        %get3A_993 = arith.constant 1 : i32
        %get3A_994 = arith.constant 1 : i32
        %get3A_995 = arith.index_cast %get3A_993 : i32 to index
        %get3A_996 = arith.index_cast %get3A_994 : i32 to index
        %get3A_997 = arith.constant 0 : index
        %get3A_998 = tpu.vector_load %arg14[%get3A_995, %get3A_996, %get3A_997] {strides = array<i32>} : memref<3x16x16xi32, #tpu.memory_space<vmem>>, vector<16xi32>,
        %get3A_999 = arith.constant 2 : i32
        %get3A_1000 = arith.constant 1 : i32
        %get3A_1001 = arith.index_cast %get3A_999 : i32 to index
        %get3A_1002 = arith.index_cast %get3A_1000 : i32 to index
        %get3A_1003 = arith.constant 0 : index
        %get3A_1004 = tpu.vector_load %arg14[%get3A_1001, %get3A_1002, %get3A_1003] {strides = array<i32>} : memref<3x16x16xi32, #tpu.memory_space<vmem>>, vector<16xi32>,
        %add3A_1005 = vector.broadcast %add3A_979 : i32 to vector<16xi32>
        %add3A_1006 = arith.addi %get3A_1004, %add3A_1005 : vector<16xi32>
        %gather3A_1007 = tpu.vector_load_idx %arg12[%add3A_969, %get3A_998] : memref<1024x32xf32, #tpu.memory_space<vmem>>[vector<16xi32>, vector<16xi32>], vector<16xf32>,
        tpu.vector_store_idx %arg13[%add3A_1006], %gather3A_1007 : memref<32768xf32, #tpu.memory_space<vmem>>[vector<16xi32>], vector<16xf32>,
        %get3A_1008 = arith.constant 1 : i32
        %get3A_1009 = arith.constant 2 : i32
        %get3A_1010 = arith.index_cast %get3A_1008 : i32 to index
        %get3A_1011 = arith.index_cast %get3A_1009 : i32 to index
        %get3A_1012 = arith.constant 0 : index
        %get3A_1013 = tpu.vector_load %arg14[%get3A_1010, %get3A_1011, %get3A_1012] {strides = array<i32>} : memref<3x16x16xi32, #tpu.memory_space<vmem>>, vector<16xi32>,
        %get3A_1014 = arith.constant 2 : i32
        %get3A_1015 = arith.constant 2 : i32
        %get3A_1016 = arith.index_cast %get3A_1014 : i32 to index
        %get3A_1017 = arith.index_cast %get3A_1015 : i32 to index
        %get3A_1018 = arith.constant 0 : index
        %get3A_1019 = tpu.vector_load %arg14[%get3A_1016, %get3A_1017, %get3A_1018] {strides = array<i32>} : memref<3x16x16xi32, #tpu.memory_space<vmem>>, vector<16xi32>,
        %add3A_1020 = vector.broadcast %add3A_979 : i32 to vector<16xi32>
        %add3A_1021 = arith.addi %get3A_1019, %add3A_1020 : vector<16xi32>
        %gather3A_1022 = tpu.vector_load_idx %arg12[%add3A_969, %get3A_1013] : memref<1024x32xf32, #tpu.memory_space<vmem>>[vector<16xi32>, vector<16xi32>], vector<16xf32>,
        tpu.vector_store_idx %arg13[%add3A_1021], %gather3A_1022 : memref<32768xf32, #tpu.memory_space<vmem>>[vector<16xi32>], vector<16xf32>,
        %get3A_1023 = arith.constant 1 : i32
        %get3A_1024 = arith.constant 3 : i32
        %get3A_1025 = arith.index_cast %get3A_1023 : i32 to index
        %get3A_1026 = arith.index_cast %get3A_1024 : i32 to index
        %get3A_1027 = arith.constant 0 : index
        %get3A_1028 = tpu.vector_load %arg14[%get3A_1025, %get3A_1026, %get3A_1027] {strides = array<i32>} : memref<3x16x16xi32, #tpu.memory_space<vmem>>, vector<16xi32>,
        %get3A_1029 = arith.constant 2 : i32
        %get3A_1030 = arith.constant 3 : i32
        %get3A_1031 = arith.index_cast %get3A_1029 : i32 to index
        %get3A_1032 = arith.index_cast %get3A_1030 : i32 to index
        %get3A_1033 = arith.constant 0 : index
        %get3A_1034 = tpu.vector_load %arg14[%get3A_1031, %get3A_1032, %get3A_1033] {strides = array<i32>} : memref<3x16x16xi32, #tpu.memory_space<vmem>>, vector<16xi32>,
        %add3A_1035 = vector.broadcast %add3A_979 : i32 to vector<16xi32>
        %add3A_1036 = arith.addi %get3A_1034, %add3A_1035 : vector<16xi32>
        %gather3A_1037 = tpu.vector_load_idx %arg12[%add3A_969, %get3A_1028] : memref<1024x32xf32, #tpu.memory_space<vmem>>[vector<16xi32>, vector<16xi32>], vector<16xf32>,
        tpu.vector_store_idx %arg13[%add3A_1036], %gather3A_1037 : memref<32768xf32, #tpu.memory_space<vmem>>[vector<16xi32>], vector<16xf32>,
        %get3A_1038 = arith.constant 1 : i32
        %get3A_1039 = arith.constant 4 : i32
        %get3A_1040 = arith.index_cast %get3A_1038 : i32 to index
        %get3A_1041 = arith.index_cast %get3A_1039 : i32 to index
        %get3A_1042 = arith.constant 0 : index
        %get3A_1043 = tpu.vector_load %arg14[%get3A_1040, %get3A_1041, %get3A_1042] {strides = array<i32>} : memref<3x16x16xi32, #tpu.memory_space<vmem>>, vector<16xi32>,
        %get3A_1044 = arith.constant 2 : i32
        %get3A_1045 = arith.constant 4 : i32
        %get3A_1046 = arith.index_cast %get3A_1044 : i32 to index
        %get3A_1047 = arith.index_cast %get3A_1045 : i32 to index
        %get3A_1048 = arith.constant 0 : index
        %get3A_1049 = tpu.vector_load %arg14[%get3A_1046, %get3A_1047, %get3A_1048] {strides = array<i32>} : memref<3x16x16xi32, #tpu.memory_space<vmem>>, vector<16xi32>,
        %add3A_1050 = vector.broadcast %add3A_979 : i32 to vector<16xi32>
        %add3A_1051 = arith.addi %get3A_1049, %add3A_1050 : vector<16xi32>
        %gather3A_1052 = tpu.vector_load_idx %arg12[%add3A_969, %get3A_1043] : memref<1024x32xf32, #tpu.memory_space<vmem>>[vector<16xi32>, vector<16xi32>], vector<16xf32>,
        tpu.vector_store_idx %arg13[%add3A_1051], %gather3A_1052 : memref<32768xf32, #tpu.memory_space<vmem>>[vector<16xi32>], vector<16xf32>,
        %get3A_1053 = arith.constant 1 : i32
        %get3A_1054 = arith.constant 5 : i32
        %get3A_1055 = arith.index_cast %get3A_1053 : i32 to index
        %get3A_1056 = arith.index_cast %get3A_1054 : i32 to index
        %get3A_1057 = arith.constant 0 : index
        %get3A_1058 = tpu.vector_load %arg14[%get3A_1055, %get3A_1056, %get3A_1057] {strides = array<i32>} : memref<3x16x16xi32, #tpu.memory_space<vmem>>, vector<16xi32>,
        %get3A_1059 = arith.constant 2 : i32
        %get3A_1060 = arith.constant 5 : i32
        %get3A_1061 = arith.index_cast %get3A_1059 : i32 to index
        %get3A_1062 = arith.index_cast %get3A_1060 : i32 to index
        %get3A_1063 = arith.constant 0 : index
        %get3A_1064 = tpu.vector_load %arg14[%get3A_1061, %get3A_1062, %get3A_1063] {strides = array<i32>} : memref<3x16x16xi32, #tpu.memory_space<vmem>>, vector<16xi32>,
        %add3A_1065 = vector.broadcast %add3A_979 : i32 to vector<16xi32>
        %add3A_1066 = arith.addi %get3A_1064, %add3A_1065 : vector<16xi32>
        %gather3A_1067 = tpu.vector_load_idx %arg12[%add3A_969, %get3A_1058] : memref<1024x32xf32, #tpu.memory_space<vmem>>[vector<16xi32>, vector<16xi32>], vector<16xf32>,
        tpu.vector_store_idx %arg13[%add3A_1066], %gather3A_1067 : memref<32768xf32, #tpu.memory_space<vmem>>[vector<16xi32>], vector<16xf32>,
        %get3A_1068 = arith.constant 1 : i32
        %get3A_1069 = arith.constant 6 : i32
        %get3A_1070 = arith.index_cast %get3A_1068 : i32 to index
        %get3A_1071 = arith.index_cast %get3A_1069 : i32 to index
        %get3A_1072 = arith.constant 0 : index
        %get3A_1073 = tpu.vector_load %arg14[%get3A_1070, %get3A_1071, %get3A_1072] {strides = array<i32>} : memref<3x16x16xi32, #tpu.memory_space<vmem>>, vector<16xi32>,
        %get3A_1074 = arith.constant 2 : i32
        %get3A_1075 = arith.constant 6 : i32
        %get3A_1076 = arith.index_cast %get3A_1074 : i32 to index
        %get3A_1077 = arith.index_cast %get3A_1075 : i32 to index
        %get3A_1078 = arith.constant 0 : index
        %get3A_1079 = tpu.vector_load %arg14[%get3A_1076, %get3A_1077, %get3A_1078] {strides = array<i32>} : memref<3x16x16xi32, #tpu.memory_space<vmem>>, vector<16xi32>,
        %add3A_1080 = vector.broadcast %add3A_979 : i32 to vector<16xi32>
        %add3A_1081 = arith.addi %get3A_1079, %add3A_1080 : vector<16xi32>
        %gather3A_1082 = tpu.vector_load_idx %arg12[%add3A_969, %get3A_1073] : memref<1024x32xf32, #tpu.memory_space<vmem>>[vector<16xi32>, vector<16xi32>], vector<16xf32>,
        tpu.vector_store_idx %arg13[%add3A_1081], %gather3A_1082 : memref<32768xf32, #tpu.memory_space<vmem>>[vector<16xi32>], vector<16xf32>,
        %get3A_1083 = arith.constant 1 : i32
        %get3A_1084 = arith.constant 7 : i32
        %get3A_1085 = arith.index_cast %get3A_1083 : i32 to index
        %get3A_1086 = arith.index_cast %get3A_1084 : i32 to index
        %get3A_1087 = arith.constant 0 : index
        %get3A_1088 = tpu.vector_load %arg14[%get3A_1085, %get3A_1086, %get3A_1087] {strides = array<i32>} : memref<3x16x16xi32, #tpu.memory_space<vmem>>, vector<16xi32>,
        %get3A_1089 = arith.constant 2 : i32
        %get3A_1090 = arith.constant 7 : i32
        %get3A_1091 = arith.index_cast %get3A_1089 : i32 to index
        %get3A_1092 = arith.index_cast %get3A_1090 : i32 to index
        %get3A_1093 = arith.constant 0 : index
        %get3A_1094 = tpu.vector_load %arg14[%get3A_1091, %get3A_1092, %get3A_1093] {strides = array<i32>} : memref<3x16x16xi32, #tpu.memory_space<vmem>>, vector<16xi32>,
        %add3A_1095 = vector.broadcast %add3A_979 : i32 to vector<16xi32>
        %add3A_1096 = arith.addi %get3A_1094, %add3A_1095 : vector<16xi32>
        %gather3A_1097 = tpu.vector_load_idx %arg12[%add3A_969, %get3A_1088] : memref<1024x32xf32, #tpu.memory_space<vmem>>[vector<16xi32>, vector<16xi32>], vector<16xf32>,
        tpu.vector_store_idx %arg13[%add3A_1096], %gather3A_1097 : memref<32768xf32, #tpu.memory_space<vmem>>[vector<16xi32>], vector<16xf32>,
        %get3A_1098 = arith.constant 1 : i32
        %get3A_1099 = arith.constant 8 : i32
        %get3A_1100 = arith.index_cast %get3A_1098 : i32 to index
        %get3A_1101 = arith.index_cast %get3A_1099 : i32 to index
        %get3A_1102 = arith.constant 0 : index
        %get3A_1103 = tpu.vector_load %arg14[%get3A_1100, %get3A_1101, %get3A_1102] {strides = array<i32>} : memref<3x16x16xi32, #tpu.memory_space<vmem>>, vector<16xi32>,
        %get3A_1104 = arith.constant 2 : i32
        %get3A_1105 = arith.constant 8 : i32
        %get3A_1106 = arith.index_cast %get3A_1104 : i32 to index
        %get3A_1107 = arith.index_cast %get3A_1105 : i32 to index
        %get3A_1108 = arith.constant 0 : index
        %get3A_1109 = tpu.vector_load %arg14[%get3A_1106, %get3A_1107, %get3A_1108] {strides = array<i32>} : memref<3x16x16xi32, #tpu.memory_space<vmem>>, vector<16xi32>,
        %add3A_1110 = vector.broadcast %add3A_979 : i32 to vector<16xi32>
        %add3A_1111 = arith.addi %get3A_1109, %add3A_1110 : vector<16xi32>
        %gather3A_1112 = tpu.vector_load_idx %arg12[%add3A_969, %get3A_1103] : memref<1024x32xf32, #tpu.memory_space<vmem>>[vector<16xi32>, vector<16xi32>], vector<16xf32>,
        tpu.vector_store_idx %arg13[%add3A_1111], %gather3A_1112 : memref<32768xf32, #tpu.memory_space<vmem>>[vector<16xi32>], vector<16xf32>,
        %get3A_1113 = arith.constant 1 : i32
        %get3A_1114 = arith.constant 9 : i32
        %get3A_1115 = arith.index_cast %get3A_1113 : i32 to index
        %get3A_1116 = arith.index_cast %get3A_1114 : i32 to index
        %get3A_1117 = arith.constant 0 : index
        %get3A_1118 = tpu.vector_load %arg14[%get3A_1115, %get3A_1116, %get3A_1117] {strides = array<i32>} : memref<3x16x16xi32, #tpu.memory_space<vmem>>, vector<16xi32>,
        %get3A_1119 = arith.constant 2 : i32
        %get3A_1120 = arith.constant 9 : i32
        %get3A_1121 = arith.index_cast %get3A_1119 : i32 to index
        %get3A_1122 = arith.index_cast %get3A_1120 : i32 to index
        %get3A_1123 = arith.constant 0 : index
        %get3A_1124 = tpu.vector_load %arg14[%get3A_1121, %get3A_1122, %get3A_1123] {strides = array<i32>} : memref<3x16x16xi32, #tpu.memory_space<vmem>>, vector<16xi32>,
        %add3A_1125 = vector.broadcast %add3A_979 : i32 to vector<16xi32>
        %add3A_1126 = arith.addi %get3A_1124, %add3A_1125 : vector<16xi32>
        %gather3A_1127 = tpu.vector_load_idx %arg12[%add3A_969, %get3A_1118] : memref<1024x32xf32, #tpu.memory_space<vmem>>[vector<16xi32>, vector<16xi32>], vector<16xf32>,
        tpu.vector_store_idx %arg13[%add3A_1126], %gather3A_1127 : memref<32768xf32, #tpu.memory_space<vmem>>[vector<16xi32>], vector<16xf32>,
        %get3A_1128 = arith.constant 1 : i32
        %get3A_1129 = arith.constant 10 : i32
        %get3A_1130 = arith.index_cast %get3A_1128 : i32 to index
        %get3A_1131 = arith.index_cast %get3A_1129 : i32 to index
        %get3A_1132 = arith.constant 0 : index
        %get3A_1133 = tpu.vector_load %arg14[%get3A_1130, %get3A_1131, %get3A_1132] {strides = array<i32>} : memref<3x16x16xi32, #tpu.memory_space<vmem>>, vector<16xi32>,
        %get3A_1134 = arith.constant 2 : i32
        %get3A_1135 = arith.constant 10 : i32
        %get3A_1136 = arith.index_cast %get3A_1134 : i32 to index
        %get3A_1137 = arith.index_cast %get3A_1135 : i32 to index
        %get3A_1138 = arith.constant 0 : index
        %get3A_1139 = tpu.vector_load %arg14[%get3A_1136, %get3A_1137, %get3A_1138] {strides = array<i32>} : memref<3x16x16xi32, #tpu.memory_space<vmem>>, vector<16xi32>,
        %add3A_1140 = vector.broadcast %add3A_979 : i32 to vector<16xi32>
        %add3A_1141 = arith.addi %get3A_1139, %add3A_1140 : vector<16xi32>
        %gather3A_1142 = tpu.vector_load_idx %arg12[%add3A_969, %get3A_1133] : memref<1024x32xf32, #tpu.memory_space<vmem>>[vector<16xi32>, vector<16xi32>], vector<16xf32>,
        tpu.vector_store_idx %arg13[%add3A_1141], %gather3A_1142 : memref<32768xf32, #tpu.memory_space<vmem>>[vector<16xi32>], vector<16xf32>,
        %get3A_1143 = arith.constant 1 : i32
        %get3A_1144 = arith.constant 11 : i32
        %get3A_1145 = arith.index_cast %get3A_1143 : i32 to index
        %get3A_1146 = arith.index_cast %get3A_1144 : i32 to index
        %get3A_1147 = arith.constant 0 : index
        %get3A_1148 = tpu.vector_load %arg14[%get3A_1145, %get3A_1146, %get3A_1147] {strides = array<i32>} : memref<3x16x16xi32, #tpu.memory_space<vmem>>, vector<16xi32>,
        %get3A_1149 = arith.constant 2 : i32
        %get3A_1150 = arith.constant 11 : i32
        %get3A_1151 = arith.index_cast %get3A_1149 : i32 to index
        %get3A_1152 = arith.index_cast %get3A_1150 : i32 to index
        %get3A_1153 = arith.constant 0 : index
        %get3A_1154 = tpu.vector_load %arg14[%get3A_1151, %get3A_1152, %get3A_1153] {strides = array<i32>} : memref<3x16x16xi32, #tpu.memory_space<vmem>>, vector<16xi32>,
        %add3A_1155 = vector.broadcast %add3A_979 : i32 to vector<16xi32>
        %add3A_1156 = arith.addi %get3A_1154, %add3A_1155 : vector<16xi32>
        %gather3A_1157 = tpu.vector_load_idx %arg12[%add3A_969, %get3A_1148] : memref<1024x32xf32, #tpu.memory_space<vmem>>[vector<16xi32>, vector<16xi32>], vector<16xf32>,
        tpu.vector_store_idx %arg13[%add3A_1156], %gather3A_1157 : memref<32768xf32, #tpu.memory_space<vmem>>[vector<16xi32>], vector<16xf32>,
        %get3A_1158 = arith.constant 1 : i32
        %get3A_1159 = arith.constant 12 : i32
        %get3A_1160 = arith.index_cast %get3A_1158 : i32 to index
        %get3A_1161 = arith.index_cast %get3A_1159 : i32 to index
        %get3A_1162 = arith.constant 0 : index
        %get3A_1163 = tpu.vector_load %arg14[%get3A_1160, %get3A_1161, %get3A_1162] {strides = array<i32>} : memref<3x16x16xi32, #tpu.memory_space<vmem>>, vector<16xi32>,
        %get3A_1164 = arith.constant 2 : i32
        %get3A_1165 = arith.constant 12 : i32
        %get3A_1166 = arith.index_cast %get3A_1164 : i32 to index
        %get3A_1167 = arith.index_cast %get3A_1165 : i32 to index
        %get3A_1168 = arith.constant 0 : index
        %get3A_1169 = tpu.vector_load %arg14[%get3A_1166, %get3A_1167, %get3A_1168] {strides = array<i32>} : memref<3x16x16xi32, #tpu.memory_space<vmem>>, vector<16xi32>,
        %add3A_1170 = vector.broadcast %add3A_979 : i32 to vector<16xi32>
        %add3A_1171 = arith.addi %get3A_1169, %add3A_1170 : vector<16xi32>
        %gather3A_1172 = tpu.vector_load_idx %arg12[%add3A_969, %get3A_1163] : memref<1024x32xf32, #tpu.memory_space<vmem>>[vector<16xi32>, vector<16xi32>], vector<16xf32>,
        tpu.vector_store_idx %arg13[%add3A_1171], %gather3A_1172 : memref<32768xf32, #tpu.memory_space<vmem>>[vector<16xi32>], vector<16xf32>,
        %get3A_1173 = arith.constant 1 : i32
        %get3A_1174 = arith.constant 13 : i32
        %get3A_1175 = arith.index_cast %get3A_1173 : i32 to index
        %get3A_1176 = arith.index_cast %get3A_1174 : i32 to index
        %get3A_1177 = arith.constant 0 : index
        %get3A_1178 = tpu.vector_load %arg14[%get3A_1175, %get3A_1176, %get3A_1177] {strides = array<i32>} : memref<3x16x16xi32, #tpu.memory_space<vmem>>, vector<16xi32>,
        %get3A_1179 = arith.constant 2 : i32
        %get3A_1180 = arith.constant 13 : i32
        %get3A_1181 = arith.index_cast %get3A_1179 : i32 to index
        %get3A_1182 = arith.index_cast %get3A_1180 : i32 to index
        %get3A_1183 = arith.constant 0 : index
        %get3A_1184 = tpu.vector_load %arg14[%get3A_1181, %get3A_1182, %get3A_1183] {strides = array<i32>} : memref<3x16x16xi32, #tpu.memory_space<vmem>>, vector<16xi32>,
        %add3A_1185 = vector.broadcast %add3A_979 : i32 to vector<16xi32>
        %add3A_1186 = arith.addi %get3A_1184, %add3A_1185 : vector<16xi32>
        %gather3A_1187 = tpu.vector_load_idx %arg12[%add3A_969, %get3A_1178] : memref<1024x32xf32, #tpu.memory_space<vmem>>[vector<16xi32>, vector<16xi32>], vector<16xf32>,
        tpu.vector_store_idx %arg13[%add3A_1186], %gather3A_1187 : memref<32768xf32, #tpu.memory_space<vmem>>[vector<16xi32>], vector<16xf32>,
        %get3A_1188 = arith.constant 1 : i32
        %get3A_1189 = arith.constant 14 : i32
        %get3A_1190 = arith.index_cast %get3A_1188 : i32 to index
        %get3A_1191 = arith.index_cast %get3A_1189 : i32 to index
        %get3A_1192 = arith.constant 0 : index
        %get3A_1193 = tpu.vector_load %arg14[%get3A_1190, %get3A_1191, %get3A_1192] {strides = array<i32>} : memref<3x16x16xi32, #tpu.memory_space<vmem>>, vector<16xi32>,
        %get3A_1194 = arith.constant 2 : i32
        %get3A_1195 = arith.constant 14 : i32
        %get3A_1196 = arith.index_cast %get3A_1194 : i32 to index
        %get3A_1197 = arith.index_cast %get3A_1195 : i32 to index
        %get3A_1198 = arith.constant 0 : index
        %get3A_1199 = tpu.vector_load %arg14[%get3A_1196, %get3A_1197, %get3A_1198] {strides = array<i32>} : memref<3x16x16xi32, #tpu.memory_space<vmem>>, vector<16xi32>,
        %add3A_1200 = vector.broadcast %add3A_979 : i32 to vector<16xi32>
        %add3A_1201 = arith.addi %get3A_1199, %add3A_1200 : vector<16xi32>
        %gather3A_1202 = tpu.vector_load_idx %arg12[%add3A_969, %get3A_1193] : memref<1024x32xf32, #tpu.memory_space<vmem>>[vector<16xi32>, vector<16xi32>], vector<16xf32>,
        tpu.vector_store_idx %arg13[%add3A_1201], %gather3A_1202 : memref<32768xf32, #tpu.memory_space<vmem>>[vector<16xi32>], vector<16xf32>,
        %get3A_1203 = arith.constant 1 : i32
        %get3A_1204 = arith.constant 15 : i32
        %get3A_1205 = arith.index_cast %get3A_1203 : i32 to index
        %get3A_1206 = arith.index_cast %get3A_1204 : i32 to index
        %get3A_1207 = arith.constant 0 : index
        %get3A_1208 = tpu.vector_load %arg14[%get3A_1205, %get3A_1206, %get3A_1207] {strides = array<i32>} : memref<3x16x16xi32, #tpu.memory_space<vmem>>, vector<16xi32>,
        %get3A_1209 = arith.constant 2 : i32
        %get3A_1210 = arith.constant 15 : i32
        %get3A_1211 = arith.index_cast %get3A_1209 : i32 to index
        %get3A_1212 = arith.index_cast %get3A_1210 : i32 to index
        %get3A_1213 = arith.constant 0 : index
        %get3A_1214 = tpu.vector_load %arg14[%get3A_1211, %get3A_1212, %get3A_1213] {strides = array<i32>} : memref<3x16x16xi32, #tpu.memory_space<vmem>>, vector<16xi32>,
        %add3A_1215 = vector.broadcast %add3A_979 : i32 to vector<16xi32>
        %add3A_1216 = arith.addi %get3A_1214, %add3A_1215 : vector<16xi32>
        %gather3A_1217 = tpu.vector_load_idx %arg12[%add3A_969, %get3A_1208] : memref<1024x32xf32, #tpu.memory_space<vmem>>[vector<16xi32>, vector<16xi32>], vector<16xf32>,
        tpu.vector_store_idx %arg13[%add3A_1216], %gather3A_1217 : memref<32768xf32, #tpu.memory_space<vmem>>[vector<16xi32>], vector<16xf32>,
      }
      %scan3A_913 = arith.constant 32 : i32
      %eq3A = arith.constant 0 : i32
      %eq3A_914 = arith.cmpi eq, %rem3A_879, %eq3A : i32
      %convert_element_type3A_915 = arith.extui %eq3A_914 : i1 to i32
      %cond3A_916 = arith.constant 0 : i32
      %cond3A_917 = arith.cmpi ne, %convert_element_type3A_915, %cond3A_916 : i32
      scf.if %cond3A_917 {
        %mul3A_933 = arith.constant 4 : i32
        %mul3A_934 = arith.muli %rem3A_881, %mul3A_933 : i32
        %mul3A_935 = arith.constant 4096 : i32
        %mul3A_936 = arith.muli %mul3A_934, %mul3A_935 : i32
        %add3A_937 = arith.constant 0 : i32
        %add3A_938 = arith.addi %mul3A_936, %add3A_937 : i32
        %mul3A_939 = arith.constant 4096 : i32
        %mul3A_940 = arith.muli %add3A, %mul3A_939 : i32
        %dma_start3A_941 = arith.constant 0 : i32
        %dma_start3A_942 = tpu.memref_slice %arg13[%add3A_938] : memref<32768xf32, #tpu.memory_space<vmem>> -> memref<4096xf32, #tpu.memory_space<vmem>>
        %dma_start3A_943 = arith.constant 0 : i32
        %dma_start3A_944 = arith.constant 0 : i32
        %dma_start3A_945 = tpu.memref_slice %arg7[%select_n3A, %dma_start3A_943, %dma_start3A_944] : memref<50x4x131072xf32, #tpu.memory_space<hbm>> -> memref<1x4x131072xf32, #tpu.memory_space<hbm>>
        %dma_start3A_946 = tpu.memref_squeeze %dma_start3A_945 : memref<1x4x131072xf32, #tpu.memory_space<hbm>> -> memref<4x131072xf32, #tpu.memory_space<hbm>>
        %dma_start3A_947 = arith.constant 0 : i32
        %dma_start3A_948 = tpu.memref_slice %dma_start3A_946[%dma_start3A_941, %dma_start3A_947] : memref<4x131072xf32, #tpu.memory_space<hbm>> -> memref<1x131072xf32, #tpu.memory_space<hbm>>
        %dma_start3A_949 = tpu.memref_squeeze %dma_start3A_948 : memref<1x131072xf32, #tpu.memory_space<hbm>> -> memref<131072xf32, #tpu.memory_space<hbm>>
        %dma_start3A_950 = tpu.memref_slice %dma_start3A_949[%mul3A_940] : memref<131072xf32, #tpu.memory_space<hbm>> -> memref<4096xf32, #tpu.memory_space<hbm>>
        %dma_start3A_951 = arith.constant 0 : i32
        %dma_start3A_952 = arith.constant 0 : i32
        %dma_start3A_953 = tpu.memref_slice %arg7[%select_n3A, %dma_start3A_951, %dma_start3A_952] : memref<50x4x131072xf32, #tpu.memory_space<hbm>> -> memref<1x4x131072xf32, #tpu.memory_space<hbm>>
        %dma_start3A_954 = tpu.memref_squeeze %dma_start3A_953 : memref<1x4x131072xf32, #tpu.memory_space<hbm>> -> memref<4x131072xf32, #tpu.memory_space<hbm>>
        %dma_start3A_955 = arith.constant 0 : i32
        %dma_start3A_956 = tpu.memref_slice %dma_start3A_954[%dma_start3A_941, %dma_start3A_955] : memref<4x131072xf32, #tpu.memory_space<hbm>> -> memref<1x131072xf32, #tpu.memory_space<hbm>>
        %dma_start3A_957 = tpu.memref_squeeze %dma_start3A_956 : memref<1x131072xf32, #tpu.memory_space<hbm>> -> memref<131072xf32, #tpu.memory_space<hbm>>
        %dma_start3A_958 = tpu.memref_slice %dma_start3A_957[%mul3A_940] : memref<131072xf32, #tpu.memory_space<hbm>> -> memref<4096xf32, #tpu.memory_space<hbm>>
        %dma_start3A_959 = tpu.memref_slice %arg13[%add3A_938] : memref<32768xf32, #tpu.memory_space<vmem>> -> memref<4096xf32, #tpu.memory_space<vmem>>
        tpu.enqueue_dma source(%dma_start3A_959 : memref<4096xf32, #tpu.memory_space<vmem>>) target(%dma_start3A_958 : memref<4096xf32, #tpu.memory_space<hbm>>) target_semaphore(%arg16 : memref<!tpu.dma_semaphore, #tpu.memory_space<semaphore_mem>>)
        %mul3A_960 = arith.constant 4 : i32
        %mul3A_961 = arith.muli %rem3A_881, %mul3A_960 : i32
        %mul3A_962 = arith.constant 4096 : i32
        %mul3A_963 = arith.muli %mul3A_961, %mul3A_962 : i32
        %add3A_964 = arith.constant 4096 : i32
        %add3A_965 = arith.addi %mul3A_963, %add3A_964 : i32
        %mul3A_966 = arith.constant 4096 : i32
        %mul3A_967 = arith.muli %add3A, %mul3A_966 : i32
        %dma_start3A_968 = arith.constant 1 : i32
        %dma_start3A_969 = tpu.memref_slice %arg13[%add3A_965] : memref<32768xf32, #tpu.memory_space<vmem>> -> memref<4096xf32, #tpu.memory_space<vmem>>
        %dma_start3A_970 = arith.constant 0 : i32
        %dma_start3A_971 = arith.constant 0 : i32
        %dma_start3A_972 = tpu.memref_slice %arg7[%select_n3A, %dma_start3A_970, %dma_start3A_971] : memref<50x4x131072xf32, #tpu.memory_space<hbm>> -> memref<1x4x131072xf32, #tpu.memory_space<hbm>>
        %dma_start3A_973 = tpu.memref_squeeze %dma_start3A_972 : memref<1x4x131072xf32, #tpu.memory_space<hbm>> -> memref<4x131072xf32, #tpu.memory_space<hbm>>
        %dma_start3A_974 = arith.constant 0 : i32
        %dma_start3A_975 = tpu.memref_slice %dma_start3A_973[%dma_start3A_968, %dma_start3A_974] : memref<4x131072xf32, #tpu.memory_space<hbm>> -> memref<1x131072xf32, #tpu.memory_space<hbm>>
        %dma_start3A_976 = tpu.memref_squeeze %dma_start3A_975 : memref<1x131072xf32, #tpu.memory_space<hbm>> -> memref<131072xf32, #tpu.memory_space<hbm>>
        %dma_start3A_977 = tpu.memref_slice %dma_start3A_976[%mul3A_967] : memref<131072xf32, #tpu.memory_space<hbm>> -> memref<4096xf32, #tpu.memory_space<hbm>>
        %dma_start3A_978 = arith.constant 0 : i32
        %dma_start3A_979 = arith.constant 0 : i32
        %dma_start3A_980 = tpu.memref_slice %arg7[%select_n3A, %dma_start3A_978, %dma_start3A_979] : memref<50x4x131072xf32, #tpu.memory_space<hbm>> -> memref<1x4x131072xf32, #tpu.memory_space<hbm>>
        %dma_start3A_981 = tpu.memref_squeeze %dma_start3A_980 : memref<1x4x131072xf32, #tpu.memory_space<hbm>> -> memref<4x131072xf32, #tpu.memory_space<hbm>>
        %dma_start3A_982 = arith.constant 0 : i32
        %dma_start3A_983 = tpu.memref_slice %dma_start3A_981[%dma_start3A_968, %dma_start3A_982] : memref<4x131072xf32, #tpu.memory_space<hbm>> -> memref<1x131072xf32, #tpu.memory_space<hbm>>
        %dma_start3A_984 = tpu.memref_squeeze %dma_start3A_983 : memref<1x131072xf32, #tpu.memory_space<hbm>> -> memref<131072xf32, #tpu.memory_space<hbm>>
        %dma_start3A_985 = tpu.memref_slice %dma_start3A_984[%mul3A_967] : memref<131072xf32, #tpu.memory_space<hbm>> -> memref<4096xf32, #tpu.memory_space<hbm>>
        %dma_start3A_986 = tpu.memref_slice %arg13[%add3A_965] : memref<32768xf32, #tpu.memory_space<vmem>> -> memref<4096xf32, #tpu.memory_space<vmem>>
        tpu.enqueue_dma source(%dma_start3A_986 : memref<4096xf32, #tpu.memory_space<vmem>>) target(%dma_start3A_985 : memref<4096xf32, #tpu.memory_space<hbm>>) target_semaphore(%arg16 : memref<!tpu.dma_semaphore, #tpu.memory_space<semaphore_mem>>)
        %mul3A_987 = arith.constant 4 : i32
        %mul3A_988 = arith.muli %rem3A_881, %mul3A_987 : i32
        %mul3A_989 = arith.constant 4096 : i32
        %mul3A_990 = arith.muli %mul3A_988, %mul3A_989 : i32
        %add3A_991 = arith.constant 8192 : i32
        %add3A_992 = arith.addi %mul3A_990, %add3A_991 : i32
        %mul3A_993 = arith.constant 4096 : i32
        %mul3A_994 = arith.muli %add3A, %mul3A_993 : i32
        %dma_start3A_995 = arith.constant 2 : i32
        %dma_start3A_996 = tpu.memref_slice %arg13[%add3A_992] : memref<32768xf32, #tpu.memory_space<vmem>> -> memref<4096xf32, #tpu.memory_space<vmem>>
        %dma_start3A_997 = arith.constant 0 : i32
        %dma_start3A_998 = arith.constant 0 : i32
        %dma_start3A_999 = tpu.memref_slice %arg7[%select_n3A, %dma_start3A_997, %dma_start3A_998] : memref<50x4x131072xf32, #tpu.memory_space<hbm>> -> memref<1x4x131072xf32, #tpu.memory_space<hbm>>
        %dma_start3A_1000 = tpu.memref_squeeze %dma_start3A_999 : memref<1x4x131072xf32, #tpu.memory_space<hbm>> -> memref<4x131072xf32, #tpu.memory_space<hbm>>
        %dma_start3A_1001 = arith.constant 0 : i32
        %dma_start3A_1002 = tpu.memref_slice %dma_start3A_1000[%dma_start3A_995, %dma_start3A_1001] : memref<4x131072xf32, #tpu.memory_space<hbm>> -> memref<1x131072xf32, #tpu.memory_space<hbm>>
        %dma_start3A_1003 = tpu.memref_squeeze %dma_start3A_1002 : memref<1x131072xf32, #tpu.memory_space<hbm>> -> memref<131072xf32, #tpu.memory_space<hbm>>
        %dma_start3A_1004 = tpu.memref_slice %dma_start3A_1003[%mul3A_994] : memref<131072xf32, #tpu.memory_space<hbm>> -> memref<4096xf32, #tpu.memory_space<hbm>>
        %dma_start3A_1005 = arith.constant 0 : i32
        %dma_start3A_1006 = arith.constant 0 : i32
        %dma_start3A_1007 = tpu.memref_slice %arg7[%select_n3A, %dma_start3A_1005, %dma_start3A_1006] : memref<50x4x131072xf32, #tpu.memory_space<hbm>> -> memref<1x4x131072xf32, #tpu.memory_space<hbm>>
        %dma_start3A_1008 = tpu.memref_squeeze %dma_start3A_1007 : memref<1x4x131072xf32, #tpu.memory_space<hbm>> -> memref<4x131072xf32, #tpu.memory_space<hbm>>
        %dma_start3A_1009 = arith.constant 0 : i32
        %dma_start3A_1010 = tpu.memref_slice %dma_start3A_1008[%dma_start3A_995, %dma_start3A_1009] : memref<4x131072xf32, #tpu.memory_space<hbm>> -> memref<1x131072xf32, #tpu.memory_space<hbm>>
        %dma_start3A_1011 = tpu.memref_squeeze %dma_start3A_1010 : memref<1x131072xf32, #tpu.memory_space<hbm>> -> memref<131072xf32, #tpu.memory_space<hbm>>
        %dma_start3A_1012 = tpu.memref_slice %dma_start3A_1011[%mul3A_994] : memref<131072xf32, #tpu.memory_space<hbm>> -> memref<4096xf32, #tpu.memory_space<hbm>>
        %dma_start3A_1013 = tpu.memref_slice %arg13[%add3A_992] : memref<32768xf32, #tpu.memory_space<vmem>> -> memref<4096xf32, #tpu.memory_space<vmem>>
        tpu.enqueue_dma source(%dma_start3A_1013 : memref<4096xf32, #tpu.memory_space<vmem>>) target(%dma_start3A_1012 : memref<4096xf32, #tpu.memory_space<hbm>>) target_semaphore(%arg16 : memref<!tpu.dma_semaphore, #tpu.memory_space<semaphore_mem>>)
        %mul3A_1014 = arith.constant 4 : i32
        %mul3A_1015 = arith.muli %rem3A_881, %mul3A_1014 : i32
        %mul3A_1016 = arith.constant 4096 : i32
        %mul3A_1017 = arith.muli %mul3A_1015, %mul3A_1016 : i32
        %add3A_1018 = arith.constant 12288 : i32
        %add3A_1019 = arith.addi %mul3A_1017, %add3A_1018 : i32
        %mul3A_1020 = arith.constant 4096 : i32
        %mul3A_1021 = arith.muli %add3A, %mul3A_1020 : i32
        %dma_start3A_1022 = arith.constant 3 : i32
        %dma_start3A_1023 = tpu.memref_slice %arg13[%add3A_1019] : memref<32768xf32, #tpu.memory_space<vmem>> -> memref<4096xf32, #tpu.memory_space<vmem>>
        %dma_start3A_1024 = arith.constant 0 : i32
        %dma_start3A_1025 = arith.constant 0 : i32
        %dma_start3A_1026 = tpu.memref_slice %arg7[%select_n3A, %dma_start3A_1024, %dma_start3A_1025] : memref<50x4x131072xf32, #tpu.memory_space<hbm>> -> memref<1x4x131072xf32, #tpu.memory_space<hbm>>
        %dma_start3A_1027 = tpu.memref_squeeze %dma_start3A_1026 : memref<1x4x131072xf32, #tpu.memory_space<hbm>> -> memref<4x131072xf32, #tpu.memory_space<hbm>>
        %dma_start3A_1028 = arith.constant 0 : i32
        %dma_start3A_1029 = tpu.memref_slice %dma_start3A_1027[%dma_start3A_1022, %dma_start3A_1028] : memref<4x131072xf32, #tpu.memory_space<hbm>> -> memref<1x131072xf32, #tpu.memory_space<hbm>>
        %dma_start3A_1030 = tpu.memref_squeeze %dma_start3A_1029 : memref<1x131072xf32, #tpu.memory_space<hbm>> -> memref<131072xf32, #tpu.memory_space<hbm>>
        %dma_start3A_1031 = tpu.memref_slice %dma_start3A_1030[%mul3A_1021] : memref<131072xf32, #tpu.memory_space<hbm>> -> memref<4096xf32, #tpu.memory_space<hbm>>
        %dma_start3A_1032 = arith.constant 0 : i32
        %dma_start3A_1033 = arith.constant 0 : i32
        %dma_start3A_1034 = tpu.memref_slice %arg7[%select_n3A, %dma_start3A_1032, %dma_start3A_1033] : memref<50x4x131072xf32, #tpu.memory_space<hbm>> -> memref<1x4x131072xf32, #tpu.memory_space<hbm>>
        %dma_start3A_1035 = tpu.memref_squeeze %dma_start3A_1034 : memref<1x4x131072xf32, #tpu.memory_space<hbm>> -> memref<4x131072xf32, #tpu.memory_space<hbm>>
        %dma_start3A_1036 = arith.constant 0 : i32
        %dma_start3A_1037 = tpu.memref_slice %dma_start3A_1035[%dma_start3A_1022, %dma_start3A_1036] : memref<4x131072xf32, #tpu.memory_space<hbm>> -> memref<1x131072xf32, #tpu.memory_space<hbm>>
        %dma_start3A_1038 = tpu.memref_squeeze %dma_start3A_1037 : memref<1x131072xf32, #tpu.memory_space<hbm>> -> memref<131072xf32, #tpu.memory_space<hbm>>
        %dma_start3A_1039 = tpu.memref_slice %dma_start3A_1038[%mul3A_1021] : memref<131072xf32, #tpu.memory_space<hbm>> -> memref<4096xf32, #tpu.memory_space<hbm>>
        %dma_start3A_1040 = tpu.memref_slice %arg13[%add3A_1019] : memref<32768xf32, #tpu.memory_space<vmem>> -> memref<4096xf32, #tpu.memory_space<vmem>>
        tpu.enqueue_dma source(%dma_start3A_1040 : memref<4096xf32, #tpu.memory_space<vmem>>) target(%dma_start3A_1039 : memref<4096xf32, #tpu.memory_space<hbm>>) target_semaphore(%arg16 : memref<!tpu.dma_semaphore, #tpu.memory_space<semaphore_mem>>)
      } else {
      }
      %eq3A_918 = arith.constant 1 : i32
      %eq3A_919 = arith.cmpi eq, %rem3A_879, %eq3A_918 : i32
      %convert_element_type3A_920 = arith.extui %eq3A_919 : i1 to i32
      %cond3A_921 = arith.constant 0 : i32
      %cond3A_922 = arith.cmpi ne, %convert_element_type3A_920, %cond3A_921 : i32
      scf.if %cond3A_922 {
        %mul3A_933 = arith.constant 4 : i32
        %mul3A_934 = arith.muli %rem3A_881, %mul3A_933 : i32
        %mul3A_935 = arith.constant 4096 : i32
        %mul3A_936 = arith.muli %mul3A_934, %mul3A_935 : i32
        %add3A_937 = arith.constant 0 : i32
        %add3A_938 = arith.addi %mul3A_936, %add3A_937 : i32
        %mul3A_939 = arith.constant 4096 : i32
        %mul3A_940 = arith.muli %add3A, %mul3A_939 : i32
        %dma_start3A_941 = arith.constant 0 : i32
        %dma_start3A_942 = tpu.memref_slice %arg13[%add3A_938] : memref<32768xf32, #tpu.memory_space<vmem>> -> memref<4096xf32, #tpu.memory_space<vmem>>
        %dma_start3A_943 = arith.constant 0 : i32
        %dma_start3A_944 = arith.constant 0 : i32
        %dma_start3A_945 = tpu.memref_slice %arg8[%select_n3A, %dma_start3A_943, %dma_start3A_944] : memref<50x4x131072xf32, #tpu.memory_space<hbm>> -> memref<1x4x131072xf32, #tpu.memory_space<hbm>>
        %dma_start3A_946 = tpu.memref_squeeze %dma_start3A_945 : memref<1x4x131072xf32, #tpu.memory_space<hbm>> -> memref<4x131072xf32, #tpu.memory_space<hbm>>
        %dma_start3A_947 = arith.constant 0 : i32
        %dma_start3A_948 = tpu.memref_slice %dma_start3A_946[%dma_start3A_941, %dma_start3A_947] : memref<4x131072xf32, #tpu.memory_space<hbm>> -> memref<1x131072xf32, #tpu.memory_space<hbm>>
        %dma_start3A_949 = tpu.memref_squeeze %dma_start3A_948 : memref<1x131072xf32, #tpu.memory_space<hbm>> -> memref<131072xf32, #tpu.memory_space<hbm>>
        %dma_start3A_950 = tpu.memref_slice %dma_start3A_949[%mul3A_940] : memref<131072xf32, #tpu.memory_space<hbm>> -> memref<4096xf32, #tpu.memory_space<hbm>>
        %dma_start3A_951 = arith.constant 0 : i32
        %dma_start3A_952 = arith.constant 0 : i32
        %dma_start3A_953 = tpu.memref_slice %arg8[%select_n3A, %dma_start3A_951, %dma_start3A_952] : memref<50x4x131072xf32, #tpu.memory_space<hbm>> -> memref<1x4x131072xf32, #tpu.memory_space<hbm>>
        %dma_start3A_954 = tpu.memref_squeeze %dma_start3A_953 : memref<1x4x131072xf32, #tpu.memory_space<hbm>> -> memref<4x131072xf32, #tpu.memory_space<hbm>>
        %dma_start3A_955 = arith.constant 0 : i32
        %dma_start3A_956 = tpu.memref_slice %dma_start3A_954[%dma_start3A_941, %dma_start3A_955] : memref<4x131072xf32, #tpu.memory_space<hbm>> -> memref<1x131072xf32, #tpu.memory_space<hbm>>
        %dma_start3A_957 = tpu.memref_squeeze %dma_start3A_956 : memref<1x131072xf32, #tpu.memory_space<hbm>> -> memref<131072xf32, #tpu.memory_space<hbm>>
        %dma_start3A_958 = tpu.memref_slice %dma_start3A_957[%mul3A_940] : memref<131072xf32, #tpu.memory_space<hbm>> -> memref<4096xf32, #tpu.memory_space<hbm>>
        %dma_start3A_959 = tpu.memref_slice %arg13[%add3A_938] : memref<32768xf32, #tpu.memory_space<vmem>> -> memref<4096xf32, #tpu.memory_space<vmem>>
        tpu.enqueue_dma source(%dma_start3A_959 : memref<4096xf32, #tpu.memory_space<vmem>>) target(%dma_start3A_958 : memref<4096xf32, #tpu.memory_space<hbm>>) target_semaphore(%arg16 : memref<!tpu.dma_semaphore, #tpu.memory_space<semaphore_mem>>)
        %mul3A_960 = arith.constant 4 : i32
        %mul3A_961 = arith.muli %rem3A_881, %mul3A_960 : i32
        %mul3A_962 = arith.constant 4096 : i32
        %mul3A_963 = arith.muli %mul3A_961, %mul3A_962 : i32
        %add3A_964 = arith.constant 4096 : i32
        %add3A_965 = arith.addi %mul3A_963, %add3A_964 : i32
        %mul3A_966 = arith.constant 4096 : i32
        %mul3A_967 = arith.muli %add3A, %mul3A_966 : i32
        %dma_start3A_968 = arith.constant 1 : i32
        %dma_start3A_969 = tpu.memref_slice %arg13[%add3A_965] : memref<32768xf32, #tpu.memory_space<vmem>> -> memref<4096xf32, #tpu.memory_space<vmem>>
        %dma_start3A_970 = arith.constant 0 : i32
        %dma_start3A_971 = arith.constant 0 : i32
        %dma_start3A_972 = tpu.memref_slice %arg8[%select_n3A, %dma_start3A_970, %dma_start3A_971] : memref<50x4x131072xf32, #tpu.memory_space<hbm>> -> memref<1x4x131072xf32, #tpu.memory_space<hbm>>
        %dma_start3A_973 = tpu.memref_squeeze %dma_start3A_972 : memref<1x4x131072xf32, #tpu.memory_space<hbm>> -> memref<4x131072xf32, #tpu.memory_space<hbm>>
        %dma_start3A_974 = arith.constant 0 : i32
        %dma_start3A_975 = tpu.memref_slice %dma_start3A_973[%dma_start3A_968, %dma_start3A_974] : memref<4x131072xf32, #tpu.memory_space<hbm>> -> memref<1x131072xf32, #tpu.memory_space<hbm>>
        %dma_start3A_976 = tpu.memref_squeeze %dma_start3A_975 : memref<1x131072xf32, #tpu.memory_space<hbm>> -> memref<131072xf32, #tpu.memory_space<hbm>>
        %dma_start3A_977 = tpu.memref_slice %dma_start3A_976[%mul3A_967] : memref<131072xf32, #tpu.memory_space<hbm>> -> memref<4096xf32, #tpu.memory_space<hbm>>
        %dma_start3A_978 = arith.constant 0 : i32
        %dma_start3A_979 = arith.constant 0 : i32
        %dma_start3A_980 = tpu.memref_slice %arg8[%select_n3A, %dma_start3A_978, %dma_start3A_979] : memref<50x4x131072xf32, #tpu.memory_space<hbm>> -> memref<1x4x131072xf32, #tpu.memory_space<hbm>>
        %dma_start3A_981 = tpu.memref_squeeze %dma_start3A_980 : memref<1x4x131072xf32, #tpu.memory_space<hbm>> -> memref<4x131072xf32, #tpu.memory_space<hbm>>
        %dma_start3A_982 = arith.constant 0 : i32
        %dma_start3A_983 = tpu.memref_slice %dma_start3A_981[%dma_start3A_968, %dma_start3A_982] : memref<4x131072xf32, #tpu.memory_space<hbm>> -> memref<1x131072xf32, #tpu.memory_space<hbm>>
        %dma_start3A_984 = tpu.memref_squeeze %dma_start3A_983 : memref<1x131072xf32, #tpu.memory_space<hbm>> -> memref<131072xf32, #tpu.memory_space<hbm>>
        %dma_start3A_985 = tpu.memref_slice %dma_start3A_984[%mul3A_967] : memref<131072xf32, #tpu.memory_space<hbm>> -> memref<4096xf32, #tpu.memory_space<hbm>>
        %dma_start3A_986 = tpu.memref_slice %arg13[%add3A_965] : memref<32768xf32, #tpu.memory_space<vmem>> -> memref<4096xf32, #tpu.memory_space<vmem>>
        tpu.enqueue_dma source(%dma_start3A_986 : memref<4096xf32, #tpu.memory_space<vmem>>) target(%dma_start3A_985 : memref<4096xf32, #tpu.memory_space<hbm>>) target_semaphore(%arg16 : memref<!tpu.dma_semaphore, #tpu.memory_space<semaphore_mem>>)
        %mul3A_987 = arith.constant 4 : i32
        %mul3A_988 = arith.muli %rem3A_881, %mul3A_987 : i32
        %mul3A_989 = arith.constant 4096 : i32
        %mul3A_990 = arith.muli %mul3A_988, %mul3A_989 : i32
        %add3A_991 = arith.constant 8192 : i32
        %add3A_992 = arith.addi %mul3A_990, %add3A_991 : i32
        %mul3A_993 = arith.constant 4096 : i32
        %mul3A_994 = arith.muli %add3A, %mul3A_993 : i32
        %dma_start3A_995 = arith.constant 2 : i32
        %dma_start3A_996 = tpu.memref_slice %arg13[%add3A_992] : memref<32768xf32, #tpu.memory_space<vmem>> -> memref<4096xf32, #tpu.memory_space<vmem>>
        %dma_start3A_997 = arith.constant 0 : i32
        %dma_start3A_998 = arith.constant 0 : i32
        %dma_start3A_999 = tpu.memref_slice %arg8[%select_n3A, %dma_start3A_997, %dma_start3A_998] : memref<50x4x131072xf32, #tpu.memory_space<hbm>> -> memref<1x4x131072xf32, #tpu.memory_space<hbm>>
        %dma_start3A_1000 = tpu.memref_squeeze %dma_start3A_999 : memref<1x4x131072xf32, #tpu.memory_space<hbm>> -> memref<4x131072xf32, #tpu.memory_space<hbm>>
        %dma_start3A_1001 = arith.constant 0 : i32
        %dma_start3A_1002 = tpu.memref_slice %dma_start3A_1000[%dma_start3A_995, %dma_start3A_1001] : memref<4x131072xf32, #tpu.memory_space<hbm>> -> memref<1x131072xf32, #tpu.memory_space<hbm>>
        %dma_start3A_1003 = tpu.memref_squeeze %dma_start3A_1002 : memref<1x131072xf32, #tpu.memory_space<hbm>> -> memref<131072xf32, #tpu.memory_space<hbm>>
        %dma_start3A_1004 = tpu.memref_slice %dma_start3A_1003[%mul3A_994] : memref<131072xf32, #tpu.memory_space<hbm>> -> memref<4096xf32, #tpu.memory_space<hbm>>
        %dma_start3A_1005 = arith.constant 0 : i32
        %dma_start3A_1006 = arith.constant 0 : i32
        %dma_start3A_1007 = tpu.memref_slice %arg8[%select_n3A, %dma_start3A_1005, %dma_start3A_1006] : memref<50x4x131072xf32, #tpu.memory_space<hbm>> -> memref<1x4x131072xf32, #tpu.memory_space<hbm>>
        %dma_start3A_1008 = tpu.memref_squeeze %dma_start3A_1007 : memref<1x4x131072xf32, #tpu.memory_space<hbm>> -> memref<4x131072xf32, #tpu.memory_space<hbm>>
        %dma_start3A_1009 = arith.constant 0 : i32
        %dma_start3A_1010 = tpu.memref_slice %dma_start3A_1008[%dma_start3A_995, %dma_start3A_1009] : memref<4x131072xf32, #tpu.memory_space<hbm>> -> memref<1x131072xf32, #tpu.memory_space<hbm>>
        %dma_start3A_1011 = tpu.memref_squeeze %dma_start3A_1010 : memref<1x131072xf32, #tpu.memory_space<hbm>> -> memref<131072xf32, #tpu.memory_space<hbm>>
        %dma_start3A_1012 = tpu.memref_slice %dma_start3A_1011[%mul3A_994] : memref<131072xf32, #tpu.memory_space<hbm>> -> memref<4096xf32, #tpu.memory_space<hbm>>
        %dma_start3A_1013 = tpu.memref_slice %arg13[%add3A_992] : memref<32768xf32, #tpu.memory_space<vmem>> -> memref<4096xf32, #tpu.memory_space<vmem>>
        tpu.enqueue_dma source(%dma_start3A_1013 : memref<4096xf32, #tpu.memory_space<vmem>>) target(%dma_start3A_1012 : memref<4096xf32, #tpu.memory_space<hbm>>) target_semaphore(%arg16 : memref<!tpu.dma_semaphore, #tpu.memory_space<semaphore_mem>>)
        %mul3A_1014 = arith.constant 4 : i32
        %mul3A_1015 = arith.muli %rem3A_881, %mul3A_1014 : i32
        %mul3A_1016 = arith.constant 4096 : i32
        %mul3A_1017 = arith.muli %mul3A_1015, %mul3A_1016 : i32
        %add3A_1018 = arith.constant 12288 : i32
        %add3A_1019 = arith.addi %mul3A_1017, %add3A_1018 : i32
        %mul3A_1020 = arith.constant 4096 : i32
        %mul3A_1021 = arith.muli %add3A, %mul3A_1020 : i32
        %dma_start3A_1022 = arith.constant 3 : i32
        %dma_start3A_1023 = tpu.memref_slice %arg13[%add3A_1019] : memref<32768xf32, #tpu.memory_space<vmem>> -> memref<4096xf32, #tpu.memory_space<vmem>>
        %dma_start3A_1024 = arith.constant 0 : i32
        %dma_start3A_1025 = arith.constant 0 : i32
        %dma_start3A_1026 = tpu.memref_slice %arg8[%select_n3A, %dma_start3A_1024, %dma_start3A_1025] : memref<50x4x131072xf32, #tpu.memory_space<hbm>> -> memref<1x4x131072xf32, #tpu.memory_space<hbm>>
        %dma_start3A_1027 = tpu.memref_squeeze %dma_start3A_1026 : memref<1x4x131072xf32, #tpu.memory_space<hbm>> -> memref<4x131072xf32, #tpu.memory_space<hbm>>
        %dma_start3A_1028 = arith.constant 0 : i32
        %dma_start3A_1029 = tpu.memref_slice %dma_start3A_1027[%dma_start3A_1022, %dma_start3A_1028] : memref<4x131072xf32, #tpu.memory_space<hbm>> -> memref<1x131072xf32, #tpu.memory_space<hbm>>
        %dma_start3A_1030 = tpu.memref_squeeze %dma_start3A_1029 : memref<1x131072xf32, #tpu.memory_space<hbm>> -> memref<131072xf32, #tpu.memory_space<hbm>>
        %dma_start3A_1031 = tpu.memref_slice %dma_start3A_1030[%mul3A_1021] : memref<131072xf32, #tpu.memory_space<hbm>> -> memref<4096xf32, #tpu.memory_space<hbm>>
        %dma_start3A_1032 = arith.constant 0 : i32
        %dma_start3A_1033 = arith.constant 0 : i32
        %dma_start3A_1034 = tpu.memref_slice %arg8[%select_n3A, %dma_start3A_1032, %dma_start3A_1033] : memref<50x4x131072xf32, #tpu.memory_space<hbm>> -> memref<1x4x131072xf32, #tpu.memory_space<hbm>>
        %dma_start3A_1035 = tpu.memref_squeeze %dma_start3A_1034 : memref<1x4x131072xf32, #tpu.memory_space<hbm>> -> memref<4x131072xf32, #tpu.memory_space<hbm>>
        %dma_start3A_1036 = arith.constant 0 : i32
        %dma_start3A_1037 = tpu.memref_slice %dma_start3A_1035[%dma_start3A_1022, %dma_start3A_1036] : memref<4x131072xf32, #tpu.memory_space<hbm>> -> memref<1x131072xf32, #tpu.memory_space<hbm>>
        %dma_start3A_1038 = tpu.memref_squeeze %dma_start3A_1037 : memref<1x131072xf32, #tpu.memory_space<hbm>> -> memref<131072xf32, #tpu.memory_space<hbm>>
        %dma_start3A_1039 = tpu.memref_slice %dma_start3A_1038[%mul3A_1021] : memref<131072xf32, #tpu.memory_space<hbm>> -> memref<4096xf32, #tpu.memory_space<hbm>>
        %dma_start3A_1040 = tpu.memref_slice %arg13[%add3A_1019] : memref<32768xf32, #tpu.memory_space<vmem>> -> memref<4096xf32, #tpu.memory_space<vmem>>
        tpu.enqueue_dma source(%dma_start3A_1040 : memref<4096xf32, #tpu.memory_space<vmem>>) target(%dma_start3A_1039 : memref<4096xf32, #tpu.memory_space<hbm>>) target_semaphore(%arg16 : memref<!tpu.dma_semaphore, #tpu.memory_space<semaphore_mem>>)
      } else {
      }
      %eq3A_923 = arith.constant 2 : i32
      %eq3A_924 = arith.cmpi eq, %rem3A_879, %eq3A_923 : i32
      %convert_element_type3A_925 = arith.extui %eq3A_924 : i1 to i32
      %cond3A_926 = arith.constant 0 : i32
      %cond3A_927 = arith.cmpi ne, %convert_element_type3A_925, %cond3A_926 : i32
      scf.if %cond3A_927 {
        %mul3A_933 = arith.constant 4 : i32
        %mul3A_934 = arith.muli %rem3A_881, %mul3A_933 : i32
        %mul3A_935 = arith.constant 4096 : i32
        %mul3A_936 = arith.muli %mul3A_934, %mul3A_935 : i32
        %add3A_937 = arith.constant 0 : i32
        %add3A_938 = arith.addi %mul3A_936, %add3A_937 : i32
        %mul3A_939 = arith.constant 4096 : i32
        %mul3A_940 = arith.muli %add3A, %mul3A_939 : i32
        %dma_start3A_941 = arith.constant 0 : i32
        %dma_start3A_942 = tpu.memref_slice %arg13[%add3A_938] : memref<32768xf32, #tpu.memory_space<vmem>> -> memref<4096xf32, #tpu.memory_space<vmem>>
        %dma_start3A_943 = arith.constant 0 : i32
        %dma_start3A_944 = arith.constant 0 : i32
        %dma_start3A_945 = tpu.memref_slice %arg9[%select_n3A, %dma_start3A_943, %dma_start3A_944] : memref<50x4x131072xf32, #tpu.memory_space<hbm>> -> memref<1x4x131072xf32, #tpu.memory_space<hbm>>
        %dma_start3A_946 = tpu.memref_squeeze %dma_start3A_945 : memref<1x4x131072xf32, #tpu.memory_space<hbm>> -> memref<4x131072xf32, #tpu.memory_space<hbm>>
        %dma_start3A_947 = arith.constant 0 : i32
        %dma_start3A_948 = tpu.memref_slice %dma_start3A_946[%dma_start3A_941, %dma_start3A_947] : memref<4x131072xf32, #tpu.memory_space<hbm>> -> memref<1x131072xf32, #tpu.memory_space<hbm>>
        %dma_start3A_949 = tpu.memref_squeeze %dma_start3A_948 : memref<1x131072xf32, #tpu.memory_space<hbm>> -> memref<131072xf32, #tpu.memory_space<hbm>>
        %dma_start3A_950 = tpu.memref_slice %dma_start3A_949[%mul3A_940] : memref<131072xf32, #tpu.memory_space<hbm>> -> memref<4096xf32, #tpu.memory_space<hbm>>
        %dma_start3A_951 = arith.constant 0 : i32
        %dma_start3A_952 = arith.constant 0 : i32
        %dma_start3A_953 = tpu.memref_slice %arg9[%select_n3A, %dma_start3A_951, %dma_start3A_952] : memref<50x4x131072xf32, #tpu.memory_space<hbm>> -> memref<1x4x131072xf32, #tpu.memory_space<hbm>>
        %dma_start3A_954 = tpu.memref_squeeze %dma_start3A_953 : memref<1x4x131072xf32, #tpu.memory_space<hbm>> -> memref<4x131072xf32, #tpu.memory_space<hbm>>
        %dma_start3A_955 = arith.constant 0 : i32
        %dma_start3A_956 = tpu.memref_slice %dma_start3A_954[%dma_start3A_941, %dma_start3A_955] : memref<4x131072xf32, #tpu.memory_space<hbm>> -> memref<1x131072xf32, #tpu.memory_space<hbm>>
        %dma_start3A_957 = tpu.memref_squeeze %dma_start3A_956 : memref<1x131072xf32, #tpu.memory_space<hbm>> -> memref<131072xf32, #tpu.memory_space<hbm>>
        %dma_start3A_958 = tpu.memref_slice %dma_start3A_957[%mul3A_940] : memref<131072xf32, #tpu.memory_space<hbm>> -> memref<4096xf32, #tpu.memory_space<hbm>>
        %dma_start3A_959 = tpu.memref_slice %arg13[%add3A_938] : memref<32768xf32, #tpu.memory_space<vmem>> -> memref<4096xf32, #tpu.memory_space<vmem>>
        tpu.enqueue_dma source(%dma_start3A_959 : memref<4096xf32, #tpu.memory_space<vmem>>) target(%dma_start3A_958 : memref<4096xf32, #tpu.memory_space<hbm>>) target_semaphore(%arg16 : memref<!tpu.dma_semaphore, #tpu.memory_space<semaphore_mem>>)
        %mul3A_960 = arith.constant 4 : i32
        %mul3A_961 = arith.muli %rem3A_881, %mul3A_960 : i32
        %mul3A_962 = arith.constant 4096 : i32
        %mul3A_963 = arith.muli %mul3A_961, %mul3A_962 : i32
        %add3A_964 = arith.constant 4096 : i32
        %add3A_965 = arith.addi %mul3A_963, %add3A_964 : i32
        %mul3A_966 = arith.constant 4096 : i32
        %mul3A_967 = arith.muli %add3A, %mul3A_966 : i32
        %dma_start3A_968 = arith.constant 1 : i32
        %dma_start3A_969 = tpu.memref_slice %arg13[%add3A_965] : memref<32768xf32, #tpu.memory_space<vmem>> -> memref<4096xf32, #tpu.memory_space<vmem>>
        %dma_start3A_970 = arith.constant 0 : i32
        %dma_start3A_971 = arith.constant 0 : i32
        %dma_start3A_972 = tpu.memref_slice %arg9[%select_n3A, %dma_start3A_970, %dma_start3A_971] : memref<50x4x131072xf32, #tpu.memory_space<hbm>> -> memref<1x4x131072xf32, #tpu.memory_space<hbm>>
        %dma_start3A_973 = tpu.memref_squeeze %dma_start3A_972 : memref<1x4x131072xf32, #tpu.memory_space<hbm>> -> memref<4x131072xf32, #tpu.memory_space<hbm>>
        %dma_start3A_974 = arith.constant 0 : i32
        %dma_start3A_975 = tpu.memref_slice %dma_start3A_973[%dma_start3A_968, %dma_start3A_974] : memref<4x131072xf32, #tpu.memory_space<hbm>> -> memref<1x131072xf32, #tpu.memory_space<hbm>>
        %dma_start3A_976 = tpu.memref_squeeze %dma_start3A_975 : memref<1x131072xf32, #tpu.memory_space<hbm>> -> memref<131072xf32, #tpu.memory_space<hbm>>
        %dma_start3A_977 = tpu.memref_slice %dma_start3A_976[%mul3A_967] : memref<131072xf32, #tpu.memory_space<hbm>> -> memref<4096xf32, #tpu.memory_space<hbm>>
        %dma_start3A_978 = arith.constant 0 : i32
        %dma_start3A_979 = arith.constant 0 : i32
        %dma_start3A_980 = tpu.memref_slice %arg9[%select_n3A, %dma_start3A_978, %dma_start3A_979] : memref<50x4x131072xf32, #tpu.memory_space<hbm>> -> memref<1x4x131072xf32, #tpu.memory_space<hbm>>
        %dma_start3A_981 = tpu.memref_squeeze %dma_start3A_980 : memref<1x4x131072xf32, #tpu.memory_space<hbm>> -> memref<4x131072xf32, #tpu.memory_space<hbm>>
        %dma_start3A_982 = arith.constant 0 : i32
        %dma_start3A_983 = tpu.memref_slice %dma_start3A_981[%dma_start3A_968, %dma_start3A_982] : memref<4x131072xf32, #tpu.memory_space<hbm>> -> memref<1x131072xf32, #tpu.memory_space<hbm>>
        %dma_start3A_984 = tpu.memref_squeeze %dma_start3A_983 : memref<1x131072xf32, #tpu.memory_space<hbm>> -> memref<131072xf32, #tpu.memory_space<hbm>>
        %dma_start3A_985 = tpu.memref_slice %dma_start3A_984[%mul3A_967] : memref<131072xf32, #tpu.memory_space<hbm>> -> memref<4096xf32, #tpu.memory_space<hbm>>
        %dma_start3A_986 = tpu.memref_slice %arg13[%add3A_965] : memref<32768xf32, #tpu.memory_space<vmem>> -> memref<4096xf32, #tpu.memory_space<vmem>>
        tpu.enqueue_dma source(%dma_start3A_986 : memref<4096xf32, #tpu.memory_space<vmem>>) target(%dma_start3A_985 : memref<4096xf32, #tpu.memory_space<hbm>>) target_semaphore(%arg16 : memref<!tpu.dma_semaphore, #tpu.memory_space<semaphore_mem>>)
        %mul3A_987 = arith.constant 4 : i32
        %mul3A_988 = arith.muli %rem3A_881, %mul3A_987 : i32
        %mul3A_989 = arith.constant 4096 : i32
        %mul3A_990 = arith.muli %mul3A_988, %mul3A_989 : i32
        %add3A_991 = arith.constant 8192 : i32
        %add3A_992 = arith.addi %mul3A_990, %add3A_991 : i32
        %mul3A_993 = arith.constant 4096 : i32
        %mul3A_994 = arith.muli %add3A, %mul3A_993 : i32
        %dma_start3A_995 = arith.constant 2 : i32
        %dma_start3A_996 = tpu.memref_slice %arg13[%add3A_992] : memref<32768xf32, #tpu.memory_space<vmem>> -> memref<4096xf32, #tpu.memory_space<vmem>>
        %dma_start3A_997 = arith.constant 0 : i32
        %dma_start3A_998 = arith.constant 0 : i32
        %dma_start3A_999 = tpu.memref_slice %arg9[%select_n3A, %dma_start3A_997, %dma_start3A_998] : memref<50x4x131072xf32, #tpu.memory_space<hbm>> -> memref<1x4x131072xf32, #tpu.memory_space<hbm>>
        %dma_start3A_1000 = tpu.memref_squeeze %dma_start3A_999 : memref<1x4x131072xf32, #tpu.memory_space<hbm>> -> memref<4x131072xf32, #tpu.memory_space<hbm>>
        %dma_start3A_1001 = arith.constant 0 : i32
        %dma_start3A_1002 = tpu.memref_slice %dma_start3A_1000[%dma_start3A_995, %dma_start3A_1001] : memref<4x131072xf32, #tpu.memory_space<hbm>> -> memref<1x131072xf32, #tpu.memory_space<hbm>>
        %dma_start3A_1003 = tpu.memref_squeeze %dma_start3A_1002 : memref<1x131072xf32, #tpu.memory_space<hbm>> -> memref<131072xf32, #tpu.memory_space<hbm>>
        %dma_start3A_1004 = tpu.memref_slice %dma_start3A_1003[%mul3A_994] : memref<131072xf32, #tpu.memory_space<hbm>> -> memref<4096xf32, #tpu.memory_space<hbm>>
        %dma_start3A_1005 = arith.constant 0 : i32
        %dma_start3A_1006 = arith.constant 0 : i32
        %dma_start3A_1007 = tpu.memref_slice %arg9[%select_n3A, %dma_start3A_1005, %dma_start3A_1006] : memref<50x4x131072xf32, #tpu.memory_space<hbm>> -> memref<1x4x131072xf32, #tpu.memory_space<hbm>>
        %dma_start3A_1008 = tpu.memref_squeeze %dma_start3A_1007 : memref<1x4x131072xf32, #tpu.memory_space<hbm>> -> memref<4x131072xf32, #tpu.memory_space<hbm>>
        %dma_start3A_1009 = arith.constant 0 : i32
        %dma_start3A_1010 = tpu.memref_slice %dma_start3A_1008[%dma_start3A_995, %dma_start3A_1009] : memref<4x131072xf32, #tpu.memory_space<hbm>> -> memref<1x131072xf32, #tpu.memory_space<hbm>>
        %dma_start3A_1011 = tpu.memref_squeeze %dma_start3A_1010 : memref<1x131072xf32, #tpu.memory_space<hbm>> -> memref<131072xf32, #tpu.memory_space<hbm>>
        %dma_start3A_1012 = tpu.memref_slice %dma_start3A_1011[%mul3A_994] : memref<131072xf32, #tpu.memory_space<hbm>> -> memref<4096xf32, #tpu.memory_space<hbm>>
        %dma_start3A_1013 = tpu.memref_slice %arg13[%add3A_992] : memref<32768xf32, #tpu.memory_space<vmem>> -> memref<4096xf32, #tpu.memory_space<vmem>>
        tpu.enqueue_dma source(%dma_start3A_1013 : memref<4096xf32, #tpu.memory_space<vmem>>) target(%dma_start3A_1012 : memref<4096xf32, #tpu.memory_space<hbm>>) target_semaphore(%arg16 : memref<!tpu.dma_semaphore, #tpu.memory_space<semaphore_mem>>)
        %mul3A_1014 = arith.constant 4 : i32
        %mul3A_1015 = arith.muli %rem3A_881, %mul3A_1014 : i32
        %mul3A_1016 = arith.constant 4096 : i32
        %mul3A_1017 = arith.muli %mul3A_1015, %mul3A_1016 : i32
        %add3A_1018 = arith.constant 12288 : i32
        %add3A_1019 = arith.addi %mul3A_1017, %add3A_1018 : i32
        %mul3A_1020 = arith.constant 4096 : i32
        %mul3A_1021 = arith.muli %add3A, %mul3A_1020 : i32
        %dma_start3A_1022 = arith.constant 3 : i32
        %dma_start3A_1023 = tpu.memref_slice %arg13[%add3A_1019] : memref<32768xf32, #tpu.memory_space<vmem>> -> memref<4096xf32, #tpu.memory_space<vmem>>
        %dma_start3A_1024 = arith.constant 0 : i32
        %dma_start3A_1025 = arith.constant 0 : i32
        %dma_start3A_1026 = tpu.memref_slice %arg9[%select_n3A, %dma_start3A_1024, %dma_start3A_1025] : memref<50x4x131072xf32, #tpu.memory_space<hbm>> -> memref<1x4x131072xf32, #tpu.memory_space<hbm>>
        %dma_start3A_1027 = tpu.memref_squeeze %dma_start3A_1026 : memref<1x4x131072xf32, #tpu.memory_space<hbm>> -> memref<4x131072xf32, #tpu.memory_space<hbm>>
        %dma_start3A_1028 = arith.constant 0 : i32
        %dma_start3A_1029 = tpu.memref_slice %dma_start3A_1027[%dma_start3A_1022, %dma_start3A_1028] : memref<4x131072xf32, #tpu.memory_space<hbm>> -> memref<1x131072xf32, #tpu.memory_space<hbm>>
        %dma_start3A_1030 = tpu.memref_squeeze %dma_start3A_1029 : memref<1x131072xf32, #tpu.memory_space<hbm>> -> memref<131072xf32, #tpu.memory_space<hbm>>
        %dma_start3A_1031 = tpu.memref_slice %dma_start3A_1030[%mul3A_1021] : memref<131072xf32, #tpu.memory_space<hbm>> -> memref<4096xf32, #tpu.memory_space<hbm>>
        %dma_start3A_1032 = arith.constant 0 : i32
        %dma_start3A_1033 = arith.constant 0 : i32
        %dma_start3A_1034 = tpu.memref_slice %arg9[%select_n3A, %dma_start3A_1032, %dma_start3A_1033] : memref<50x4x131072xf32, #tpu.memory_space<hbm>> -> memref<1x4x131072xf32, #tpu.memory_space<hbm>>
        %dma_start3A_1035 = tpu.memref_squeeze %dma_start3A_1034 : memref<1x4x131072xf32, #tpu.memory_space<hbm>> -> memref<4x131072xf32, #tpu.memory_space<hbm>>
        %dma_start3A_1036 = arith.constant 0 : i32
        %dma_start3A_1037 = tpu.memref_slice %dma_start3A_1035[%dma_start3A_1022, %dma_start3A_1036] : memref<4x131072xf32, #tpu.memory_space<hbm>> -> memref<1x131072xf32, #tpu.memory_space<hbm>>
        %dma_start3A_1038 = tpu.memref_squeeze %dma_start3A_1037 : memref<1x131072xf32, #tpu.memory_space<hbm>> -> memref<131072xf32, #tpu.memory_space<hbm>>
        %dma_start3A_1039 = tpu.memref_slice %dma_start3A_1038[%mul3A_1021] : memref<131072xf32, #tpu.memory_space<hbm>> -> memref<4096xf32, #tpu.memory_space<hbm>>
        %dma_start3A_1040 = tpu.memref_slice %arg13[%add3A_1019] : memref<32768xf32, #tpu.memory_space<vmem>> -> memref<4096xf32, #tpu.memory_space<vmem>>
        tpu.enqueue_dma source(%dma_start3A_1040 : memref<4096xf32, #tpu.memory_space<vmem>>) target(%dma_start3A_1039 : memref<4096xf32, #tpu.memory_space<hbm>>) target_semaphore(%arg16 : memref<!tpu.dma_semaphore, #tpu.memory_space<semaphore_mem>>)
      } else {
      }
      %eq3A_928 = arith.constant 3 : i32
      %eq3A_929 = arith.cmpi eq, %rem3A_879, %eq3A_928 : i32
      %convert_element_type3A_930 = arith.extui %eq3A_929 : i1 to i32
      %cond3A_931 = arith.constant 0 : i32
      %cond3A_932 = arith.cmpi ne, %convert_element_type3A_930, %cond3A_931 : i32
      scf.if %cond3A_932 {
        %mul3A_933 = arith.constant 4 : i32
        %mul3A_934 = arith.muli %rem3A_881, %mul3A_933 : i32
        %mul3A_935 = arith.constant 4096 : i32
        %mul3A_936 = arith.muli %mul3A_934, %mul3A_935 : i32
        %add3A_937 = arith.constant 0 : i32
        %add3A_938 = arith.addi %mul3A_936, %add3A_937 : i32
        %mul3A_939 = arith.constant 4096 : i32
        %mul3A_940 = arith.muli %add3A, %mul3A_939 : i32
        %dma_start3A_941 = arith.constant 0 : i32
        %dma_start3A_942 = tpu.memref_slice %arg13[%add3A_938] : memref<32768xf32, #tpu.memory_space<vmem>> -> memref<4096xf32, #tpu.memory_space<vmem>>
        %dma_start3A_943 = arith.constant 0 : i32
        %dma_start3A_944 = arith.constant 0 : i32
        %dma_start3A_945 = tpu.memref_slice %arg10[%select_n3A, %dma_start3A_943, %dma_start3A_944] : memref<50x4x131072xf32, #tpu.memory_space<hbm>> -> memref<1x4x131072xf32, #tpu.memory_space<hbm>>
        %dma_start3A_946 = tpu.memref_squeeze %dma_start3A_945 : memref<1x4x131072xf32, #tpu.memory_space<hbm>> -> memref<4x131072xf32, #tpu.memory_space<hbm>>
        %dma_start3A_947 = arith.constant 0 : i32
        %dma_start3A_948 = tpu.memref_slice %dma_start3A_946[%dma_start3A_941, %dma_start3A_947] : memref<4x131072xf32, #tpu.memory_space<hbm>> -> memref<1x131072xf32, #tpu.memory_space<hbm>>
        %dma_start3A_949 = tpu.memref_squeeze %dma_start3A_948 : memref<1x131072xf32, #tpu.memory_space<hbm>> -> memref<131072xf32, #tpu.memory_space<hbm>>
        %dma_start3A_950 = tpu.memref_slice %dma_start3A_949[%mul3A_940] : memref<131072xf32, #tpu.memory_space<hbm>> -> memref<4096xf32, #tpu.memory_space<hbm>>
        %dma_start3A_951 = arith.constant 0 : i32
        %dma_start3A_952 = arith.constant 0 : i32
        %dma_start3A_953 = tpu.memref_slice %arg10[%select_n3A, %dma_start3A_951, %dma_start3A_952] : memref<50x4x131072xf32, #tpu.memory_space<hbm>> -> memref<1x4x131072xf32, #tpu.memory_space<hbm>>
        %dma_start3A_954 = tpu.memref_squeeze %dma_start3A_953 : memref<1x4x131072xf32, #tpu.memory_space<hbm>> -> memref<4x131072xf32, #tpu.memory_space<hbm>>
        %dma_start3A_955 = arith.constant 0 : i32
        %dma_start3A_956 = tpu.memref_slice %dma_start3A_954[%dma_start3A_941, %dma_start3A_955] : memref<4x131072xf32, #tpu.memory_space<hbm>> -> memref<1x131072xf32, #tpu.memory_space<hbm>>
        %dma_start3A_957 = tpu.memref_squeeze %dma_start3A_956 : memref<1x131072xf32, #tpu.memory_space<hbm>> -> memref<131072xf32, #tpu.memory_space<hbm>>
        %dma_start3A_958 = tpu.memref_slice %dma_start3A_957[%mul3A_940] : memref<131072xf32, #tpu.memory_space<hbm>> -> memref<4096xf32, #tpu.memory_space<hbm>>
        %dma_start3A_959 = tpu.memref_slice %arg13[%add3A_938] : memref<32768xf32, #tpu.memory_space<vmem>> -> memref<4096xf32, #tpu.memory_space<vmem>>
        tpu.enqueue_dma source(%dma_start3A_959 : memref<4096xf32, #tpu.memory_space<vmem>>) target(%dma_start3A_958 : memref<4096xf32, #tpu.memory_space<hbm>>) target_semaphore(%arg16 : memref<!tpu.dma_semaphore, #tpu.memory_space<semaphore_mem>>)
        %mul3A_960 = arith.constant 4 : i32
        %mul3A_961 = arith.muli %rem3A_881, %mul3A_960 : i32
        %mul3A_962 = arith.constant 4096 : i32
        %mul3A_963 = arith.muli %mul3A_961, %mul3A_962 : i32
        %add3A_964 = arith.constant 4096 : i32
        %add3A_965 = arith.addi %mul3A_963, %add3A_964 : i32
        %mul3A_966 = arith.constant 4096 : i32
        %mul3A_967 = arith.muli %add3A, %mul3A_966 : i32
        %dma_start3A_968 = arith.constant 1 : i32
        %dma_start3A_969 = tpu.memref_slice %arg13[%add3A_965] : memref<32768xf32, #tpu.memory_space<vmem>> -> memref<4096xf32, #tpu.memory_space<vmem>>
        %dma_start3A_970 = arith.constant 0 : i32
        %dma_start3A_971 = arith.constant 0 : i32
        %dma_start3A_972 = tpu.memref_slice %arg10[%select_n3A, %dma_start3A_970, %dma_start3A_971] : memref<50x4x131072xf32, #tpu.memory_space<hbm>> -> memref<1x4x131072xf32, #tpu.memory_space<hbm>>
        %dma_start3A_973 = tpu.memref_squeeze %dma_start3A_972 : memref<1x4x131072xf32, #tpu.memory_space<hbm>> -> memref<4x131072xf32, #tpu.memory_space<hbm>>
        %dma_start3A_974 = arith.constant 0 : i32
        %dma_start3A_975 = tpu.memref_slice %dma_start3A_973[%dma_start3A_968, %dma_start3A_974] : memref<4x131072xf32, #tpu.memory_space<hbm>> -> memref<1x131072xf32, #tpu.memory_space<hbm>>
        %dma_start3A_976 = tpu.memref_squeeze %dma_start3A_975 : memref<1x131072xf32, #tpu.memory_space<hbm>> -> memref<131072xf32, #tpu.memory_space<hbm>>
        %dma_start3A_977 = tpu.memref_slice %dma_start3A_976[%mul3A_967] : memref<131072xf32, #tpu.memory_space<hbm>> -> memref<4096xf32, #tpu.memory_space<hbm>>
        %dma_start3A_978 = arith.constant 0 : i32
        %dma_start3A_979 = arith.constant 0 : i32
        %dma_start3A_980 = tpu.memref_slice %arg10[%select_n3A, %dma_start3A_978, %dma_start3A_979] : memref<50x4x131072xf32, #tpu.memory_space<hbm>> -> memref<1x4x131072xf32, #tpu.memory_space<hbm>>
        %dma_start3A_981 = tpu.memref_squeeze %dma_start3A_980 : memref<1x4x131072xf32, #tpu.memory_space<hbm>> -> memref<4x131072xf32, #tpu.memory_space<hbm>>
        %dma_start3A_982 = arith.constant 0 : i32
        %dma_start3A_983 = tpu.memref_slice %dma_start3A_981[%dma_start3A_968, %dma_start3A_982] : memref<4x131072xf32, #tpu.memory_space<hbm>> -> memref<1x131072xf32, #tpu.memory_space<hbm>>
        %dma_start3A_984 = tpu.memref_squeeze %dma_start3A_983 : memref<1x131072xf32, #tpu.memory_space<hbm>> -> memref<131072xf32, #tpu.memory_space<hbm>>
        %dma_start3A_985 = tpu.memref_slice %dma_start3A_984[%mul3A_967] : memref<131072xf32, #tpu.memory_space<hbm>> -> memref<4096xf32, #tpu.memory_space<hbm>>
        %dma_start3A_986 = tpu.memref_slice %arg13[%add3A_965] : memref<32768xf32, #tpu.memory_space<vmem>> -> memref<4096xf32, #tpu.memory_space<vmem>>
        tpu.enqueue_dma source(%dma_start3A_986 : memref<4096xf32, #tpu.memory_space<vmem>>) target(%dma_start3A_985 : memref<4096xf32, #tpu.memory_space<hbm>>) target_semaphore(%arg16 : memref<!tpu.dma_semaphore, #tpu.memory_space<semaphore_mem>>)
        %mul3A_987 = arith.constant 4 : i32
        %mul3A_988 = arith.muli %rem3A_881, %mul3A_987 : i32
        %mul3A_989 = arith.constant 4096 : i32
        %mul3A_990 = arith.muli %mul3A_988, %mul3A_989 : i32
        %add3A_991 = arith.constant 8192 : i32
        %add3A_992 = arith.addi %mul3A_990, %add3A_991 : i32
        %mul3A_993 = arith.constant 4096 : i32
        %mul3A_994 = arith.muli %add3A, %mul3A_993 : i32
        %dma_start3A_995 = arith.constant 2 : i32
        %dma_start3A_996 = tpu.memref_slice %arg13[%add3A_992] : memref<32768xf32, #tpu.memory_space<vmem>> -> memref<4096xf32, #tpu.memory_space<vmem>>
        %dma_start3A_997 = arith.constant 0 : i32
        %dma_start3A_998 = arith.constant 0 : i32
        %dma_start3A_999 = tpu.memref_slice %arg10[%select_n3A, %dma_start3A_997, %dma_start3A_998] : memref<50x4x131072xf32, #tpu.memory_space<hbm>> -> memref<1x4x131072xf32, #tpu.memory_space<hbm>>
        %dma_start3A_1000 = tpu.memref_squeeze %dma_start3A_999 : memref<1x4x131072xf32, #tpu.memory_space<hbm>> -> memref<4x131072xf32, #tpu.memory_space<hbm>>
        %dma_start3A_1001 = arith.constant 0 : i32
        %dma_start3A_1002 = tpu.memref_slice %dma_start3A_1000[%dma_start3A_995, %dma_start3A_1001] : memref<4x131072xf32, #tpu.memory_space<hbm>> -> memref<1x131072xf32, #tpu.memory_space<hbm>>
        %dma_start3A_1003 = tpu.memref_squeeze %dma_start3A_1002 : memref<1x131072xf32, #tpu.memory_space<hbm>> -> memref<131072xf32, #tpu.memory_space<hbm>>
        %dma_start3A_1004 = tpu.memref_slice %dma_start3A_1003[%mul3A_994] : memref<131072xf32, #tpu.memory_space<hbm>> -> memref<4096xf32, #tpu.memory_space<hbm>>
        %dma_start3A_1005 = arith.constant 0 : i32
        %dma_start3A_1006 = arith.constant 0 : i32
        %dma_start3A_1007 = tpu.memref_slice %arg10[%select_n3A, %dma_start3A_1005, %dma_start3A_1006] : memref<50x4x131072xf32, #tpu.memory_space<hbm>> -> memref<1x4x131072xf32, #tpu.memory_space<hbm>>
        %dma_start3A_1008 = tpu.memref_squeeze %dma_start3A_1007 : memref<1x4x131072xf32, #tpu.memory_space<hbm>> -> memref<4x131072xf32, #tpu.memory_space<hbm>>
        %dma_start3A_1009 = arith.constant 0 : i32
        %dma_start3A_1010 = tpu.memref_slice %dma_start3A_1008[%dma_start3A_995, %dma_start3A_1009] : memref<4x131072xf32, #tpu.memory_space<hbm>> -> memref<1x131072xf32, #tpu.memory_space<hbm>>
        %dma_start3A_1011 = tpu.memref_squeeze %dma_start3A_1010 : memref<1x131072xf32, #tpu.memory_space<hbm>> -> memref<131072xf32, #tpu.memory_space<hbm>>
        %dma_start3A_1012 = tpu.memref_slice %dma_start3A_1011[%mul3A_994] : memref<131072xf32, #tpu.memory_space<hbm>> -> memref<4096xf32, #tpu.memory_space<hbm>>
        %dma_start3A_1013 = tpu.memref_slice %arg13[%add3A_992] : memref<32768xf32, #tpu.memory_space<vmem>> -> memref<4096xf32, #tpu.memory_space<vmem>>
        tpu.enqueue_dma source(%dma_start3A_1013 : memref<4096xf32, #tpu.memory_space<vmem>>) target(%dma_start3A_1012 : memref<4096xf32, #tpu.memory_space<hbm>>) target_semaphore(%arg16 : memref<!tpu.dma_semaphore, #tpu.memory_space<semaphore_mem>>)
        %mul3A_1014 = arith.constant 4 : i32
        %mul3A_1015 = arith.muli %rem3A_881, %mul3A_1014 : i32
        %mul3A_1016 = arith.constant 4096 : i32
        %mul3A_1017 = arith.muli %mul3A_1015, %mul3A_1016 : i32
        %add3A_1018 = arith.constant 12288 : i32
        %add3A_1019 = arith.addi %mul3A_1017, %add3A_1018 : i32
        %mul3A_1020 = arith.constant 4096 : i32
        %mul3A_1021 = arith.muli %add3A, %mul3A_1020 : i32
        %dma_start3A_1022 = arith.constant 3 : i32
        %dma_start3A_1023 = tpu.memref_slice %arg13[%add3A_1019] : memref<32768xf32, #tpu.memory_space<vmem>> -> memref<4096xf32, #tpu.memory_space<vmem>>
        %dma_start3A_1024 = arith.constant 0 : i32
        %dma_start3A_1025 = arith.constant 0 : i32
        %dma_start3A_1026 = tpu.memref_slice %arg10[%select_n3A, %dma_start3A_1024, %dma_start3A_1025] : memref<50x4x131072xf32, #tpu.memory_space<hbm>> -> memref<1x4x131072xf32, #tpu.memory_space<hbm>>
        %dma_start3A_1027 = tpu.memref_squeeze %dma_start3A_1026 : memref<1x4x131072xf32, #tpu.memory_space<hbm>> -> memref<4x131072xf32, #tpu.memory_space<hbm>>
        %dma_start3A_1028 = arith.constant 0 : i32
        %dma_start3A_1029 = tpu.memref_slice %dma_start3A_1027[%dma_start3A_1022, %dma_start3A_1028] : memref<4x131072xf32, #tpu.memory_space<hbm>> -> memref<1x131072xf32, #tpu.memory_space<hbm>>
        %dma_start3A_1030 = tpu.memref_squeeze %dma_start3A_1029 : memref<1x131072xf32, #tpu.memory_space<hbm>> -> memref<131072xf32, #tpu.memory_space<hbm>>
        %dma_start3A_1031 = tpu.memref_slice %dma_start3A_1030[%mul3A_1021] : memref<131072xf32, #tpu.memory_space<hbm>> -> memref<4096xf32, #tpu.memory_space<hbm>>
        %dma_start3A_1032 = arith.constant 0 : i32
        %dma_start3A_1033 = arith.constant 0 : i32
        %dma_start3A_1034 = tpu.memref_slice %arg10[%select_n3A, %dma_start3A_1032, %dma_start3A_1033] : memref<50x4x131072xf32, #tpu.memory_space<hbm>> -> memref<1x4x131072xf32, #tpu.memory_space<hbm>>
        %dma_start3A_1035 = tpu.memref_squeeze %dma_start3A_1034 : memref<1x4x131072xf32, #tpu.memory_space<hbm>> -> memref<4x131072xf32, #tpu.memory_space<hbm>>
        %dma_start3A_1036 = arith.constant 0 : i32
        %dma_start3A_1037 = tpu.memref_slice %dma_start3A_1035[%dma_start3A_1022, %dma_start3A_1036] : memref<4x131072xf32, #tpu.memory_space<hbm>> -> memref<1x131072xf32, #tpu.memory_space<hbm>>
        %dma_start3A_1038 = tpu.memref_squeeze %dma_start3A_1037 : memref<1x131072xf32, #tpu.memory_space<hbm>> -> memref<131072xf32, #tpu.memory_space<hbm>>
        %dma_start3A_1039 = tpu.memref_slice %dma_start3A_1038[%mul3A_1021] : memref<131072xf32, #tpu.memory_space<hbm>> -> memref<4096xf32, #tpu.memory_space<hbm>>
        %dma_start3A_1040 = tpu.memref_slice %arg13[%add3A_1019] : memref<32768xf32, #tpu.memory_space<vmem>> -> memref<4096xf32, #tpu.memory_space<vmem>>
        tpu.enqueue_dma source(%dma_start3A_1040 : memref<4096xf32, #tpu.memory_space<vmem>>) target(%dma_start3A_1039 : memref<4096xf32, #tpu.memory_space<hbm>>) target_semaphore(%arg16 : memref<!tpu.dma_semaphore, #tpu.memory_space<semaphore_mem>>)
      } else {
      }
    }
    %scan3A_668 = arith.constant 200 : i32
    %dma_wait3A = arith.constant 0 : i32
    %dma_wait3A_669 = arith.constant 0 : i32
    %dma_wait3A_670 = arith.constant 0 : i32
    %dma_wait3A_671 = tpu.memref_slice %arg13[%dma_wait3A_670] : memref<32768xf32, #tpu.memory_space<vmem>> -> memref<4096xf32, #tpu.memory_space<vmem>>
    %dma_wait3A_672 = arith.constant 0 : i32
    %dma_wait3A_673 = arith.constant 0 : i32
    %dma_wait3A_674 = tpu.memref_slice %arg7[%dma_wait3A, %dma_wait3A_672, %dma_wait3A_673] : memref<50x4x131072xf32, #tpu.memory_space<hbm>> -> memref<1x4x131072xf32, #tpu.memory_space<hbm>>
    %dma_wait3A_675 = tpu.memref_squeeze %dma_wait3A_674 : memref<1x4x131072xf32, #tpu.memory_space<hbm>> -> memref<4x131072xf32, #tpu.memory_space<hbm>>
    %dma_wait3A_676 = arith.constant 0 : i32
    %dma_wait3A_677 = tpu.memref_slice %dma_wait3A_675[%dma_wait3A_669, %dma_wait3A_676] : memref<4x131072xf32, #tpu.memory_space<hbm>> -> memref<1x131072xf32, #tpu.memory_space<hbm>>
    %dma_wait3A_678 = tpu.memref_squeeze %dma_wait3A_677 : memref<1x131072xf32, #tpu.memory_space<hbm>> -> memref<131072xf32, #tpu.memory_space<hbm>>
    %dma_wait3A_679 = arith.constant 0 : i32
    %dma_wait3A_680 = tpu.memref_slice %dma_wait3A_678[%dma_wait3A_679] : memref<131072xf32, #tpu.memory_space<hbm>> -> memref<4096xf32, #tpu.memory_space<hbm>>
    %dma_wait3A_681 = arith.constant 0 : i32
    %dma_wait3A_682 = arith.constant 0 : i32
    %dma_wait3A_683 = tpu.memref_slice %arg7[%dma_wait3A, %dma_wait3A_681, %dma_wait3A_682] : memref<50x4x131072xf32, #tpu.memory_space<hbm>> -> memref<1x4x131072xf32, #tpu.memory_space<hbm>>
    %dma_wait3A_684 = tpu.memref_squeeze %dma_wait3A_683 : memref<1x4x131072xf32, #tpu.memory_space<hbm>> -> memref<4x131072xf32, #tpu.memory_space<hbm>>
    %dma_wait3A_685 = arith.constant 0 : i32
    %dma_wait3A_686 = tpu.memref_slice %dma_wait3A_684[%dma_wait3A_669, %dma_wait3A_685] : memref<4x131072xf32, #tpu.memory_space<hbm>> -> memref<1x131072xf32, #tpu.memory_space<hbm>>
    %dma_wait3A_687 = tpu.memref_squeeze %dma_wait3A_686 : memref<1x131072xf32, #tpu.memory_space<hbm>> -> memref<131072xf32, #tpu.memory_space<hbm>>
    %dma_wait3A_688 = arith.constant 0 : i32
    %dma_wait3A_689 = tpu.memref_slice %dma_wait3A_687[%dma_wait3A_688] : memref<131072xf32, #tpu.memory_space<hbm>> -> memref<4096xf32, #tpu.memory_space<hbm>>
    %dma_wait3A_690 = arith.constant 0 : i32
    %dma_wait3A_691 = tpu.memref_slice %arg13[%dma_wait3A_690] : memref<32768xf32, #tpu.memory_space<vmem>> -> memref<4096xf32, #tpu.memory_space<vmem>>
    tpu.wait_dma2 semaphore(%arg16 : memref<!tpu.dma_semaphore, #tpu.memory_space<semaphore_mem>>) src(%dma_wait3A_691 : memref<4096xf32, #tpu.memory_space<vmem>>) dst(%dma_wait3A_689 : memref<4096xf32, #tpu.memory_space<hbm>>)
    %dma_wait3A_692 = arith.constant 0 : i32
    %dma_wait3A_693 = arith.constant 0 : i32
    %dma_wait3A_694 = arith.constant 4096 : i32
    %dma_wait3A_695 = tpu.memref_slice %arg13[%dma_wait3A_694] : memref<32768xf32, #tpu.memory_space<vmem>> -> memref<4096xf32, #tpu.memory_space<vmem>>
    %dma_wait3A_696 = arith.constant 0 : i32
    %dma_wait3A_697 = arith.constant 0 : i32
    %dma_wait3A_698 = tpu.memref_slice %arg7[%dma_wait3A_692, %dma_wait3A_696, %dma_wait3A_697] : memref<50x4x131072xf32, #tpu.memory_space<hbm>> -> memref<1x4x131072xf32, #tpu.memory_space<hbm>>
    %dma_wait3A_699 = tpu.memref_squeeze %dma_wait3A_698 : memref<1x4x131072xf32, #tpu.memory_space<hbm>> -> memref<4x131072xf32, #tpu.memory_space<hbm>>
    %dma_wait3A_700 = arith.constant 0 : i32
    %dma_wait3A_701 = tpu.memref_slice %dma_wait3A_699[%dma_wait3A_693, %dma_wait3A_700] : memref<4x131072xf32, #tpu.memory_space<hbm>> -> memref<1x131072xf32, #tpu.memory_space<hbm>>
    %dma_wait3A_702 = tpu.memref_squeeze %dma_wait3A_701 : memref<1x131072xf32, #tpu.memory_space<hbm>> -> memref<131072xf32, #tpu.memory_space<hbm>>
    %dma_wait3A_703 = arith.constant 0 : i32
    %dma_wait3A_704 = tpu.memref_slice %dma_wait3A_702[%dma_wait3A_703] : memref<131072xf32, #tpu.memory_space<hbm>> -> memref<4096xf32, #tpu.memory_space<hbm>>
    %dma_wait3A_705 = arith.constant 0 : i32
    %dma_wait3A_706 = arith.constant 0 : i32
    %dma_wait3A_707 = tpu.memref_slice %arg7[%dma_wait3A_692, %dma_wait3A_705, %dma_wait3A_706] : memref<50x4x131072xf32, #tpu.memory_space<hbm>> -> memref<1x4x131072xf32, #tpu.memory_space<hbm>>
    %dma_wait3A_708 = tpu.memref_squeeze %dma_wait3A_707 : memref<1x4x131072xf32, #tpu.memory_space<hbm>> -> memref<4x131072xf32, #tpu.memory_space<hbm>>
    %dma_wait3A_709 = arith.constant 0 : i32
    %dma_wait3A_710 = tpu.memref_slice %dma_wait3A_708[%dma_wait3A_693, %dma_wait3A_709] : memref<4x131072xf32, #tpu.memory_space<hbm>> -> memref<1x131072xf32, #tpu.memory_space<hbm>>
    %dma_wait3A_711 = tpu.memref_squeeze %dma_wait3A_710 : memref<1x131072xf32, #tpu.memory_space<hbm>> -> memref<131072xf32, #tpu.memory_space<hbm>>
    %dma_wait3A_712 = arith.constant 0 : i32
    %dma_wait3A_713 = tpu.memref_slice %dma_wait3A_711[%dma_wait3A_712] : memref<131072xf32, #tpu.memory_space<hbm>> -> memref<4096xf32, #tpu.memory_space<hbm>>
    %dma_wait3A_714 = arith.constant 4096 : i32
    %dma_wait3A_715 = tpu.memref_slice %arg13[%dma_wait3A_714] : memref<32768xf32, #tpu.memory_space<vmem>> -> memref<4096xf32, #tpu.memory_space<vmem>>
    tpu.wait_dma2 semaphore(%arg16 : memref<!tpu.dma_semaphore, #tpu.memory_space<semaphore_mem>>) src(%dma_wait3A_715 : memref<4096xf32, #tpu.memory_space<vmem>>) dst(%dma_wait3A_713 : memref<4096xf32, #tpu.memory_space<hbm>>)
    %dma_wait3A_716 = arith.constant 0 : i32
    %dma_wait3A_717 = arith.constant 0 : i32
    %dma_wait3A_718 = arith.constant 8192 : i32
    %dma_wait3A_719 = tpu.memref_slice %arg13[%dma_wait3A_718] : memref<32768xf32, #tpu.memory_space<vmem>> -> memref<4096xf32, #tpu.memory_space<vmem>>
    %dma_wait3A_720 = arith.constant 0 : i32
    %dma_wait3A_721 = arith.constant 0 : i32
    %dma_wait3A_722 = tpu.memref_slice %arg7[%dma_wait3A_716, %dma_wait3A_720, %dma_wait3A_721] : memref<50x4x131072xf32, #tpu.memory_space<hbm>> -> memref<1x4x131072xf32, #tpu.memory_space<hbm>>
    %dma_wait3A_723 = tpu.memref_squeeze %dma_wait3A_722 : memref<1x4x131072xf32, #tpu.memory_space<hbm>> -> memref<4x131072xf32, #tpu.memory_space<hbm>>
    %dma_wait3A_724 = arith.constant 0 : i32
    %dma_wait3A_725 = tpu.memref_slice %dma_wait3A_723[%dma_wait3A_717, %dma_wait3A_724] : memref<4x131072xf32, #tpu.memory_space<hbm>> -> memref<1x131072xf32, #tpu.memory_space<hbm>>
    %dma_wait3A_726 = tpu.memref_squeeze %dma_wait3A_725 : memref<1x131072xf32, #tpu.memory_space<hbm>> -> memref<131072xf32, #tpu.memory_space<hbm>>
    %dma_wait3A_727 = arith.constant 0 : i32
    %dma_wait3A_728 = tpu.memref_slice %dma_wait3A_726[%dma_wait3A_727] : memref<131072xf32, #tpu.memory_space<hbm>> -> memref<4096xf32, #tpu.memory_space<hbm>>
    %dma_wait3A_729 = arith.constant 0 : i32
    %dma_wait3A_730 = arith.constant 0 : i32
    %dma_wait3A_731 = tpu.memref_slice %arg7[%dma_wait3A_716, %dma_wait3A_729, %dma_wait3A_730] : memref<50x4x131072xf32, #tpu.memory_space<hbm>> -> memref<1x4x131072xf32, #tpu.memory_space<hbm>>
    %dma_wait3A_732 = tpu.memref_squeeze %dma_wait3A_731 : memref<1x4x131072xf32, #tpu.memory_space<hbm>> -> memref<4x131072xf32, #tpu.memory_space<hbm>>
    %dma_wait3A_733 = arith.constant 0 : i32
    %dma_wait3A_734 = tpu.memref_slice %dma_wait3A_732[%dma_wait3A_717, %dma_wait3A_733] : memref<4x131072xf32, #tpu.memory_space<hbm>> -> memref<1x131072xf32, #tpu.memory_space<hbm>>
    %dma_wait3A_735 = tpu.memref_squeeze %dma_wait3A_734 : memref<1x131072xf32, #tpu.memory_space<hbm>> -> memref<131072xf32, #tpu.memory_space<hbm>>
    %dma_wait3A_736 = arith.constant 0 : i32
    %dma_wait3A_737 = tpu.memref_slice %dma_wait3A_735[%dma_wait3A_736] : memref<131072xf32, #tpu.memory_space<hbm>> -> memref<4096xf32, #tpu.memory_space<hbm>>
    %dma_wait3A_738 = arith.constant 8192 : i32
    %dma_wait3A_739 = tpu.memref_slice %arg13[%dma_wait3A_738] : memref<32768xf32, #tpu.memory_space<vmem>> -> memref<4096xf32, #tpu.memory_space<vmem>>
    tpu.wait_dma2 semaphore(%arg16 : memref<!tpu.dma_semaphore, #tpu.memory_space<semaphore_mem>>) src(%dma_wait3A_739 : memref<4096xf32, #tpu.memory_space<vmem>>) dst(%dma_wait3A_737 : memref<4096xf32, #tpu.memory_space<hbm>>)
    %dma_wait3A_740 = arith.constant 0 : i32
    %dma_wait3A_741 = arith.constant 0 : i32
    %dma_wait3A_742 = arith.constant 12288 : i32
    %dma_wait3A_743 = tpu.memref_slice %arg13[%dma_wait3A_742] : memref<32768xf32, #tpu.memory_space<vmem>> -> memref<4096xf32, #tpu.memory_space<vmem>>
    %dma_wait3A_744 = arith.constant 0 : i32
    %dma_wait3A_745 = arith.constant 0 : i32
    %dma_wait3A_746 = tpu.memref_slice %arg7[%dma_wait3A_740, %dma_wait3A_744, %dma_wait3A_745] : memref<50x4x131072xf32, #tpu.memory_space<hbm>> -> memref<1x4x131072xf32, #tpu.memory_space<hbm>>
    %dma_wait3A_747 = tpu.memref_squeeze %dma_wait3A_746 : memref<1x4x131072xf32, #tpu.memory_space<hbm>> -> memref<4x131072xf32, #tpu.memory_space<hbm>>
    %dma_wait3A_748 = arith.constant 0 : i32
    %dma_wait3A_749 = tpu.memref_slice %dma_wait3A_747[%dma_wait3A_741, %dma_wait3A_748] : memref<4x131072xf32, #tpu.memory_space<hbm>> -> memref<1x131072xf32, #tpu.memory_space<hbm>>
    %dma_wait3A_750 = tpu.memref_squeeze %dma_wait3A_749 : memref<1x131072xf32, #tpu.memory_space<hbm>> -> memref<131072xf32, #tpu.memory_space<hbm>>
    %dma_wait3A_751 = arith.constant 0 : i32
    %dma_wait3A_752 = tpu.memref_slice %dma_wait3A_750[%dma_wait3A_751] : memref<131072xf32, #tpu.memory_space<hbm>> -> memref<4096xf32, #tpu.memory_space<hbm>>
    %dma_wait3A_753 = arith.constant 0 : i32
    %dma_wait3A_754 = arith.constant 0 : i32
    %dma_wait3A_755 = tpu.memref_slice %arg7[%dma_wait3A_740, %dma_wait3A_753, %dma_wait3A_754] : memref<50x4x131072xf32, #tpu.memory_space<hbm>> -> memref<1x4x131072xf32, #tpu.memory_space<hbm>>
    %dma_wait3A_756 = tpu.memref_squeeze %dma_wait3A_755 : memref<1x4x131072xf32, #tpu.memory_space<hbm>> -> memref<4x131072xf32, #tpu.memory_space<hbm>>
    %dma_wait3A_757 = arith.constant 0 : i32
    %dma_wait3A_758 = tpu.memref_slice %dma_wait3A_756[%dma_wait3A_741, %dma_wait3A_757] : memref<4x131072xf32, #tpu.memory_space<hbm>> -> memref<1x131072xf32, #tpu.memory_space<hbm>>
    %dma_wait3A_759 = tpu.memref_squeeze %dma_wait3A_758 : memref<1x131072xf32, #tpu.memory_space<hbm>> -> memref<131072xf32, #tpu.memory_space<hbm>>
    %dma_wait3A_760 = arith.constant 0 : i32
    %dma_wait3A_761 = tpu.memref_slice %dma_wait3A_759[%dma_wait3A_760] : memref<131072xf32, #tpu.memory_space<hbm>> -> memref<4096xf32, #tpu.memory_space<hbm>>
    %dma_wait3A_762 = arith.constant 12288 : i32
    %dma_wait3A_763 = tpu.memref_slice %arg13[%dma_wait3A_762] : memref<32768xf32, #tpu.memory_space<vmem>> -> memref<4096xf32, #tpu.memory_space<vmem>>
    tpu.wait_dma2 semaphore(%arg16 : memref<!tpu.dma_semaphore, #tpu.memory_space<semaphore_mem>>) src(%dma_wait3A_763 : memref<4096xf32, #tpu.memory_space<vmem>>) dst(%dma_wait3A_761 : memref<4096xf32, #tpu.memory_space<hbm>>)
    %dma_wait3A_764 = arith.constant 0 : i32
    %dma_wait3A_765 = arith.constant 0 : i32
    %dma_wait3A_766 = arith.constant 0 : i32
    %dma_wait3A_767 = tpu.memref_slice %arg13[%dma_wait3A_766] : memref<32768xf32, #tpu.memory_space<vmem>> -> memref<4096xf32, #tpu.memory_space<vmem>>
    %dma_wait3A_768 = arith.constant 0 : i32
    %dma_wait3A_769 = arith.constant 0 : i32
    %dma_wait3A_770 = tpu.memref_slice %arg7[%dma_wait3A_764, %dma_wait3A_768, %dma_wait3A_769] : memref<50x4x131072xf32, #tpu.memory_space<hbm>> -> memref<1x4x131072xf32, #tpu.memory_space<hbm>>
    %dma_wait3A_771 = tpu.memref_squeeze %dma_wait3A_770 : memref<1x4x131072xf32, #tpu.memory_space<hbm>> -> memref<4x131072xf32, #tpu.memory_space<hbm>>
    %dma_wait3A_772 = arith.constant 0 : i32
    %dma_wait3A_773 = tpu.memref_slice %dma_wait3A_771[%dma_wait3A_765, %dma_wait3A_772] : memref<4x131072xf32, #tpu.memory_space<hbm>> -> memref<1x131072xf32, #tpu.memory_space<hbm>>
    %dma_wait3A_774 = tpu.memref_squeeze %dma_wait3A_773 : memref<1x131072xf32, #tpu.memory_space<hbm>> -> memref<131072xf32, #tpu.memory_space<hbm>>
    %dma_wait3A_775 = arith.constant 0 : i32
    %dma_wait3A_776 = tpu.memref_slice %dma_wait3A_774[%dma_wait3A_775] : memref<131072xf32, #tpu.memory_space<hbm>> -> memref<4096xf32, #tpu.memory_space<hbm>>
    %dma_wait3A_777 = arith.constant 0 : i32
    %dma_wait3A_778 = arith.constant 0 : i32
    %dma_wait3A_779 = tpu.memref_slice %arg7[%dma_wait3A_764, %dma_wait3A_777, %dma_wait3A_778] : memref<50x4x131072xf32, #tpu.memory_space<hbm>> -> memref<1x4x131072xf32, #tpu.memory_space<hbm>>
    %dma_wait3A_780 = tpu.memref_squeeze %dma_wait3A_779 : memref<1x4x131072xf32, #tpu.memory_space<hbm>> -> memref<4x131072xf32, #tpu.memory_space<hbm>>
    %dma_wait3A_781 = arith.constant 0 : i32
    %dma_wait3A_782 = tpu.memref_slice %dma_wait3A_780[%dma_wait3A_765, %dma_wait3A_781] : memref<4x131072xf32, #tpu.memory_space<hbm>> -> memref<1x131072xf32, #tpu.memory_space<hbm>>
    %dma_wait3A_783 = tpu.memref_squeeze %dma_wait3A_782 : memref<1x131072xf32, #tpu.memory_space<hbm>> -> memref<131072xf32, #tpu.memory_space<hbm>>
    %dma_wait3A_784 = arith.constant 0 : i32
    %dma_wait3A_785 = tpu.memref_slice %dma_wait3A_783[%dma_wait3A_784] : memref<131072xf32, #tpu.memory_space<hbm>> -> memref<4096xf32, #tpu.memory_space<hbm>>
    %dma_wait3A_786 = arith.constant 0 : i32
    %dma_wait3A_787 = tpu.memref_slice %arg13[%dma_wait3A_786] : memref<32768xf32, #tpu.memory_space<vmem>> -> memref<4096xf32, #tpu.memory_space<vmem>>
    tpu.wait_dma2 semaphore(%arg16 : memref<!tpu.dma_semaphore, #tpu.memory_space<semaphore_mem>>) src(%dma_wait3A_787 : memref<4096xf32, #tpu.memory_space<vmem>>) dst(%dma_wait3A_785 : memref<4096xf32, #tpu.memory_space<hbm>>)
    %dma_wait3A_788 = arith.constant 0 : i32
    %dma_wait3A_789 = arith.constant 0 : i32
    %dma_wait3A_790 = arith.constant 4096 : i32
    %dma_wait3A_791 = tpu.memref_slice %arg13[%dma_wait3A_790] : memref<32768xf32, #tpu.memory_space<vmem>> -> memref<4096xf32, #tpu.memory_space<vmem>>
    %dma_wait3A_792 = arith.constant 0 : i32
    %dma_wait3A_793 = arith.constant 0 : i32
    %dma_wait3A_794 = tpu.memref_slice %arg7[%dma_wait3A_788, %dma_wait3A_792, %dma_wait3A_793] : memref<50x4x131072xf32, #tpu.memory_space<hbm>> -> memref<1x4x131072xf32, #tpu.memory_space<hbm>>
    %dma_wait3A_795 = tpu.memref_squeeze %dma_wait3A_794 : memref<1x4x131072xf32, #tpu.memory_space<hbm>> -> memref<4x131072xf32, #tpu.memory_space<hbm>>
    %dma_wait3A_796 = arith.constant 0 : i32
    %dma_wait3A_797 = tpu.memref_slice %dma_wait3A_795[%dma_wait3A_789, %dma_wait3A_796] : memref<4x131072xf32, #tpu.memory_space<hbm>> -> memref<1x131072xf32, #tpu.memory_space<hbm>>
    %dma_wait3A_798 = tpu.memref_squeeze %dma_wait3A_797 : memref<1x131072xf32, #tpu.memory_space<hbm>> -> memref<131072xf32, #tpu.memory_space<hbm>>
    %dma_wait3A_799 = arith.constant 0 : i32
    %dma_wait3A_800 = tpu.memref_slice %dma_wait3A_798[%dma_wait3A_799] : memref<131072xf32, #tpu.memory_space<hbm>> -> memref<4096xf32, #tpu.memory_space<hbm>>
    %dma_wait3A_801 = arith.constant 0 : i32
    %dma_wait3A_802 = arith.constant 0 : i32
    %dma_wait3A_803 = tpu.memref_slice %arg7[%dma_wait3A_788, %dma_wait3A_801, %dma_wait3A_802] : memref<50x4x131072xf32, #tpu.memory_space<hbm>> -> memref<1x4x131072xf32, #tpu.memory_space<hbm>>
    %dma_wait3A_804 = tpu.memref_squeeze %dma_wait3A_803 : memref<1x4x131072xf32, #tpu.memory_space<hbm>> -> memref<4x131072xf32, #tpu.memory_space<hbm>>
    %dma_wait3A_805 = arith.constant 0 : i32
    %dma_wait3A_806 = tpu.memref_slice %dma_wait3A_804[%dma_wait3A_789, %dma_wait3A_805] : memref<4x131072xf32, #tpu.memory_space<hbm>> -> memref<1x131072xf32, #tpu.memory_space<hbm>>
    %dma_wait3A_807 = tpu.memref_squeeze %dma_wait3A_806 : memref<1x131072xf32, #tpu.memory_space<hbm>> -> memref<131072xf32, #tpu.memory_space<hbm>>
    %dma_wait3A_808 = arith.constant 0 : i32
    %dma_wait3A_809 = tpu.memref_slice %dma_wait3A_807[%dma_wait3A_808] : memref<131072xf32, #tpu.memory_space<hbm>> -> memref<4096xf32, #tpu.memory_space<hbm>>
    %dma_wait3A_810 = arith.constant 4096 : i32
    %dma_wait3A_811 = tpu.memref_slice %arg13[%dma_wait3A_810] : memref<32768xf32, #tpu.memory_space<vmem>> -> memref<4096xf32, #tpu.memory_space<vmem>>
    tpu.wait_dma2 semaphore(%arg16 : memref<!tpu.dma_semaphore, #tpu.memory_space<semaphore_mem>>) src(%dma_wait3A_811 : memref<4096xf32, #tpu.memory_space<vmem>>) dst(%dma_wait3A_809 : memref<4096xf32, #tpu.memory_space<hbm>>)
    %dma_wait3A_812 = arith.constant 0 : i32
    %dma_wait3A_813 = arith.constant 0 : i32
    %dma_wait3A_814 = arith.constant 8192 : i32
    %dma_wait3A_815 = tpu.memref_slice %arg13[%dma_wait3A_814] : memref<32768xf32, #tpu.memory_space<vmem>> -> memref<4096xf32, #tpu.memory_space<vmem>>
    %dma_wait3A_816 = arith.constant 0 : i32
    %dma_wait3A_817 = arith.constant 0 : i32
    %dma_wait3A_818 = tpu.memref_slice %arg7[%dma_wait3A_812, %dma_wait3A_816, %dma_wait3A_817] : memref<50x4x131072xf32, #tpu.memory_space<hbm>> -> memref<1x4x131072xf32, #tpu.memory_space<hbm>>
    %dma_wait3A_819 = tpu.memref_squeeze %dma_wait3A_818 : memref<1x4x131072xf32, #tpu.memory_space<hbm>> -> memref<4x131072xf32, #tpu.memory_space<hbm>>
    %dma_wait3A_820 = arith.constant 0 : i32
    %dma_wait3A_821 = tpu.memref_slice %dma_wait3A_819[%dma_wait3A_813, %dma_wait3A_820] : memref<4x131072xf32, #tpu.memory_space<hbm>> -> memref<1x131072xf32, #tpu.memory_space<hbm>>
    %dma_wait3A_822 = tpu.memref_squeeze %dma_wait3A_821 : memref<1x131072xf32, #tpu.memory_space<hbm>> -> memref<131072xf32, #tpu.memory_space<hbm>>
    %dma_wait3A_823 = arith.constant 0 : i32
    %dma_wait3A_824 = tpu.memref_slice %dma_wait3A_822[%dma_wait3A_823] : memref<131072xf32, #tpu.memory_space<hbm>> -> memref<4096xf32, #tpu.memory_space<hbm>>
    %dma_wait3A_825 = arith.constant 0 : i32
    %dma_wait3A_826 = arith.constant 0 : i32
    %dma_wait3A_827 = tpu.memref_slice %arg7[%dma_wait3A_812, %dma_wait3A_825, %dma_wait3A_826] : memref<50x4x131072xf32, #tpu.memory_space<hbm>> -> memref<1x4x131072xf32, #tpu.memory_space<hbm>>
    %dma_wait3A_828 = tpu.memref_squeeze %dma_wait3A_827 : memref<1x4x131072xf32, #tpu.memory_space<hbm>> -> memref<4x131072xf32, #tpu.memory_space<hbm>>
    %dma_wait3A_829 = arith.constant 0 : i32
    %dma_wait3A_830 = tpu.memref_slice %dma_wait3A_828[%dma_wait3A_813, %dma_wait3A_829] : memref<4x131072xf32, #tpu.memory_space<hbm>> -> memref<1x131072xf32, #tpu.memory_space<hbm>>
    %dma_wait3A_831 = tpu.memref_squeeze %dma_wait3A_830 : memref<1x131072xf32, #tpu.memory_space<hbm>> -> memref<131072xf32, #tpu.memory_space<hbm>>
    %dma_wait3A_832 = arith.constant 0 : i32
    %dma_wait3A_833 = tpu.memref_slice %dma_wait3A_831[%dma_wait3A_832] : memref<131072xf32, #tpu.memory_space<hbm>> -> memref<4096xf32, #tpu.memory_space<hbm>>
    %dma_wait3A_834 = arith.constant 8192 : i32
    %dma_wait3A_835 = tpu.memref_slice %arg13[%dma_wait3A_834] : memref<32768xf32, #tpu.memory_space<vmem>> -> memref<4096xf32, #tpu.memory_space<vmem>>
    tpu.wait_dma2 semaphore(%arg16 : memref<!tpu.dma_semaphore, #tpu.memory_space<semaphore_mem>>) src(%dma_wait3A_835 : memref<4096xf32, #tpu.memory_space<vmem>>) dst(%dma_wait3A_833 : memref<4096xf32, #tpu.memory_space<hbm>>)
    %dma_wait3A_836 = arith.constant 0 : i32
    %dma_wait3A_837 = arith.constant 0 : i32
    %dma_wait3A_838 = arith.constant 12288 : i32
    %dma_wait3A_839 = tpu.memref_slice %arg13[%dma_wait3A_838] : memref<32768xf32, #tpu.memory_space<vmem>> -> memref<4096xf32, #tpu.memory_space<vmem>>
    %dma_wait3A_840 = arith.constant 0 : i32
    %dma_wait3A_841 = arith.constant 0 : i32
    %dma_wait3A_842 = tpu.memref_slice %arg7[%dma_wait3A_836, %dma_wait3A_840, %dma_wait3A_841] : memref<50x4x131072xf32, #tpu.memory_space<hbm>> -> memref<1x4x131072xf32, #tpu.memory_space<hbm>>
    %dma_wait3A_843 = tpu.memref_squeeze %dma_wait3A_842 : memref<1x4x131072xf32, #tpu.memory_space<hbm>> -> memref<4x131072xf32, #tpu.memory_space<hbm>>
    %dma_wait3A_844 = arith.constant 0 : i32
    %dma_wait3A_845 = tpu.memref_slice %dma_wait3A_843[%dma_wait3A_837, %dma_wait3A_844] : memref<4x131072xf32, #tpu.memory_space<hbm>> -> memref<1x131072xf32, #tpu.memory_space<hbm>>
    %dma_wait3A_846 = tpu.memref_squeeze %dma_wait3A_845 : memref<1x131072xf32, #tpu.memory_space<hbm>> -> memref<131072xf32, #tpu.memory_space<hbm>>
    %dma_wait3A_847 = arith.constant 0 : i32
    %dma_wait3A_848 = tpu.memref_slice %dma_wait3A_846[%dma_wait3A_847] : memref<131072xf32, #tpu.memory_space<hbm>> -> memref<4096xf32, #tpu.memory_space<hbm>>
    %dma_wait3A_849 = arith.constant 0 : i32
    %dma_wait3A_850 = arith.constant 0 : i32
    %dma_wait3A_851 = tpu.memref_slice %arg7[%dma_wait3A_836, %dma_wait3A_849, %dma_wait3A_850] : memref<50x4x131072xf32, #tpu.memory_space<hbm>> -> memref<1x4x131072xf32, #tpu.memory_space<hbm>>
    %dma_wait3A_852 = tpu.memref_squeeze %dma_wait3A_851 : memref<1x4x131072xf32, #tpu.memory_space<hbm>> -> memref<4x131072xf32, #tpu.memory_space<hbm>>
    %dma_wait3A_853 = arith.constant 0 : i32
    %dma_wait3A_854 = tpu.memref_slice %dma_wait3A_852[%dma_wait3A_837, %dma_wait3A_853] : memref<4x131072xf32, #tpu.memory_space<hbm>> -> memref<1x131072xf32, #tpu.memory_space<hbm>>
    %dma_wait3A_855 = tpu.memref_squeeze %dma_wait3A_854 : memref<1x131072xf32, #tpu.memory_space<hbm>> -> memref<131072xf32, #tpu.memory_space<hbm>>
    %dma_wait3A_856 = arith.constant 0 : i32
    %dma_wait3A_857 = tpu.memref_slice %dma_wait3A_855[%dma_wait3A_856] : memref<131072xf32, #tpu.memory_space<hbm>> -> memref<4096xf32, #tpu.memory_space<hbm>>
    %dma_wait3A_858 = arith.constant 12288 : i32
    %dma_wait3A_859 = tpu.memref_slice %arg13[%dma_wait3A_858] : memref<32768xf32, #tpu.memory_space<vmem>> -> memref<4096xf32, #tpu.memory_space<vmem>>
    tpu.wait_dma2 semaphore(%arg16 : memref<!tpu.dma_semaphore, #tpu.memory_space<semaphore_mem>>) src(%dma_wait3A_859 : memref<4096xf32, #tpu.memory_space<vmem>>) dst(%dma_wait3A_857 : memref<4096xf32, #tpu.memory_space<hbm>>)
    return
  }
}

</mosaic_0001>

<sc_bundles>
// kernel: _sc_gather.3.cloned.1.call-start
scs
__scs_entry_jumppad:
0x0: {  	(pc) =	sbr.rel $0x88, $3  }
0x1: {  	(tag) =	ssettag $0x0;
	lr =	simm.s32 $0x1  }
0x2: {  	[smem:$0x3F9C] =	sst lr;
	_ =	strace $0xD0000000  }
0x3: {  	_ = 	snop  }
0x4: {  	_ = 	snop  }
0x5: {  	_ = 	snop  }
0x6: {  	_ = 	snop  }
0x7: {  	_ = 	snop  }
__scs_overlays_trampoline_lowered:
0x8: {  	[smem:$0x3FAB] =	sst s0  }
0x9: {  	[smem:$0x3FAC] =	sst s1  }
0xa: {  	[smem:$0x3FAD] =	sst s2  }
0xb: {  	[smem:$0x3FAE] =	sst s3  }
0xc: {  	[smem:$0x3FAF] =	sst s4  }
0xd: {  	[smem:$0x3FB0] =	sst s5  }
0xe: {  	[smem:$0x3FB1] =	sst s6  }
0xf: {  	[smem:$0x3FB2] =	sst s7  }
0x10: {  	[smem:$0x3FB3] =	sst s8  }
0x11: {  	[smem:$0x3FB4] =	sst s9;
	s0 =	simm.s32 @!p0 $0x0  }
0x12: {  	s1 =	sld [smem:$0x3F9A];
	s0 =	simm.s32 @p0 $0x1  }
0x13: {  	[smem:$0x3FB5] =	sst s0;
	s0 =	simm.s32 @!p1 $0x0  }
0x14: {  	s2 =	sld [smem:$0x3F99];
	s0 =	simm.s32 @p1 $0x1  }
0x15: {  	[smem:$0x3FB6] =	sst s0;
	s0 =	simm.s32 @!p2 $0x0  }
0x16: {  	s3 =	sld [smem:$0x3FDB];
	s0 =	simm.s32 @p2 $0x1  }
0x17: {  	s4 =	simm.s32 $0x1BF5;
	[smem:$0x3FB8] =	sst s0  }
0x18: {  	s0 =	sld [smem:$0x3F9B];
	_ =	swait.ge [sflag:s4], $0x0  }
0x19: {  	s7 =	sld [smem:$0x3F9C]  }
0x1a: {  	s8 =	sadd.s32 $0xFFFFE003, lr  }
0x1b: {  	s9 =	sadd.s32 $0xFFFFFEF7, lr;
	s5 =	simm.s32 $0xFFFFFFFF;
	p2 =	slt.u32 s8, $0xFFFFF086  }
0x1c: {  	p1 =	slt.u32 s9, $0xF7A;
	s5 =	simm.s32 @!p2 $0x0  }
0x1d: {  	s5 =	simm.s32 @p1 $0x1;
	p0 =	seq.s32 s7, s2  }
0x1e: {  	s7 =	smul.u32 @!p0 $0xF7A, s2;
	p2 =	seq.s32 @!p0 s5, $0x0  }
0x1f: {  	s9 =	smul.u32 $0xF7A, s1;
	s8 =	simm.s32 @!p0 $0x1BF5;
	p2 =	por !p2, p0  }
0x20: {  	[sflag:s8] =	ssyncset.s32 @!p0 $0xFFFFF086;
	s6 =	sadd.s32 @!p0 s3, s7;
	s7 =	simm.s32 @!p0 $0x108  }
0x21: {  	s3 =	sadd.s32 s3, s9;
	s6 =	sadd.s32 @!p0 $0x88, s6;
	s7 =	simm.s32 @p2 $0x1082  }
0x22: {  	[simem:s7], [sflag:s8] =	dma.local @!p0 [hbm:s6], $0xF7A  }
0x23: {  	s9 =	sor.u32 $0xD0000000, s2;
	s6 =	simm.s32 $0x108;
	_ =	swait.ge @!p0 [sflag:s8], $0x0  }
0x24: {  	s3 =	sadd.s32 $0x88, s3;
	s6 =	simm.s32 @!p1 $0x1082;
	[sflag:s4] =	ssyncset.s32 $0xFFFFF086  }
0x25: {  	[simem:s6], [sflag:s4] =	dma.local [hbm:s3], $0xF7A  }
0x26: {  	[smem:$0x3F9C] =	sst s1;
	(tag) =	ssettag s2;
	_ =	strace s9  }
0x27: {  	s1 =	sld [smem:$0x3FAC]  }
0x28: {  	s2 =	sld [smem:$0x3FAD]  }
0x29: {  	s4 =	sld [smem:$0x3FAF]  }
0x2a: {  	p0 =	seq.s32 s5, $0x0;
	s5 =	sld [smem:$0x3FB0]  }
0x2b: {  	s6 =	sld [smem:$0x3FB1]  }
0x2c: {  	s7 =	sld [smem:$0x3FB2]  }
0x2d: {  	s3 =	simm.s32 $0x108;
	s8 =	sld [smem:$0x3FB3]  }
0x2e: {  	s3 =	simm.s32 @!p0 $0x1082;
	s9 =	sld [smem:$0x3FB4]  }
0x2f: {  	lr =	sadd.s32 s0, s3;
	s0 =	sld [smem:$0x3FAB]  }
0x30: {  	s3 =	sld [smem:$0x3FAE]  }
0x31: {  	[smem:$0x3FB7] =	sst s10  }
0x32: {  	s10 =	sld [smem:$0x3FB5];
	_ =	sdelay $0x3  }
0x33: {  	p0 =	seq.s32 s10, $0x1;
	s10 =	sld [smem:$0x3FB7];
	_ =	sdelay $0x3  }
0x34: {  	[smem:$0x3FB7] =	sst s10  }
0x35: {  	s10 =	sld [smem:$0x3FB6];
	_ =	sdelay $0x3  }
0x36: {  	p1 =	seq.s32 s10, $0x1;
	s10 =	sld [smem:$0x3FB7];
	_ =	sdelay $0x3  }
0x37: {  	[smem:$0x3FB7] =	sst s10  }
0x38: {  	s10 =	sld [smem:$0x3FB8]  }
0x39: {  	_ = 	snop;
	(pc) =	sbr.ind lr, $3  }
0x3a: {  	_ = 	snop  }
0x3b: {  	_ = 	snop  }
0x3c: {  	p2 =	seq.s32 s10, $0x1;
	s10 =	sld [smem:$0x3FB7]  }
0x3d: {  	_ =	shalt  }
0x3e: {  	_ =	shalt  }
0x3f: {  	_ =	shalt  }
0x40: {  	_ =	shalt  }
0x41: {  	_ =	shalt  }
0x42: {  	_ =	shalt  }
0x43: {  	_ =	shalt  }
0x44: {  	_ =	shalt  }
0x45: {  	_ =	shalt  }
0x46: {  	_ =	shalt  }
0x47: {  	_ =	shalt  }
0x48: {  	_ =	shalt  }
0x49: {  	_ =	shalt  }
0x4a: {  	_ =	shalt  }
0x4b: {  	_ =	shalt  }
0x4c: {  	_ =	shalt  }
0x4d: {  	_ =	shalt  }
0x4e: {  	_ =	shalt  }
0x4f: {  	_ =	shalt  }
0x50: {  	_ =	shalt  }
0x51: {  	_ =	shalt  }
0x52: {  	_ =	shalt  }
0x53: {  	_ =	shalt  }
0x54: {  	_ =	shalt  }
0x55: {  	_ =	shalt  }
0x56: {  	_ =	shalt  }
0x57: {  	_ =	shalt  }
0x58: {  	_ =	shalt  }
0x59: {  	_ =	shalt  }
0x5a: {  	_ =	shalt  }
0x5b: {  	_ =	shalt  }
0x5c: {  	_ =	shalt  }
0x5d: {  	_ =	shalt  }
0x5e: {  	_ =	shalt  }
0x5f: {  	_ =	shalt  }
0x60: {  	_ =	shalt  }
0x61: {  	_ =	shalt  }
0x62: {  	_ =	shalt  }
0x63: {  	_ =	shalt  }
0x64: {  	_ =	shalt  }
0x65: {  	_ =	shalt  }
0x66: {  	_ =	shalt  }
0x67: {  	_ =	shalt  }
0x68: {  	_ =	shalt  }
0x69: {  	_ =	shalt  }
0x6a: {  	_ =	shalt  }
0x6b: {  	_ =	shalt  }
0x6c: {  	_ =	shalt  }
0x6d: {  	_ =	shalt  }
0x6e: {  	_ =	shalt  }
0x6f: {  	_ =	shalt  }
0x70: {  	_ =	shalt  }
0x71: {  	_ =	shalt  }
0x72: {  	_ =	shalt  }
0x73: {  	_ =	shalt  }
0x74: {  	_ =	shalt  }
0x75: {  	_ =	shalt  }
0x76: {  	_ =	shalt  }
0x77: {  	_ =	shalt  }
0x78: {  	_ =	shalt  }
0x79: {  	_ =	shalt  }
0x7a: {  	_ =	shalt  }
0x7b: {  	_ =	shalt  }
0x7c: {  	_ =	shalt  }
0x7d: {  	_ =	shalt  }
0x7e: {  	_ =	shalt  }
0x7f: {  	_ =	shalt  }
0x80: {  	_ =	shalt  }
0x81: {  	_ =	shalt  }
0x82: {  	_ =	shalt  }
0x83: {  	_ =	shalt  }
0x84: {  	_ =	shalt  }
0x85: {  	_ =	shalt  }
0x86: {  	_ =	shalt  }
0x87: {  	_ =	shalt  }
.Lfunc_end0:
.L_simem_size_0:
called_computation_lowered:
.L_overlay_start_0:
0x88: {  	s2 =	sld [smem:$0x3FD9]  }
0x89: {  	s3 =	sld [smem:$0x3FFE];
	_ =	sdelay $0x1  }
0x8a: {  	s1 =	srdreg.scid  }
0x8b: {  	s0 =	sand.u32 $0x1, s1  }
0x8c: {  	s14 =	sshll.u32 s0, $0xA;
	s2 =	sadd.s32 s3, s2  }
0x8d: {  	s2 =	sadd.s32 s2, s14  }
0x8e: {  	[smem:$0x3FC3] =	sst s2  }
0x8f: {  	_ = 	snop  }
0x90: {  	s2 =	sld [smem:$0x3FD0];
	_ =	sdelay $0x2  }
0x91: {  	s15 =	simm.s32 $0xA;
	s4 =	simm.s32 $0x10  }
0x92: {  	[smem:s4], [sflag:s15] =	dma.local [hbm:s2], $0x1  }
0x93: {  	_ =	swait.eq [sflag:s15], $0x1  }
0x94: {  	s16 =	sld [smem:$0x10]  }
0x95: {  	s17 =	sld [smem:$0x11];
	[sflag:s15] =	ssyncset.done $0x0  }
0x96: {  	s5 =	sld [smem:$0x12];
	[sflag:s15] =	ssyncadd.s32 $0xFFFFFFFF  }
0x97: {  	s18 =	sld [smem:$0x13];
	(tm) =	ssettm $0x1  }
0x98: {  	s6 =	sld [smem:$0x3FFB];
	_ =	sdelay $0x3  }
0x99: {  	_ =	strace s6  }
0x9a: {  	s6 =	sld [smem:$0x3FFC];
	_ =	sdelay $0x3  }
0x9b: {  	_ =	strace s6  }
0x9c: {  	s6 =	sld [smem:$0x3FFD];
	_ =	sdelay $0x3  }
0x9d: {  	_ =	strace s6  }
0x9e: {  	_ =	strace $0x8FFFFFFF  }
0x9f: {  	s19 =	sld [smem:$0x3FDB];
	_ =	sdelay $0x1  }
0xa0: {  	s7 =	simm.s32 $_scs_section_size  }
0xa1: {  	s8 =	simm.s32 $_size__tile_overlayer_lowered;
	s9 =	simm.s32 $_tile_overlayer_lowered  }
0xa2: {  	s22 =	simm.s32 $0x1BFF;
	s21 =	sshll.u32 s9, $0x1;
	s6 =	sadd.s32 s7, s19  }
0xa3: {  	s10 =	simm.s32 $0x0;
	s20 =	sshll.u32 s8, $0x1;
	s8 =	sadd.s32 s21, s6  }
0xa4: {  	[timem:s10], [sflag:s22] =	dma.local [hbm:s8], s20  }
0xa5: {  	_ =	swait.ge [sflag:s22], s20  }
0xa6: {  	s7 =	ssub.s32 $0x0, s20;
	[sflag:s22] =	ssyncset.done $0x0  }
0xa7: {  	[sflag:s22] =	ssyncadd.s32 s7;
	_ =	sdelay $0x1  }
0xa8: {  	s23 =	simm.s32 $0x1B8B  }
0xa9: {  	_ =	swait.ge [sflag:s23], $0x1  }
0xaa: {  	[sflag:s23] =	ssyncset.done $0x0  }
0xab: {  	s25 =	simm.s32 $0x1B8E;
	s24 =	sld [smem:$0x3FFE];
	[sflag:s23] =	ssyncadd.s32 $0xFFFFFFFF  }
0xac: {  	s26 =	simm.s32 $execute0_lowered;
	[smem:$0x3FD2] =	sst s25  }
0xad: {  	s8 =	sshll.u32 s26, $0x1;
	_ =	strace $0x80000046;
	[dreg:$0x1] =	wrdreg $0xFFFFFFFF  }
0xae: {  	s28 =	simm.s32 $_size_execute0_lowered;
	s6 =	sadd.s32 s6, s8;
	[dreg:$0x0] =	wrdreg $0x0  }
0xaf: {  	s8 =	sshll.u32 s28, $0x1;
	[dreg:$0x2] =	wrdreg s6  }
0xb0: {  	[dreg:$0x3] =	wrdreg s8  }
0xb1: {  	[dreg:$0x4] =	wrdreg $0xC0  }
0xb2: {  	_ =	task [dreg:s10], $0x5FFFF  }
0xb3: {  	[dreg:$0x1] =	wrdreg $0xFFFFFFFF  }
0xb4: {  	[dreg:$0x0] =	wrdreg $0x60  }
0xb5: {  	[dreg:$0x2] =	wrdreg s24  }
0xb6: {  	[dreg:$0x3] =	wrdreg s17  }
0xb7: {  	[dreg:$0x4] =	wrdreg s16  }
0xb8: {  	[dreg:$0x5] =	wrdreg s18  }
0xb9: {  	[dreg:$0x6] =	wrdreg s5  }
0xba: {  	[dreg:$0x7] =	wrdreg $0x9  }
0xbb: {  	_ =	task.clear_ibuf [dreg:s10], $0x8FFFF;
	_ =	strace $0x90000046  }
0xbc: {  	s29 =	simm.s32 $0x9;
	_ =	strace $0x80000048  }
0xbd: {  	_ =	swait.ge [sflag:s29], $0x1  }
0xbe: {  	[sflag:s29] =	ssyncadd.s32 $0xFFFFFFFF  }
0xbf: {  	_ =	strace $0x90000048  }
0xc0: {  	_ =	sfence  }
0xc1: {  	s30 =	sld [smem:$0x0];
	_ =	sdelay $0x2  }
0xc2: {  	s31 =	sshll.u32 s1, $0xD;
	s1 =	sshrl.u32 s1, $0x2  }
0xc3: {  	s3 =	sand.u32 $0x4000, s31;
	s1 =	sadd.s32 s1, s30  }
0xc4: {  	s0 =	sor.u32 s3, s0;
	s1 =	sshll.u32 s1, $0x11  }
0xc5: {  	s0 =	sor.u32 s1, s0  }
0xc6: {  	s0 =	sadd.s32 $0x8F2B, s0  }
0xc7: {  	[sflag:s0] =	ssyncadd.remote.s32 $0x1  }
0xc8: {  	_ =	sfence.sel $0xFFFF  }
0xc9: {  	[dreg:$0x0] =	wrdreg $0xFFFFFFFF;
	(pc) =	sbr.abs _section_cstart, $3  }
0xca: {  	[dreg:$0x1] =	wrdreg $0xFFFFFFFF  }
0xcb: {  	_ =	task.clear_ibuf [dreg:s10], $0x2FFFF;
	_ =	strace $0x9FFFFFFF  }
0xcc: {  	(tm) =	ssettm $0x7FFFFFFF  }
0xcd: {  	_ =	shalt  }
tec
execute0_lowered:
.L_overlay_start_1:
0x0: {  	(tag) =	ssettag $0x1  }
0x1: {  	v0 =	vimm.s32 $0x138F  }
0x2: {  	vm15 =	vcmask $0x300;
	vm14 =	vcmask $0x704;
	vm13 =	vcmask $0xB08  }
0x3: {  	vm12 =	vcmask $0xF0C;
	vm11 =	vcmask $0x1310;
	vm10 =	vcmask $0x1714  }
0x4: {  	vm9 =	vcmask $0x1B18;
	vm8 =	vcmask $0x1F1C;
	vm7 =	vcmask $0x2320  }
0x5: {  	vm6 =	vcmask $0x2724;
	vm4 =	vcmask $0x2B28;
	vm2 =	vcmask $0x2F2C  }
0x6: {  	v2 =	vimm.s32 $0xFEDCBA9;
	v3 =	vimm.s32 $0x87654321;
	vm3 =	vcmask $0x3330  }
0x7: {  	vm1 =	vcmask $0x3734;
	v4 =	vimm.s32 $0xF;
	vm5 =	vcmask $0x3B38  }
0x8: {  	v6 =	vimm.s32 $0x101F1E1D;
	vm0 =	vcmask $0x1F10;
	v10 =	vimm.s32 $0x8F  }
0x9: {  	v11 =	vimm.s32 $0x1D1C1B1A;
	v13 =	vimm.s32 $0x11101F1E;
	v15 =	vimm.s32 $0x210FEDCB  }
0xa: {  	v16 =	vimm.s32 $0xA9876543;
	v18 =	vimm.s32 $0x10F;
	v22 =	vimm.s32 $0x1211101F  }
0xb: {  	v24 =	vimm.s32 $0x1A191817;
	v26 =	vimm.s32 $0xBA987654;
	v33 =	vimm.s32 $0x1F1E1D1C  }
0xc: {  	v49 =	vimm.s32 $0x13121110;
	v34 =	vimm.s32 $0x17161514;
	v53 =	vimm.s32 $0x1B1A1918  }
0xd: {  	v37 =	vimm.s32 $0x20F;
	v40 =	vimm.s32 $0x43210FED;
	v41 =	vimm.s32 $0xCBA98765  }
0xe: {  	v44 =	vimm.s32 $0x28F;
	v60 =	vimm.s32 $0x543210FE;
	v0 =	vsel vm15, $0x0, v0  }
0xf: {  	v47 =	vimm.s32 $0xDCBA9876;
	v62 =	vimm.s32 $0x30F;
	v0 =	vsel vm14, $0x81, v0  }
0x10: {  	v63 =	vimm.s32 $0x6543210F;
	v2 =	vunpack.c.l.s4.s8 v2;
	v0 =	vsel vm13, $0x102, v0  }
0x11: {  	v3 =	vunpack.c.l.s4.s8 v3;
	v50 =	vunpack.c.0.s8.s32 v13;
	v0 =	vsel vm12, $0x183, v0  }
0x12: {  	v15 =	vunpack.c.l.s4.s8 v15;
	v16 =	vunpack.c.l.s4.s8 v16;
	v0 =	vsel vm11, $0x204, v0  }
0x13: {  	v18 =	vsel vm15, $0x180, v18;
	v29 =	vunpack.c.l.s4.s8 v26;
	v0 =	vsel vm10, $0x285, v0  }
0x14: {  	v37 =	vsel vm15, $0x280, v37;
	v40 =	vunpack.c.l.s4.s8 v40;
	v0 =	vsel vm9, $0x306, v0  }
0x15: {  	v41 =	vunpack.c.l.s4.s8 v41;
	v55 =	vsel vm15, $0x300, v44;
	v0 =	vsel vm8, $0x387, v0  }
0x16: {  	v47 =	vunpack.c.l.s4.s8 v47;
	v2 =	vunpack.c.0.s8.s32 v2;
	v0 =	vsel vm7, $0x1008, v0  }
0x17: {  	v5 =	vunpack.c.0.s8.s32 v3;
	v3 =	vsel vm15, $0x80, v4;
	v1 =	vsel vm6, $0x1089, v0  }
0x18: {  	v3 =	vsel vm14, $0x101, v3;
	v0 =	vlaneseq.u32;
	v1 =	vsel vm4, $0x110A, v1  }
0x19: {  	[tilespmem:$0x1FFA0] =	vst v5;
	v5 =	vcombine.low v5, v2;
	v4 =	vor.u32 $0x10, v0;
	v1 =	vsel vm2, $0x118B, v1  }
0x1a: {  	v3 =	vsel vm13, $0x182, v3;
	[tilespmem:$0x1FF80] =	vst v4;
	v4 =	vimm.s32 $0x1C1B1A19;
	v1 =	vsel vm3, $0x120C, v1  }
0x1b: {  	v7 =	vsel vm12, $0x203, v3;
	v3 =	vunpack.c.0.s8.s32 v4;
	v1 =	vsel vm1, $0x128D, v1  }
0x1c: {  	v4 =	vunpack.c.0.s8.s32 v6;
	v6 =	vsel vm11, $0x284, v7;
	v1 =	vsel vm5, $0x130E, v1  }
0x1d: {  	v18 =	vsel vm14, $0x201, v18;
	v37 =	vsel vm14, $0x301, v37;
	[tilespmem:$0x1FFB0] =	vst v1;
	v1 =	vsel vm10, $0x305, v6  }
0x1e: {  	[tilespmem:$0x1FF90] =	vst v2;
	v2 =	vand.u32 $0xF, v5;
	v5 =	vimm.s32 $0x14131211;
	v1 =	vsel vm9, $0x386, v1  }
0x1f: {  	v42 =	vunpack.c.0.s8.s32 v5;
	v5 =	vimm.s32 $0x10FEDCBA;
	v1 =	vsel vm8, $0x1007, v1  }
0x20: {  	v39 =	vsel vm13, $0x382, v37;
	v5 =	vunpack.c.l.s4.s8 v5;
	v1 =	vsel vm7, $0x1088, v1  }
0x21: {  	v18 =	vsel vm13, $0x282, v18;
	v39 =	vsel vm12, $0x1003, v39;
	v1 =	vsel vm6, $0x1109, v1  }
0x22: {  	v8 =	vunpack.c.0.s8.s32 v5;
	v5 =	vsel vm15, $0x100, v10;
	v1 =	vsel vm4, $0x118A, v1  }
0x23: {  	v39 =	vsel vm11, $0x1084, v39;
	v5 =	vsel vm14, $0x181, v5;
	v1 =	vsel vm2, $0x120B, v1  }
0x24: {  	v39 =	vsel vm10, $0x1105, v39;
	v5 =	vsel vm13, $0x202, v5;
	v1 =	vsel vm3, $0x128C, v1  }
0x25: {  	v39 =	vsel vm9, $0x1186, v39;
	v14 =	vsel vm12, $0x283, v5;
	v1 =	vsel vm1, $0x130D, v1  }
0x26: {  	v54 =	vsel vm8, $0x1207, v39;
	v13 =	vsel vm11, $0x304, v14;
	v1 =	vsel vm5, $0x138E, v1  }
0x27: {  	v39 =	vunpack.c.0.s8.s32 v41;
	v41 =	vsel vm14, $0x381, v55;
	[tilespmem:$0x1FFF0] =	vst v1;
	v1 =	vsel vm10, $0x385, v13  }
0x28: {  	v21 =	vsel vm12, $0x303, v18;
	v41 =	vsel vm13, $0x1002, v41;
	v1 =	vsel vm9, $0x1006, v1  }
0x29: {  	v58 =	vsel vm12, $0x1083, v41;
	v14 =	vimm.s32 $0x15141312;
	v1 =	vsel vm8, $0x1087, v1  }
0x2a: {  	v51 =	vunpack.c.0.s8.s32 v14;
	v14 =	vimm.s32 $0x19181716;
	v1 =	vsel vm7, $0x1108, v1  }
0x2b: {  	v59 =	vsel vm11, $0x1104, v58;
	v17 =	vsel vm6, $0x1189, v1;
	v1 =	vunpack.c.0.s8.s32 v14  }
0x2c: {  	v14 =	vunpack.c.0.s8.s32 v15;
	v15 =	vunpack.c.0.s8.s32 v16;
	v17 =	vsel vm4, $0x120A, v17  }
0x2d: {  	v44 =	vsel vm10, $0x1185, v59;
	v7 =	vimm.s32 $0x18171615;
	v17 =	vsel vm2, $0x128B, v17  }
0x2e: {  	v44 =	vsel vm9, $0x1206, v44;
	v20 =	vcombine.low v15, v14;
	v19 =	vsel vm3, $0x130C, v17  }
0x2f: {  	v45 =	vunpack.c.0.s8.s32 v7;
	v7 =	vimm.s32 $0x98765432;
	v19 =	vsel vm1, $0x138D, v19  }
0x30: {  	v18 =	vsel vm5, $0xE, v19;
	v19 =	vand.u32 $0xF, v20;
	v20 =	vsel vm11, $0x384, v21  }
0x31: {  	v5 =	vunpack.c.0.s8.s32 v11;
	v21 =	vimm.s32 $0x1E1D1C1B;
	v23 =	vsel vm10, $0x1005, v20  }
0x32: {  	v20 =	vunpack.c.0.s8.s32 v21;
	v21 =	vunpack.c.0.s8.s32 v22;
	v22 =	vsel vm9, $0x1086, v23  }
0x33: {  	v48 =	vsel vm8, $0x1287, v44;
	v23 =	vimm.s32 $0x16151413;
	v25 =	vsel vm8, $0x1107, v22  }
0x34: {  	v22 =	vunpack.c.0.s8.s32 v23;
	v23 =	vunpack.c.0.s8.s32 v24;
	v24 =	vsel vm7, $0x1188, v25  }
0x35: {  	v44 =	vunpack.c.0.s8.s32 v47;
	v47 =	vsel vm15, $0x380, v62;
	v24 =	vsel vm6, $0x1209, v24  }
0x36: {  	[tilespmem:$0x1FFC0] =	vst v2;
	v2 =	vsel vm0, v4, v3;
	v9 =	vunpack.c.l.s4.s8 v7;
	v27 =	vsel vm4, $0x128A, v24  }
0x37: {  	v30 =	vsel vm2, $0x130B, v27;
	v27 =	vunpack.c.0.s8.s32 v29;
	v29 =	vimm.s32 $0x18F  }
0x38: {  	v61 =	vsel vm7, $0x1308, v48;
	v48 =	vunpack.c.l.s4.s8 v63;
	v29 =	vsel vm15, $0x200, v29  }
0x39: {  	v7 =	vsel vm0, v45, v42;
	v42 =	vsel vm0, v42, v4;
	v32 =	vsel vm14, $0x281, v29  }
0x3a: {  	v45 =	vsel vm0, v3, v45;
	v3 =	vsel vm6, $0x1389, v61;
	v32 =	vsel vm13, $0x302, v32  }
0x3b: {  	[tilespmem:$0x1FFD0] =	vst v2;
	v9 =	vunpack.c.0.s8.s32 v9;
	v2 =	vcombine.low v7, v2;
	v32 =	vsel vm12, $0x383, v32  }
0x3c: {  	v3 =	vsel vm4, $0xA, v3;
	v48 =	vunpack.c.0.s8.s32 v48;
	v35 =	vsel vm11, $0x1004, v32  }
0x3d: {  	v3 =	vsel vm2, $0x8B, v3;
	v12 =	vcombine.low v9, v8;
	v52 =	vsel vm10, $0x1085, v35  }
0x3e: {  	v3 =	vsel vm3, $0x10C, v3;
	v13 =	vsel vm0, v50, v5;
	v36 =	vsel vm9, $0x1106, v52  }
0x3f: {  	v50 =	vsel vm0, v51, v50;
	v16 =	vsel vm0, v1, v51;
	v36 =	vsel vm8, $0x1187, v36  }
0x40: {  	v51 =	vsel vm0, v5, v1;
	v5 =	vimm.s32 $0xFEDCBA98;
	v38 =	vsel vm7, $0x1208, v36  }
0x41: {  	v3 =	vsel vm1, $0x18D, v3;
	v5 =	vunpack.c.l.s4.s8 v5;
	v38 =	vsel vm6, $0x1289, v38  }
0x42: {  	v12 =	vand.u32 $0xF, v12;
	v25 =	vimm.s32 $0x3210FEDC;
	v38 =	vsel vm4, $0x130A, v38  }
0x43: {  	v5 =	vunpack.c.0.s8.s32 v5;
	v28 =	vunpack.c.l.s4.s8 v25;
	v38 =	vsel vm2, $0x138B, v38  }
0x44: {  	v43 =	vsel vm3, $0xC, v38;
	v38 =	vunpack.c.0.s8.s32 v40;
	v40 =	vsel vm7, $0x1288, v54  }
0x45: {  	v17 =	vcombine.low v16, v13;
	v5 =	vand.u32 $0xF, v5;
	v40 =	vsel vm6, $0x1309, v40  }
0x46: {  	v26 =	vunpack.c.0.s8.s32 v28;
	v30 =	vsel vm3, $0x138C, v30;
	v46 =	vsel vm4, $0x138A, v40  }
0x47: {  	v43 =	vsel vm1, $0x8D, v43;
	v57 =	vsel vm2, $0xB, v46;
	v46 =	vunpack.c.l.s4.s8 v60  }
0x48: {  	v30 =	vsel vm1, $0xD, v30;
	v40 =	vsel vm5, $0x10E, v43;
	v43 =	vsel vm3, $0x8C, v57  }
0x49: {  	v31 =	vcombine.low v27, v26;
	v4 =	vsel vm1, $0x10D, v43;
	v43 =	vunpack.c.0.s8.s32 v46  }
0x4a: {  	v25 =	vsel vm0, v23, v22;
	v24 =	vsel vm0, v21, v20;
	v29 =	vsel vm5, $0x8E, v30  }
0x4b: {  	v30 =	vand.u32 $0xF, v31;
	v46 =	vsel vm5, $0x18E, v4;
	v4 =	vcombine.low v44, v43  }
0x4c: {  	v32 =	vunpack.c.0.s8.s32 v49;
	v49 =	vimm.s32 $0xEDCBA987;
	v52 =	vsel vm14, $0x1001, v47  }
0x4d: {  	v49 =	vunpack.c.l.s4.s8 v49;
	v47 =	vand.u32 $0xF, v4;
	v4 =	vsel vm13, $0x1082, v52  }
0x4e: {  	v31 =	vunpack.c.0.s8.s32 v33;
	v33 =	vunpack.c.0.s8.s32 v34;
	v4 =	vsel vm12, $0x1103, v4  }
0x4f: {  	v34 =	vunpack.c.0.s8.s32 v53;
	v49 =	vunpack.c.0.s8.s32 v49;
	v4 =	vsel vm11, $0x1184, v4  }
0x50: {  	v28 =	vcombine.low v25, v24;
	v35 =	vsel vm0, v32, v31;
	v4 =	vsel vm10, $0x1205, v4  }
0x51: {  	v36 =	vsel vm0, v34, v33;
	v53 =	vcombine.low v49, v48;
	v1 =	vsel vm9, $0x1286, v4  }
0x52: {  	v52 =	vsel vm5, $0x20E, v3;
	v3 =	vimm.s32 $0x38F;
	v1 =	vsel vm8, $0x1307, v1  }
0x53: {  	v3 =	vsel vm15, $0x1000, v3;
	v4 =	vimm.s32 $0x100F;
	v1 =	vsel vm7, $0x1388, v1  }
0x54: {  	v3 =	vsel vm14, $0x1081, v3;
	v4 =	vsel vm15, $0x1080, v4;
	v1 =	vsel vm6, $0x9, v1  }
0x55: {  	v3 =	vsel vm13, $0x1102, v3;
	v4 =	vsel vm14, $0x1101, v4;
	v1 =	vsel vm4, $0x8A, v1  }
0x56: {  	v3 =	vsel vm12, $0x1183, v3;
	v4 =	vsel vm13, $0x1182, v4;
	v1 =	vsel vm2, $0x10B, v1  }
0x57: {  	v3 =	vsel vm11, $0x1204, v3;
	v4 =	vsel vm12, $0x1203, v4;
	v1 =	vsel vm3, $0x18C, v1  }
0x58: {  	v3 =	vsel vm10, $0x1285, v3;
	v4 =	vsel vm11, $0x1284, v4;
	v1 =	vsel vm1, $0x20D, v1  }
0x59: {  	v54 =	vsel vm5, $0x28E, v1;
	v1 =	vsel vm9, $0x1306, v3;
	v3 =	vsel vm10, $0x1305, v4  }
0x5a: {  	v37 =	vcombine.low v36, v35;
	v1 =	vsel vm8, $0x1387, v1;
	v3 =	vsel vm9, $0x1386, v3  }
0x5b: {  	v53 =	vand.u32 $0xF, v53;
	v1 =	vsel vm7, $0x8, v1;
	v3 =	vsel vm8, $0x7, v3  }
0x5c: {  	v4 =	vimm.s32 $0x76543210;
	v1 =	vsel vm6, $0x89, v1;
	v3 =	vsel vm7, $0x88, v3  }
0x5d: {  	v4 =	vunpack.c.l.s4.s8 v4;
	v1 =	vsel vm4, $0x10A, v1;
	v3 =	vsel vm6, $0x109, v3  }
0x5e: {  	v56 =	vcombine.low v39, v38;
	v1 =	vsel vm2, $0x18B, v1;
	v3 =	vsel vm4, $0x18A, v3  }
0x5f: {  	v4 =	vunpack.c.0.s8.s32 v4;
	v1 =	vsel vm3, $0x20C, v1;
	v3 =	vsel vm2, $0x20B, v3  }
0x60: {  	v41 =	vand.u32 $0xF, v56;
	v1 =	vsel vm1, $0x28D, v1;
	v3 =	vsel vm3, $0x28C, v3  }
0x61: {  	v55 =	vcombine.low v5, v4;
	v56 =	vsel vm5, $0x30E, v1;
	v1 =	vsel vm1, $0x30D, v3  }
0x62: {  	v3 =	vimm.s32 $0x110F;
	v57 =	vsel vm5, $0x38E, v1;
	v1 =	vimm.s32 $0x108F  }
0x63: {  	v4 =	vimm.s32 $0x118F;
	v3 =	vsel vm15, $0x1180, v3;
	v1 =	vsel vm15, $0x1100, v1  }
0x64: {  	v4 =	vsel vm15, $0x1200, v4;
	v3 =	vsel vm14, $0x1201, v3;
	v1 =	vsel vm14, $0x1181, v1  }
0x65: {  	v4 =	vsel vm14, $0x1281, v4;
	v3 =	vsel vm13, $0x1282, v3;
	v1 =	vsel vm13, $0x1202, v1  }
0x66: {  	v4 =	vsel vm13, $0x1302, v4;
	v3 =	vsel vm12, $0x1303, v3;
	v1 =	vsel vm12, $0x1283, v1  }
0x67: {  	v4 =	vsel vm12, $0x1383, v4;
	v3 =	vsel vm11, $0x1384, v3;
	v1 =	vsel vm11, $0x1304, v1  }
0x68: {  	v4 =	vsel vm11, $0x4, v4;
	v3 =	vsel vm10, $0x5, v3;
	v1 =	vsel vm10, $0x1385, v1  }
0x69: {  	v4 =	vsel vm10, $0x85, v4;
	v3 =	vsel vm9, $0x86, v3;
	v1 =	vsel vm9, $0x6, v1  }
0x6a: {  	v4 =	vsel vm9, $0x106, v4;
	v3 =	vsel vm8, $0x107, v3;
	v1 =	vsel vm8, $0x87, v1  }
0x6b: {  	v4 =	vsel vm8, $0x187, v4;
	v3 =	vsel vm7, $0x188, v3;
	v1 =	vsel vm7, $0x108, v1  }
0x6c: {  	v4 =	vsel vm7, $0x208, v4;
	v3 =	vsel vm6, $0x209, v3;
	v1 =	vsel vm6, $0x189, v1  }
0x6d: {  	v4 =	vsel vm6, $0x289, v4;
	v3 =	vsel vm4, $0x28A, v3;
	v1 =	vsel vm4, $0x20A, v1  }
0x6e: {  	v4 =	vsel vm4, $0x30A, v4;
	v3 =	vsel vm2, $0x30B, v3;
	v1 =	vsel vm2, $0x28B, v1  }
0x6f: {  	v4 =	vsel vm2, $0x38B, v4;
	v3 =	vsel vm3, $0x38C, v3;
	v1 =	vsel vm3, $0x30C, v1  }
0x70: {  	v4 =	vsel vm3, $0x100C, v4;
	v3 =	vsel vm1, $0x100D, v3;
	v1 =	vsel vm1, $0x38D, v1  }
0x71: {  	v59 =	vsel vm5, $0x108E, v3;
	v58 =	vsel vm5, $0x100E, v1;
	v1 =	vsel vm1, $0x108D, v4  }
0x72: {  	v3 =	vimm.s32 $0x128F;
	v60 =	vsel vm5, $0x110E, v1;
	v1 =	vimm.s32 $0x120F  }
0x73: {  	v3 =	vsel vm15, $0x1300, v3;
	v4 =	vimm.s32 $0x130F;
	v1 =	vsel vm15, $0x1280, v1  }
0x74: {  	v3 =	vsel vm14, $0x1381, v3;
	v4 =	vsel vm15, $0x1380, v4;
	v1 =	vsel vm14, $0x1301, v1  }
0x75: {  	s10 =	rddreg [dreg:$0x0];
	v3 =	vsel vm13, $0x2, v3;
	v4 =	vsel vm14, $0x1, v4;
	v1 =	vsel vm13, $0x1382, v1  }
0x76: {  	s0 =	rddreg [dreg:$0x1];
	v3 =	vsel vm12, $0x83, v3;
	v4 =	vsel vm13, $0x82, v4;
	v1 =	vsel vm12, $0x3, v1  }
0x77: {  	s1 =	rddreg [dreg:$0x2];
	v3 =	vsel vm11, $0x104, v3;
	v4 =	vsel vm12, $0x103, v4;
	v1 =	vsel vm11, $0x84, v1  }
0x78: {  	s2 =	rddreg [dreg:$0x3];
	v3 =	vsel vm10, $0x185, v3;
	v4 =	vsel vm11, $0x184, v4;
	v1 =	vsel vm10, $0x105, v1  }
0x79: {  	s4 =	srdreg.scid;
	s3 =	stileid.u32;
	v3 =	vsel vm9, $0x206, v3;
	v4 =	vsel vm10, $0x205, v4;
	v1 =	vsel vm9, $0x186, v1  }
0x7a: {  	s5 =	rddreg [dreg:$0x4];
	s6 =	simm.s32 $0x0;
	s15 =	simm.s32 $0x4000;
	v3 =	vsel vm8, $0x287, v3;
	v4 =	vsel vm9, $0x286, v4;
	v1 =	vsel vm8, $0x207, v1  }
0x7b: {  	s16 =	simm.s32 $0x3;
	s17 =	simm.s32 $0x6400;
	s18 =	simm.s32 $0x1;
	v3 =	vsel vm7, $0x308, v3;
	v4 =	vsel vm8, $0x307, v4;
	v1 =	vsel vm7, $0x288, v1  }
0x7c: {  	s19 =	simm.s32 $0xE400;
	s20 =	simm.s32 $0x2;
	s21 =	simm.s32 $0x0;
	v3 =	vsel vm6, $0x389, v3;
	v4 =	vsel vm7, $0x388, v4;
	v1 =	vsel vm6, $0x309, v1  }
0x7d: {  	s9 =	sand.u32 $0x1, s4;
	s7 =	sshll.u32 s3, $0x1;
	[smem:$0x7FF] =	sst s6;
	v3 =	vsel vm4, $0x100A, v3;
	v4 =	vsel vm6, $0x1009, v4;
	v1 =	vsel vm4, $0x38A, v1  }
0x7e: {  	s8 =	sadd.s32 $0x7E400, s10;
	s12 =	sor.u32 s9, s7;
	s13 =	ssub.s32 $0x2, s9;
	v3 =	vsel vm2, $0x108B, v3;
	v4 =	vsel vm4, $0x108A, v4;
	v1 =	vsel vm2, $0x100B, v1  }
0x7f: {  	s9 =	sadd.s32 $0xE0000, s10;
	s7 =	sshll.u32 s12, $0x6;
	s14 =	sshrl.u32 s13, $0x1;
	v3 =	vsel vm3, $0x110C, v3;
	v4 =	vsel vm2, $0x110B, v4;
	v1 =	vsel vm3, $0x108C, v1  }
0x80: {  	s12 =	sshll.u32 s12, $0x9;
	s11 =	sadd.s32 s7, s10;
	s7 =	sadd.s32 $0x1C800, s10;
	v3 =	vsel vm1, $0x118D, v3;
	v4 =	vsel vm3, $0x118C, v4;
	v1 =	vsel vm1, $0x110D, v1  }
0x81: {  	s10 =	sadd.s32 $0x400000, s10;
	s13 =	ssub.s32 s13, s14;
	s14 =	simm.s32 $0x200;
	[tilespmem:$0x1FFE0] =	vst v2;
	v62 =	vsel vm5, $0x120E, v3;
	v61 =	vsel vm5, $0x118E, v1;
	v1 =	vsel vm1, $0x120D, v4  }
0x82: {  	s11 =	sadd.s32 $0x3800, s11;
	s13 =	smax.u32 s13, $0x1;
	_ =	strace $0x80000047;
	v3 =	vcombine.low v45, v42;
	v4 =	vcombine.low v51, v50;
	v63 =	vsel vm5, $0x128E, v1  }
.LBB2_1:
0x83: {  	[tilespmem:$0x16400] =	vst v0  }
0x84: {  	[tilespmem:$0x16420] =	vst v12  }
0x85: {  	[tilespmem:$0x16520] =	vst v17  }
0x86: {  	[tilespmem:$0x16620] =	vst v18  }
0x87: {  	[tilespmem:$0x16430] =	vst v19  }
0x88: {  	[tilespmem:$0x16530] =	vst v28  }
0x89: {  	[tilespmem:$0x16630] =	vst v29  }
0x8a: {  	[tilespmem:$0x16440] =	vst v30  }
0x8b: {  	[tilespmem:$0x16540] =	vst v37  }
0x8c: {  	[tilespmem:$0x16640] =	vst v40  }
0x8d: {  	[tilespmem:$0x16450] =	vst v41  }
0x8e: {  	[tilespmem:$0x16650] =	vst v46  }
0x8f: {  	[tilespmem:$0x16460] =	vst v47  }
0x90: {  	[tilespmem:$0x16660] =	vst v52  }
0x91: {  	[tilespmem:$0x16470] =	vst v53  }
0x92: {  	[tilespmem:$0x16670] =	vst v54  }
0x93: {  	[tilespmem:$0x16480] =	vst v55  }
0x94: {  	[tilespmem:$0x16680] =	vst v56  }
0x95: {  	[tilespmem:$0x16690] =	vst v57  }
0x96: {  	v1 =	vsel vm0, v22, v21;
	v5 =	vsel vm0, v20, v23;
	[tilespmem:$0x166A0] =	vst v58  }
0x97: {  	[tilespmem:$0x166B0] =	vst v59;
	v2 =	vcombine.low v5, v1;
	v1 =	vcombine.low v1, v5  }
0x98: {  	v11 =	vld [tilespmem:$0x1FFA0];
	[tilespmem:$0x166C0] =	vst v60  }
0x99: {  	v10 =	vsel vm0, v33, v32;
	v6 =	vsel vm0, v31, v34;
	[tilespmem:$0x165F0] =	vst v1;
	v1 =	vld [tilespmem:$0x1FF80]  }
0x9a: {  	[tilespmem:$0x166D0] =	vst v61;
	v6 =	vcombine.low v6, v10;
	v10 =	vld [tilespmem:$0x1FF90]  }
0x9b: {  	[tilespmem:$0x166E0] =	vst v62  }
0x9c: {  	[tilespmem:$0x166F0] =	vst v63  }
0x9d: {  	[tilespmem:$0x16580] =	vst v6;
	v6 =	vld [tilespmem:$0x1FFD0]  }
0x9e: {  	[tilespmem:$0x16500] =	vst v1;
	v1 =	vld [tilespmem:$0x1FFB0]  }
0x9f: {  	[tilespmem:$0x16550] =	vst v3;
	v10 =	vcombine.low v10, v11  }
0xa0: {  	[tilespmem:$0x16560] =	vst v4  }
0xa1: {  	[tilespmem:$0x16570] =	vst v2;
	v2 =	vand.u32 $0xF, v10  }
0xa2: {  	v6 =	vcombine.low v6, v7;
	v10 =	vcombine.low v8, v9;
	[tilespmem:$0x16490] =	vst v2  }
0xa3: {  	[tilespmem:$0x16600] =	vst v1;
	v1 =	vld [tilespmem:$0x1FFC0]  }
0xa4: {  	[tilespmem:$0x16590] =	vst v6;
	v2 =	vand.u32 $0xF, v10;
	v6 =	vcombine.low v13, v16;
	v10 =	vcombine.low v14, v15  }
0xa5: {  	[tilespmem:$0x164A0] =	vst v2  }
0xa6: {  	[tilespmem:$0x165A0] =	vst v6;
	v2 =	vand.u32 $0xF, v10  }
0xa7: {  	v6 =	vcombine.low v24, v25;
	v10 =	vcombine.low v26, v27;
	[tilespmem:$0x164B0] =	vst v2  }
0xa8: {  	[tilespmem:$0x16410] =	vst v1;
	v1 =	vld [tilespmem:$0x1FFE0]  }
0xa9: {  	[tilespmem:$0x165B0] =	vst v6;
	v2 =	vand.u32 $0xF, v10;
	v6 =	vcombine.low v35, v36;
	v10 =	vcombine.low v38, v39  }
0xaa: {  	[tilespmem:$0x164C0] =	vst v2  }
0xab: {  	[tilespmem:$0x165C0] =	vst v6;
	v2 =	vand.u32 $0xF, v10  }
0xac: {  	v6 =	vcombine.low v42, v45;
	v10 =	vcombine.low v43, v44;
	[tilespmem:$0x164D0] =	vst v2  }
0xad: {  	[tilespmem:$0x16510] =	vst v1;
	v1 =	vld [tilespmem:$0x1FFF0]  }
0xae: {  	[tilespmem:$0x165D0] =	vst v6;
	v2 =	vand.u32 $0xF, v10;
	v6 =	vcombine.low v50, v51;
	v10 =	vcombine.low v48, v49  }
0xaf: {  	[tilespmem:$0x164E0] =	vst v2  }
0xb0: {  	[tilespmem:$0x165E0] =	vst v6;
	v2 =	vand.u32 $0xF, v10  }
0xb1: {  	[tilespmem:$0x164F0] =	vst v2  }
0xb2: {  	[tilespmem:$0x16610] =	vst v1  }
0xb3: {  	[tilespmem:s6], [sflag:$0x3] =	stream.strided.gather [hbm4b:s11+s14], $0x6400, s15, s14, $0x38;
	[tilespmem:$0x16700] =	vst v63  }
0xb4: {  	_ =	swait.ge [sflag:s16], $0x6400  }
0xb5: {  	[sflag:s16] =	ssyncset.done $0x0  }
0xb6: {  	s23 =	simm.s32 $0x0;
	[sflag:s16] =	ssyncadd.s32 $0xFFFF9C00  }
0xb7: {  	[tilespmem:s17], [sflag:$0x1] =	stream.indirect.gather [hbm4b:s0+s14], $0x20, s6, s14, $0xb8;
	[tilespmem:$0x16700] =	vst v63  }
.LBB2_2:
0xb8: {  	p0 =	seq.s32 s23, $0xC7  }
.Ltmp0:
0xb9: {  	_ = 	snop;
	(pc) =	sbr.rel @p0 .LBB2_4-.Ltmp0, $2  }
0xba: {  	_ =	sdelay $0x2  }
0xbb: {  	s22 =	sadd.s32 $0x1, s23  }
0xbc: {  	s24 =	sand.u32 $0x3, s22  }
0xbd: {  	p0 =	sgt.s32 s24, $0x1  }
0xbe: {  	s28 =	smov.u32 s7;
	p1 =	seq.s32 @p0 s24, $0x2  }
0xbf: {  	s25 =	sshll.u32 s22, $0xE;
	p2 =	seq.s32 @!p0 s24, $0x0;
	p1 =	por !p1, !p0  }
0xc0: {  	s24 =	smov.u32 s0;
	s28 =	smov.u32 @p1 s8;
	p1 =	por !p2, p0  }
0xc1: {  	s26 =	sshll.u32 s22, $0x7;
	s25 =	sand.u32 $0x4000, s25;
	s24 =	smov.u32 @p1 s1  }
0xc2: {  	s26 =	sand.u32 $0x1FFFFE00, s26;
	s25 =	sadd.s32 $0x6400, s25;
	s24 =	smov.u32 @p0 s28  }
0xc3: {  	[tilespmem:s25], [sflag:$0x1] =	stream.indirect.gather [hbm4b:s24+s14], $0x20, s26, s14, $0xb8;
	[tilespmem:$0x16700] =	vst v63  }
.LBB2_4:
0xc4: {  	_ =	swait.ge [sflag:s18], $0x4000  }
0xc5: {  	p0 =	slt.u32 s23, $0x2;
	[sflag:s18] =	ssyncset.done $0x0  }
0xc6: {  	s24 =	simm.s32 @!p0 $0x2;
	[sflag:s18] =	ssyncadd.s32 $0xFFFFC000  }
0xc7: {  	_ =	swait.ge @!p0 [sflag:s24], $0x1000  }
0xc8: {  	[sflag:s24] =	ssyncset.done @!p0 $0x0  }
0xc9: {  	[sflag:s24] =	ssyncadd.s32 @!p0 $0xFFFFF000  }
0xca: {  	_ =	swait.ge @!p0 [sflag:s24], $0x1000  }
0xcb: {  	[sflag:s24] =	ssyncset.done @!p0 $0x0  }
0xcc: {  	[sflag:s24] =	ssyncadd.s32 @!p0 $0xFFFFF000  }
0xcd: {  	_ =	swait.ge @!p0 [sflag:s24], $0x1000  }
0xce: {  	[sflag:s24] =	ssyncset.done @!p0 $0x0  }
0xcf: {  	s25 =	sand.u32 $0x3, s23;
	[sflag:s24] =	ssyncadd.s32 @!p0 $0xFFFFF000  }
0xd0: {  	s28 =	sand.u32 $0x1, s23;
	s29 =	simm.s32 $0x0;
	_ =	swait.ge @!p0 [sflag:s24], $0x1000  }
0xd1: {  	s30 =	simm.s32 $0x0;
	s26 =	sshll.u32 s28, $0x9;
	[sflag:s24] =	ssyncset.done @!p0 $0x0  }
0xd2: {  	[sflag:s24] =	ssyncadd.s32 @!p0 $0xFFFFF000;
	s24 =	sshll.u32 s28, $0xE;
	s28 =	simm.s32 $0x0  }
.LBB2_5:
0xd3: {  	s31 =	sshrl.u32 s30, $0x3  }
0xd4: {  	v2 =	vld [tilespmem:$0x16400];
	s4 =	sshll.u32 s31, $0x7  }
0xd5: {  	s3 =	sand.u32 $0x70, s29;
	s4 =	sadd.s32 s26, s4  }
0xd6: {  	s4 =	sor.u32 s3, s4  }
0xd7: {  	v5 =	vmul.u32 $0x20, v0;
	v1 =	vmov s4  }
0xd8: {  	v1 =	vshll.u32 v1, $0x5  }
0xd9: {  	v6 =	vand.u32 $0xFFFFFFF8, v2;
	v1 =	vor.u32 v5, v1  }
0xda: {  	v2 =	vand.u32 $0x7, v2;
	v6 =	vadd.s32 v1, v6  }
0xdb: {  	v10 =	vld [tilespmem:$0x16600];
	v2 =	vor.u32 v2, v6;
	_ =	sdelay $0x1  }
0xdc: {  	s31 =	sshll.u32 s31, $0xA  }
0xdd: {  	s4 =	sadd.s32 s24, s31  }
0xde: {  	s4 =	sor.u32 s3, s4  }
0xdf: {  	v6 =	vadd.s32 s4, v10;
	v2 =	vld.idx.msk [tilespmem:v2+s17+$0x0], $0xffff;
	_ =	sdelay $0x4  }
0xe0: {  	[tilespmem:v6+s19+$0x0] =	vst.idx.msk $0xffff, v2  }
0xe1: {  	v2 =	vld [tilespmem:$0x16410];
	_ =	sdelay $0x4  }
0xe2: {  	v6 =	vand.u32 $0xFFFFFFF8, v2  }
0xe3: {  	v2 =	vand.u32 $0x7, v2;
	v6 =	vadd.s32 v1, v6  }
0xe4: {  	v10 =	vld [tilespmem:$0x16610];
	v2 =	vor.u32 v2, v6;
	_ =	sdelay $0x4  }
0xe5: {  	v6 =	vadd.s32 s4, v10;
	v2 =	vld.idx.msk [tilespmem:v2+s17+$0x0], $0xffff;
	_ =	sdelay $0x4  }
0xe6: {  	[tilespmem:v6+s19+$0x0] =	vst.idx.msk $0xffff, v2  }
0xe7: {  	v2 =	vld [tilespmem:$0x16420];
	_ =	sdelay $0x4  }
0xe8: {  	v6 =	vand.u32 $0xFFFFFFF8, v2  }
0xe9: {  	v2 =	vand.u32 $0x7, v2;
	v6 =	vadd.s32 v1, v6  }
0xea: {  	v10 =	vld [tilespmem:$0x16620];
	v2 =	vor.u32 v2, v6;
	_ =	sdelay $0x4  }
0xeb: {  	v6 =	vadd.s32 s4, v10;
	v2 =	vld.idx.msk [tilespmem:v2+s17+$0x0], $0xffff;
	_ =	sdelay $0x4  }
0xec: {  	[tilespmem:v6+s19+$0x0] =	vst.idx.msk $0xffff, v2  }
0xed: {  	v2 =	vld [tilespmem:$0x16430];
	_ =	sdelay $0x4  }
0xee: {  	v6 =	vand.u32 $0xFFFFFFF8, v2  }
0xef: {  	v2 =	vand.u32 $0x7, v2;
	v6 =	vadd.s32 v1, v6  }
0xf0: {  	v10 =	vld [tilespmem:$0x16630];
	v2 =	vor.u32 v2, v6;
	_ =	sdelay $0x4  }
0xf1: {  	v6 =	vadd.s32 s4, v10;
	v2 =	vld.idx.msk [tilespmem:v2+s17+$0x0], $0xffff;
	_ =	sdelay $0x4  }
0xf2: {  	[tilespmem:v6+s19+$0x0] =	vst.idx.msk $0xffff, v2  }
0xf3: {  	v2 =	vld [tilespmem:$0x16440];
	_ =	sdelay $0x4  }
0xf4: {  	v6 =	vand.u32 $0xFFFFFFF8, v2  }
0xf5: {  	v2 =	vand.u32 $0x7, v2;
	v6 =	vadd.s32 v1, v6  }
0xf6: {  	v10 =	vld [tilespmem:$0x16640];
	v2 =	vor.u32 v2, v6;
	_ =	sdelay $0x4  }
0xf7: {  	v6 =	vadd.s32 s4, v10;
	v2 =	vld.idx.msk [tilespmem:v2+s17+$0x0], $0xffff;
	_ =	sdelay $0x4  }
0xf8: {  	[tilespmem:v6+s19+$0x0] =	vst.idx.msk $0xffff, v2  }
0xf9: {  	v2 =	vld [tilespmem:$0x16450];
	_ =	sdelay $0x4  }
0xfa: {  	v6 =	vand.u32 $0xFFFFFFF8, v2  }
0xfb: {  	v2 =	vand.u32 $0x7, v2;
	v6 =	vadd.s32 v1, v6  }
0xfc: {  	v10 =	vld [tilespmem:$0x16650];
	v2 =	vor.u32 v2, v6;
	_ =	sdelay $0x4  }
0xfd: {  	v6 =	vadd.s32 s4, v10;
	v2 =	vld.idx.msk [tilespmem:v2+s17+$0x0], $0xffff;
	_ =	sdelay $0x4  }
0xfe: {  	[tilespmem:v6+s19+$0x0] =	vst.idx.msk $0xffff, v2  }
0xff: {  	v2 =	vld [tilespmem:$0x16460];
	_ =	sdelay $0x4  }
0x100: {  	v6 =	vand.u32 $0xFFFFFFF8, v2  }
0x101: {  	v2 =	vand.u32 $0x7, v2;
	v6 =	vadd.s32 v1, v6  }
0x102: {  	v10 =	vld [tilespmem:$0x16660];
	v2 =	vor.u32 v2, v6;
	_ =	sdelay $0x4  }
0x103: {  	v6 =	vadd.s32 s4, v10;
	v2 =	vld.idx.msk [tilespmem:v2+s17+$0x0], $0xffff;
	_ =	sdelay $0x4  }
0x104: {  	[tilespmem:v6+s19+$0x0] =	vst.idx.msk $0xffff, v2  }
0x105: {  	v2 =	vld [tilespmem:$0x16470];
	_ =	sdelay $0x4  }
0x106: {  	v6 =	vand.u32 $0xFFFFFFF8, v2  }
0x107: {  	v2 =	vand.u32 $0x7, v2;
	v6 =	vadd.s32 v1, v6  }
0x108: {  	v10 =	vld [tilespmem:$0x16670];
	v2 =	vor.u32 v2, v6;
	_ =	sdelay $0x4  }
0x109: {  	v6 =	vadd.s32 s4, v10;
	v2 =	vld.idx.msk [tilespmem:v2+s17+$0x0], $0xffff;
	_ =	sdelay $0x4  }
0x10a: {  	[tilespmem:v6+s19+$0x0] =	vst.idx.msk $0xffff, v2  }
0x10b: {  	v2 =	vld [tilespmem:$0x16480];
	_ =	sdelay $0x4  }
0x10c: {  	v6 =	vand.u32 $0xFFFFFFF8, v2  }
0x10d: {  	v2 =	vand.u32 $0x7, v2;
	v6 =	vadd.s32 v1, v6  }
0x10e: {  	v10 =	vld [tilespmem:$0x16680];
	v2 =	vor.u32 v2, v6;
	_ =	sdelay $0x4  }
0x10f: {  	v6 =	vadd.s32 s4, v10;
	v2 =	vld.idx.msk [tilespmem:v2+s17+$0x0], $0xffff;
	_ =	sdelay $0x4  }
0x110: {  	[tilespmem:v6+s19+$0x0] =	vst.idx.msk $0xffff, v2  }
0x111: {  	v2 =	vld [tilespmem:$0x16490];
	_ =	sdelay $0x4  }
0x112: {  	v6 =	vand.u32 $0xFFFFFFF8, v2  }
0x113: {  	v2 =	vand.u32 $0x7, v2;
	v6 =	vadd.s32 v1, v6  }
0x114: {  	v10 =	vld [tilespmem:$0x16690];
	v2 =	vor.u32 v2, v6;
	_ =	sdelay $0x4  }
0x115: {  	v6 =	vadd.s32 s4, v10;
	v2 =	vld.idx.msk [tilespmem:v2+s17+$0x0], $0xffff;
	_ =	sdelay $0x4  }
0x116: {  	[tilespmem:v6+s19+$0x0] =	vst.idx.msk $0xffff, v2  }
0x117: {  	v2 =	vld [tilespmem:$0x164A0];
	_ =	sdelay $0x4  }
0x118: {  	v6 =	vand.u32 $0xFFFFFFF8, v2  }
0x119: {  	v2 =	vand.u32 $0x7, v2;
	v6 =	vadd.s32 v1, v6  }
0x11a: {  	v10 =	vld [tilespmem:$0x166A0];
	v2 =	vor.u32 v2, v6;
	_ =	sdelay $0x4  }
0x11b: {  	v6 =	vadd.s32 s4, v10;
	v2 =	vld.idx.msk [tilespmem:v2+s17+$0x0], $0xffff;
	_ =	sdelay $0x4  }
0x11c: {  	[tilespmem:v6+s19+$0x0] =	vst.idx.msk $0xffff, v2  }
0x11d: {  	v2 =	vld [tilespmem:$0x164B0];
	_ =	sdelay $0x4  }
0x11e: {  	v6 =	vand.u32 $0xFFFFFFF8, v2  }
0x11f: {  	v2 =	vand.u32 $0x7, v2;
	v6 =	vadd.s32 v1, v6  }
0x120: {  	v10 =	vld [tilespmem:$0x166B0];
	v2 =	vor.u32 v2, v6;
	_ =	sdelay $0x4  }
0x121: {  	v6 =	vadd.s32 s4, v10;
	v2 =	vld.idx.msk [tilespmem:v2+s17+$0x0], $0xffff;
	_ =	sdelay $0x4  }
0x122: {  	[tilespmem:v6+s19+$0x0] =	vst.idx.msk $0xffff, v2  }
0x123: {  	v2 =	vld [tilespmem:$0x164C0];
	_ =	sdelay $0x4  }
0x124: {  	v6 =	vand.u32 $0xFFFFFFF8, v2  }
0x125: {  	v2 =	vand.u32 $0x7, v2;
	v6 =	vadd.s32 v1, v6  }
0x126: {  	v10 =	vld [tilespmem:$0x166C0];
	v2 =	vor.u32 v2, v6;
	_ =	sdelay $0x4  }
0x127: {  	v6 =	vadd.s32 s4, v10;
	v2 =	vld.idx.msk [tilespmem:v2+s17+$0x0], $0xffff;
	_ =	sdelay $0x4  }
0x128: {  	[tilespmem:v6+s19+$0x0] =	vst.idx.msk $0xffff, v2  }
0x129: {  	v2 =	vld [tilespmem:$0x164D0];
	_ =	sdelay $0x4  }
0x12a: {  	v6 =	vand.u32 $0xFFFFFFF8, v2  }
0x12b: {  	v2 =	vand.u32 $0x7, v2;
	v6 =	vadd.s32 v1, v6  }
0x12c: {  	v10 =	vld [tilespmem:$0x166D0];
	v2 =	vor.u32 v2, v6;
	_ =	sdelay $0x4  }
0x12d: {  	v6 =	vadd.s32 s4, v10;
	v2 =	vld.idx.msk [tilespmem:v2+s17+$0x0], $0xffff;
	_ =	sdelay $0x4  }
0x12e: {  	[tilespmem:v6+s19+$0x0] =	vst.idx.msk $0xffff, v2  }
0x12f: {  	v2 =	vld [tilespmem:$0x164E0];
	_ =	sdelay $0x4  }
0x130: {  	v6 =	vand.u32 $0xFFFFFFF8, v2  }
0x131: {  	v2 =	vand.u32 $0x7, v2;
	v6 =	vadd.s32 v1, v6  }
0x132: {  	v10 =	vld [tilespmem:$0x166E0];
	v2 =	vor.u32 v2, v6;
	_ =	sdelay $0x4  }
0x133: {  	v6 =	vadd.s32 s4, v10;
	v2 =	vld.idx.msk [tilespmem:v2+s17+$0x0], $0xffff;
	_ =	sdelay $0x4  }
0x134: {  	[tilespmem:v6+s19+$0x0] =	vst.idx.msk $0xffff, v2  }
0x135: {  	v2 =	vld [tilespmem:$0x164F0];
	_ =	sdelay $0x4  }
0x136: {  	v6 =	vand.u32 $0xFFFFFFF8, v2  }
0x137: {  	v2 =	vand.u32 $0x7, v2;
	v1 =	vadd.s32 v1, v6  }
0x138: {  	v6 =	vld [tilespmem:$0x166F0];
	v1 =	vor.u32 v2, v1;
	_ =	sdelay $0x4  }
0x139: {  	p0 =	sne.s32 s30, $0x1F;
	v2 =	vadd.s32 s4, v6;
	v1 =	vld.idx.msk [tilespmem:v1+s17+$0x0], $0xffff  }
.Ltmp1:
0x13a: {  	_ = 	snop;
	(pc) =	sbr.rel @p0 .LBB2_5-.Ltmp1, $2  }
0x13b: {  	_ =	sdelay $0x2  }
0x13c: {  	s29 =	sadd.s32 $0x10, s29;
	s30 =	sadd.s32 $0x1, s30;
	[tilespmem:v2+s19+$0x0] =	vst.idx.msk $0xffff, v1  }
0x13d: {  	s29 =	simm.s32 $0x0  }
.LBB2_7:
0x13e: {  	s3 =	sshrl.u32 s29, $0x3  }
0x13f: {  	v2 =	vld [tilespmem:$0x16500];
	s4 =	sshll.u32 s3, $0x7  }
0x140: {  	s30 =	sand.u32 $0x70, s28;
	s4 =	sadd.s32 s26, s4  }
0x141: {  	s4 =	sor.u32 s30, s4  }
0x142: {  	v1 =	vmov s4  }
0x143: {  	v1 =	vshll.u32 v1, $0x5  }
0x144: {  	v6 =	vand.u32 $0xFFFFFFF8, v2;
	v1 =	vor.u32 v5, v1  }
0x145: {  	v2 =	vand.u32 $0x7, v2;
	v6 =	vadd.s32 v1, v6  }
0x146: {  	v10 =	vld [tilespmem:$0x16600];
	v2 =	vor.u32 v2, v6  }
0x147: {  	s3 =	sshll.u32 s3, $0xA  }
0x148: {  	s3 =	sadd.s32 s24, s3  }
0x149: {  	s3 =	sor.u32 s30, s3  }
0x14a: {  	s30 =	sadd.s32 $0x2000, s3  }
0x14b: {  	v6 =	vadd.s32 s30, v10;
	v2 =	vld.idx.msk [tilespmem:v2+s17+$0x0], $0xffff;
	_ =	sdelay $0x4  }
0x14c: {  	[tilespmem:v6+s19+$0x0] =	vst.idx.msk $0xffff, v2  }
0x14d: {  	v2 =	vld [tilespmem:$0x16510];
	_ =	sdelay $0x4  }
0x14e: {  	v6 =	vand.u32 $0xFFFFFFF8, v2  }
0x14f: {  	v2 =	vand.u32 $0x7, v2;
	v6 =	vadd.s32 v1, v6  }
0x150: {  	v10 =	vld [tilespmem:$0x16610];
	v2 =	vor.u32 v2, v6;
	_ =	sdelay $0x4  }
0x151: {  	v6 =	vadd.s32 s30, v10;
	v2 =	vld.idx.msk [tilespmem:v2+s17+$0x0], $0xffff;
	_ =	sdelay $0x4  }
0x152: {  	[tilespmem:v6+s19+$0x0] =	vst.idx.msk $0xffff, v2  }
0x153: {  	v2 =	vld [tilespmem:$0x16520];
	_ =	sdelay $0x4  }
0x154: {  	v6 =	vand.u32 $0xFFFFFFF8, v2  }
0x155: {  	v2 =	vand.u32 $0x7, v2;
	v6 =	vadd.s32 v1, v6  }
0x156: {  	v10 =	vld [tilespmem:$0x16620];
	v2 =	vor.u32 v2, v6;
	_ =	sdelay $0x4  }
0x157: {  	v6 =	vadd.s32 s30, v10;
	v2 =	vld.idx.msk [tilespmem:v2+s17+$0x0], $0xffff;
	_ =	sdelay $0x4  }
0x158: {  	[tilespmem:v6+s19+$0x0] =	vst.idx.msk $0xffff, v2  }
0x159: {  	v2 =	vld [tilespmem:$0x16530];
	_ =	sdelay $0x4  }
0x15a: {  	v6 =	vand.u32 $0xFFFFFFF8, v2  }
0x15b: {  	v2 =	vand.u32 $0x7, v2;
	v6 =	vadd.s32 v1, v6  }
0x15c: {  	v10 =	vld [tilespmem:$0x16630];
	v2 =	vor.u32 v2, v6;
	_ =	sdelay $0x4  }
0x15d: {  	v6 =	vadd.s32 s30, v10;
	v2 =	vld.idx.msk [tilespmem:v2+s17+$0x0], $0xffff;
	_ =	sdelay $0x4  }
0x15e: {  	[tilespmem:v6+s19+$0x0] =	vst.idx.msk $0xffff, v2  }
0x15f: {  	v2 =	vld [tilespmem:$0x16540];
	_ =	sdelay $0x4  }
0x160: {  	v6 =	vand.u32 $0xFFFFFFF8, v2  }
0x161: {  	v2 =	vand.u32 $0x7, v2;
	v6 =	vadd.s32 v1, v6  }
0x162: {  	v10 =	vld [tilespmem:$0x16640];
	v2 =	vor.u32 v2, v6;
	_ =	sdelay $0x4  }
0x163: {  	v6 =	vadd.s32 s30, v10;
	v2 =	vld.idx.msk [tilespmem:v2+s17+$0x0], $0xffff;
	_ =	sdelay $0x4  }
0x164: {  	[tilespmem:v6+s19+$0x0] =	vst.idx.msk $0xffff, v2  }
0x165: {  	v2 =	vld [tilespmem:$0x16550];
	_ =	sdelay $0x4  }
0x166: {  	v6 =	vand.u32 $0xFFFFFFF8, v2  }
0x167: {  	v2 =	vand.u32 $0x7, v2;
	v6 =	vadd.s32 v1, v6  }
0x168: {  	v10 =	vld [tilespmem:$0x16650];
	v2 =	vor.u32 v2, v6;
	_ =	sdelay $0x4  }
0x169: {  	v6 =	vadd.s32 s30, v10;
	v2 =	vld.idx.msk [tilespmem:v2+s17+$0x0], $0xffff;
	_ =	sdelay $0x4  }
0x16a: {  	[tilespmem:v6+s19+$0x0] =	vst.idx.msk $0xffff, v2  }
0x16b: {  	v2 =	vld [tilespmem:$0x16560];
	_ =	sdelay $0x4  }
0x16c: {  	v6 =	vand.u32 $0xFFFFFFF8, v2  }
0x16d: {  	v2 =	vand.u32 $0x7, v2;
	v6 =	vadd.s32 v1, v6  }
0x16e: {  	v10 =	vld [tilespmem:$0x16660];
	v2 =	vor.u32 v2, v6;
	_ =	sdelay $0x4  }
0x16f: {  	v6 =	vadd.s32 s30, v10;
	v2 =	vld.idx.msk [tilespmem:v2+s17+$0x0], $0xffff;
	_ =	sdelay $0x4  }
0x170: {  	[tilespmem:v6+s19+$0x0] =	vst.idx.msk $0xffff, v2  }
0x171: {  	v2 =	vld [tilespmem:$0x16570];
	_ =	sdelay $0x4  }
0x172: {  	v6 =	vand.u32 $0xFFFFFFF8, v2  }
0x173: {  	v2 =	vand.u32 $0x7, v2;
	v6 =	vadd.s32 v1, v6  }
0x174: {  	v10 =	vld [tilespmem:$0x16670];
	v2 =	vor.u32 v2, v6;
	_ =	sdelay $0x4  }
0x175: {  	v6 =	vadd.s32 s30, v10;
	v2 =	vld.idx.msk [tilespmem:v2+s17+$0x0], $0xffff;
	_ =	sdelay $0x4  }
0x176: {  	[tilespmem:v6+s19+$0x0] =	vst.idx.msk $0xffff, v2  }
0x177: {  	v2 =	vld [tilespmem:$0x16580];
	_ =	sdelay $0x4  }
0x178: {  	v6 =	vand.u32 $0xFFFFFFF8, v2  }
0x179: {  	v2 =	vand.u32 $0x7, v2;
	v6 =	vadd.s32 v1, v6  }
0x17a: {  	v10 =	vld [tilespmem:$0x16680];
	v2 =	vor.u32 v2, v6;
	_ =	sdelay $0x4  }
0x17b: {  	v6 =	vadd.s32 s30, v10;
	v2 =	vld.idx.msk [tilespmem:v2+s17+$0x0], $0xffff;
	_ =	sdelay $0x4  }
0x17c: {  	[tilespmem:v6+s19+$0x0] =	vst.idx.msk $0xffff, v2  }
0x17d: {  	v2 =	vld [tilespmem:$0x16590];
	_ =	sdelay $0x4  }
0x17e: {  	v6 =	vand.u32 $0xFFFFFFF8, v2  }
0x17f: {  	v2 =	vand.u32 $0x7, v2;
	v6 =	vadd.s32 v1, v6  }
0x180: {  	v10 =	vld [tilespmem:$0x16690];
	v2 =	vor.u32 v2, v6;
	_ =	sdelay $0x4  }
0x181: {  	v6 =	vadd.s32 s30, v10;
	v2 =	vld.idx.msk [tilespmem:v2+s17+$0x0], $0xffff;
	_ =	sdelay $0x4  }
0x182: {  	[tilespmem:v6+s19+$0x0] =	vst.idx.msk $0xffff, v2  }
0x183: {  	v2 =	vld [tilespmem:$0x165A0];
	_ =	sdelay $0x4  }
0x184: {  	v6 =	vand.u32 $0xFFFFFFF8, v2  }
0x185: {  	v2 =	vand.u32 $0x7, v2;
	v6 =	vadd.s32 v1, v6  }
0x186: {  	v10 =	vld [tilespmem:$0x166A0];
	v2 =	vor.u32 v2, v6;
	_ =	sdelay $0x4  }
0x187: {  	v6 =	vadd.s32 s30, v10;
	v2 =	vld.idx.msk [tilespmem:v2+s17+$0x0], $0xffff;
	_ =	sdelay $0x4  }
0x188: {  	[tilespmem:v6+s19+$0x0] =	vst.idx.msk $0xffff, v2  }
0x189: {  	v2 =	vld [tilespmem:$0x165B0];
	_ =	sdelay $0x4  }
0x18a: {  	v6 =	vand.u32 $0xFFFFFFF8, v2  }
0x18b: {  	v2 =	vand.u32 $0x7, v2;
	v6 =	vadd.s32 v1, v6  }
0x18c: {  	v10 =	vld [tilespmem:$0x166B0];
	v2 =	vor.u32 v2, v6;
	_ =	sdelay $0x4  }
0x18d: {  	v6 =	vadd.s32 s30, v10;
	v2 =	vld.idx.msk [tilespmem:v2+s17+$0x0], $0xffff;
	_ =	sdelay $0x4  }
0x18e: {  	[tilespmem:v6+s19+$0x0] =	vst.idx.msk $0xffff, v2  }
0x18f: {  	v2 =	vld [tilespmem:$0x165C0];
	_ =	sdelay $0x4  }
0x190: {  	v6 =	vand.u32 $0xFFFFFFF8, v2  }
0x191: {  	v2 =	vand.u32 $0x7, v2;
	v6 =	vadd.s32 v1, v6  }
0x192: {  	v10 =	vld [tilespmem:$0x166C0];
	v2 =	vor.u32 v2, v6;
	_ =	sdelay $0x4  }
0x193: {  	v6 =	vadd.s32 s30, v10;
	v2 =	vld.idx.msk [tilespmem:v2+s17+$0x0], $0xffff;
	_ =	sdelay $0x4  }
0x194: {  	[tilespmem:v6+s19+$0x0] =	vst.idx.msk $0xffff, v2  }
0x195: {  	v2 =	vld [tilespmem:$0x165D0];
	_ =	sdelay $0x4  }
0x196: {  	v6 =	vand.u32 $0xFFFFFFF8, v2  }
0x197: {  	v2 =	vand.u32 $0x7, v2;
	v6 =	vadd.s32 v1, v6  }
0x198: {  	v10 =	vld [tilespmem:$0x166D0];
	v2 =	vor.u32 v2, v6;
	_ =	sdelay $0x4  }
0x199: {  	v6 =	vadd.s32 s30, v10;
	v2 =	vld.idx.msk [tilespmem:v2+s17+$0x0], $0xffff;
	_ =	sdelay $0x4  }
0x19a: {  	[tilespmem:v6+s19+$0x0] =	vst.idx.msk $0xffff, v2  }
0x19b: {  	v2 =	vld [tilespmem:$0x165E0];
	_ =	sdelay $0x4  }
0x19c: {  	v6 =	vand.u32 $0xFFFFFFF8, v2  }
0x19d: {  	v2 =	vand.u32 $0x7, v2;
	v6 =	vadd.s32 v1, v6  }
0x19e: {  	v10 =	vld [tilespmem:$0x166E0];
	v2 =	vor.u32 v2, v6;
	_ =	sdelay $0x4  }
0x19f: {  	v6 =	vadd.s32 s30, v10;
	v2 =	vld.idx.msk [tilespmem:v2+s17+$0x0], $0xffff;
	_ =	sdelay $0x4  }
0x1a0: {  	[tilespmem:v6+s19+$0x0] =	vst.idx.msk $0xffff, v2  }
0x1a1: {  	v2 =	vld [tilespmem:$0x165F0];
	_ =	sdelay $0x4  }
0x1a2: {  	v6 =	vand.u32 $0xFFFFFFF8, v2  }
0x1a3: {  	v2 =	vand.u32 $0x7, v2;
	v1 =	vadd.s32 v1, v6  }
0x1a4: {  	v6 =	vld [tilespmem:$0x166F0];
	v1 =	vor.u32 v2, v1;
	_ =	sdelay $0x4  }
0x1a5: {  	p0 =	sne.s32 s29, $0x1F;
	v2 =	vadd.s32 s30, v6;
	v1 =	vld.idx.msk [tilespmem:v1+s17+$0x0], $0xffff  }
.Ltmp2:
0x1a6: {  	_ = 	snop;
	(pc) =	sbr.rel @p0 .LBB2_7-.Ltmp2, $2  }
0x1a7: {  	_ =	sdelay $0x2  }
0x1a8: {  	s28 =	sadd.s32 $0x10, s28;
	s29 =	sadd.s32 $0x1, s29;
	[tilespmem:v2+s19+$0x0] =	vst.idx.msk $0xffff, v1  }
0x1a9: {  	p0 =	sgt.s32 s25, $0x1  }
0x1aa: {  	s3 =	smov.u32 s9;
	p1 =	seq.s32 @p0 s25, $0x2;
	p2 =	seq.s32 @!p0 s25, $0x0  }
0x1ab: {  	s4 =	smov.u32 s2;
	p1 =	por !p1, !p0;
	p2 =	por !p2, p0  }
0x1ac: {  	s23 =	sshll.u32 s23, $0xE;
	s3 =	smov.u32 @p1 s10;
	s4 =	smov.u32 @p2 s5  }
0x1ad: {  	s23 =	sand.u32 $0x7FFF0000, s23;
	s4 =	smov.u32 @p0 s3  }
0x1ae: {  	s3 =	sadd.s32 s4, s23  }
0x1af: {  	s25 =	sadd.s32 $0xE400, s24;
	s3 =	sadd.s32 s12, s3  }
0x1b0: {  	[hbm4b:s3+s6] =	stream.linear.scatter [tilespmem:s25], [sflag:$0x2], $0x1000, $0x38;
	[tilespmem:$0x16700] =	vst v63  }
0x1b1: {  	s26 =	sadd.s32 $0xF400, s24;
	p0 =	sne.s32 s22, $0xC8;
	s28 =	sadd.s32 $0x4000, s3  }
0x1b2: {  	[hbm4b:s28+s6] =	stream.linear.scatter [tilespmem:s26], [sflag:$0x2], $0x1000, $0x38;
	[tilespmem:$0x16700] =	vst v63  }
.Ltmp3:
0x1b3: {  	_ = 	snop;
	(pc) =	sbr.rel @p0 .LBB2_2-.Ltmp3, $4  }
0x1b4: {  	s30 =	sadd.s32 $0x10400, s24;
	s29 =	sadd.s32 $0x8000, s3  }
0x1b5: {  	[hbm4b:s29+s6] =	stream.linear.scatter [tilespmem:s30], [sflag:$0x2], $0x1000, $0x38;
	[tilespmem:$0x16700] =	vst v63  }
0x1b6: {  	s31 =	sadd.s32 $0x11400, s24;
	s23 =	smov.u32 s22;
	s3 =	sadd.s32 $0xC000, s3  }
0x1b7: {  	[hbm4b:s3+s6] =	stream.linear.scatter [tilespmem:s31], [sflag:$0x2], $0x1000, $0x38;
	[tilespmem:$0x16700] =	vst v63  }
0x1b8: {  	_ =	swait.ge [sflag:s20], $0x1000  }
0x1b9: {  	[sflag:s20] =	ssyncset.done $0x0  }
0x1ba: {  	[sflag:s20] =	ssyncadd.s32 $0xFFFFF000  }
0x1bb: {  	_ =	swait.ge [sflag:s20], $0x1000  }
0x1bc: {  	[sflag:s20] =	ssyncset.done $0x0  }
0x1bd: {  	[sflag:s20] =	ssyncadd.s32 $0xFFFFF000  }
0x1be: {  	_ =	swait.ge [sflag:s20], $0x1000  }
0x1bf: {  	[sflag:s20] =	ssyncset.done $0x0  }
0x1c0: {  	[sflag:s20] =	ssyncadd.s32 $0xFFFFF000  }
0x1c1: {  	_ =	swait.ge [sflag:s20], $0x1000  }
0x1c2: {  	[sflag:s20] =	ssyncset.done $0x0  }
0x1c3: {  	[sflag:s20] =	ssyncadd.s32 $0xFFFFF000  }
0x1c4: {  	_ =	swait.ge [sflag:s20], $0x1000  }
0x1c5: {  	[sflag:s20] =	ssyncset.done $0x0  }
0x1c6: {  	[sflag:s20] =	ssyncadd.s32 $0xFFFFF000  }
0x1c7: {  	_ =	swait.ge [sflag:s20], $0x1000  }
0x1c8: {  	[sflag:s20] =	ssyncset.done $0x0  }
0x1c9: {  	s21 =	sadd.s32 $0x1, s21;
	[sflag:s20] =	ssyncadd.s32 $0xFFFFF000  }
0x1ca: {  	p0 =	sne.s32 s21, s13;
	_ =	swait.ge [sflag:s20], $0x1000  }
.Ltmp4:
0x1cb: {  	[sflag:s20] =	ssyncset.done $0x0;
	(pc) =	sbr.rel @p0 .LBB2_1-.Ltmp4, $4  }
0x1cc: {  	[sflag:s20] =	ssyncadd.s32 $0xFFFFF000  }
0x1cd: {  	_ =	swait.ge [sflag:s20], $0x1000  }
0x1ce: {  	[sflag:s20] =	ssyncset.done $0x0  }
0x1cf: {  	[sflag:s20] =	ssyncadd.s32 $0xFFFFF000  }
0x1d0: {  	_ =	sfence.sel $0x180000  }
0x1d1: {  	[bflag:$0x0] =	sbarrier.arrive $0xFFFF  }
0x1d2: {  	_ =	strace $0x90000047  }
0x1d3: {  	s0 =	stileid.u32;
	[bflag:$0x2] =	sbarrier.arrive $0xFFFF  }
0x1d4: {  	p0 =	sne.s32 s0, $0x0;
	s0 =	rddreg [dreg:$0x5]  }
0x1d5: {  	s0 =	sadd.s32 @!p0 $0x100000, s0  }
0x1d6: {  	[sflag:s0] =	ssyncadd.tile.s32 @!p0 $0x1;
	_ =	shalt  }
.Lfunc_end2:
_tile_overlayer_lowered:
.L_overlay_start_2:
0x1d7: {  	(tag) =	ssettag $0x2  }
0x1d8: {  	s0 =	rddreg [dreg:$0x0];
	s2 =	stileid.u32  }
0x1d9: {  	s1 =	rddreg [dreg:$0x1];
	p0 =	sne.s32 s2, $0x0  }
0x1da: {  	s3 =	rddreg [dreg:$0x2];
	[bflag:$0x3] =	sbarrier.arrive $0xFFFF;
	s2 =	simm.s32 @!p0 $0x1C03  }
0x1db: {  	[timem:s3], [sflag:s2] =	dma.local @!p0 [hbm:s0], s1  }
0x1dc: {  	s0 =	simm.s32 @!p0 $0x3  }
0x1dd: {  	_ =	swait.ge @!p0 [sflag:s0], s1  }
0x1de: {  	s1 =	ssub.s32 @!p0 $0x0, s1;
	[sflag:s0] =	ssyncset.done @!p0 $0x0  }
0x1df: {  	[sflag:s0] =	ssyncadd.s32 @!p0 s1  }
0x1e0: {  	[bflag:$0x3] =	sbarrier.arrive $0xFFFF  }
0x1e1: {  	_ =	shalt  }

</sc_bundles>
